<compile_context>
chip_gen: v7x
topology: tpu7x:2x2x1
jax: 0.10.2.dev20260603
libtpu: 0.0.44.dev20260713+nightly
codegen_flags: <defaults>
</compile_context>

<pallas_src>
import jax
import jax.numpy as jnp
from jax import lax
from jax.experimental import pallas as pl
from jax.experimental.pallas import tpu as pltpu
from jax.experimental.pallas import tpu_sc as plsc

A = 32736
AP = 32768
M = 100
MP = 128
B = 8
NC = 2
NS = 16
L = 16
CH = AP // NS
G = CH // L
MT = 104
T = 4096
NT = AP // T
IOU_T = 0.3
BIG = 1 << 30

f32 = jnp.float32
i32 = jnp.int32


def _tc_body(an_ref, bb_ref, rm_ref, ra_ref, cm_ref, ca_ref):
    k = pl.program_id(1)
    tcol = lax.broadcasted_iota(i32, (MT, T), 0)
    aid = lax.broadcasted_iota(i32, (MT, T), 1) + k * T

    acx = an_ref[0, :]
    acy = an_ref[1, :]
    aw = an_ref[2, :]
    ah = an_ref[3, :]
    ax1 = acx - aw / 2.0
    ay1 = acy - ah / 2.0
    ax2 = acx + aw / 2.0
    ay2 = acy + ah / 2.0
    area_a = (ax2 - ax1) * (ay2 - ay1)

    bx1 = bb_ref[0, 0, :, :]
    by1 = bb_ref[0, 1, :, :]
    bx2 = bb_ref[0, 2, :, :]
    by2 = bb_ref[0, 3, :, :]
    area_b = (bx2 - bx1) * (by2 - by1)

    def row(v):
        return jnp.broadcast_to(v[None, :], (MT, T))

    def col(v):
        return jnp.broadcast_to(v, (MT, T))

    ltx = jnp.maximum(row(ax1), col(bx1))
    lty = jnp.maximum(row(ay1), col(by1))
    rbx = jnp.minimum(row(ax2), col(bx2))
    rby = jnp.minimum(row(ay2), col(by2))
    ww = jnp.maximum(rbx - ltx, 0.0)
    hh = jnp.maximum(rby - lty, 0.0)
    inter = ww * hh
    uni = (row(area_a) + col(area_b)) - inter
    iou = inter / uni
    iou = jnp.where(tcol < M, iou, -1.0)

    rm = jnp.max(iou, axis=0)
    ra = jnp.min(jnp.where(iou == rm[None, :], tcol, BIG), axis=0)
    rm_ref[0, 0, 0, :] = rm
    ra_ref[0, 0, 0, :] = ra

    cmt = jnp.max(iou, axis=1, keepdims=True)
    cat = jnp.min(jnp.where(iou == cmt, aid, BIG), axis=1, keepdims=True)
    prev_cm = jnp.where(k == 0, -2.0, cm_ref[0, :, :])
    prev_ca = jnp.where(k == 0, BIG, ca_ref[0, :, :])
    upd = cmt > prev_cm
    eq = cmt == prev_cm
    cm_ref[0, :, :] = jnp.maximum(prev_cm, cmt)
    ca_ref[0, :, :] = jnp.where(upd, cat,
                                jnp.where(eq, jnp.minimum(prev_ca, cat),
                                          prev_ca))


def _sc_body(rm_hbm, ra_hbm, cm_hbm, ca_hbm, bb_hbm, lab_hbm,
             sc_hbm, obb_hbm, *scr):
    sets = (scr[0:9], scr[9:18])
    m_den, scb, bb2, sem = scr[18:]
    c = lax.axis_index("c")
    s = lax.axis_index("s")
    base = s * CH
    iota = lax.iota(i32, L)

    def fire(i, refs):
        r_iou, r_arg, m_iou, m_id, bx1, by1, bx2, by2, labv = refs
        b = c * (B // NC) + i
        return [
            pltpu.async_copy(rm_hbm.at[b, pl.ds(base, CH)], r_iou, sem),
            pltpu.async_copy(ra_hbm.at[b, pl.ds(base, CH)], r_arg, sem),
            pltpu.async_copy(cm_hbm.at[b, :], m_iou, sem),
            pltpu.async_copy(ca_hbm.at[b, :], m_id, sem),
            pltpu.async_copy(bb_hbm.at[b, 0, :], bx1, sem),
            pltpu.async_copy(bb_hbm.at[b, 1, :], by1, sem),
            pltpu.async_copy(bb_hbm.at[b, 2, :], bx2, sem),
            pltpu.async_copy(bb_hbm.at[b, 3, :], by2, sem),
            pltpu.async_copy(lab_hbm.at[b, :], labv, sem),
        ]

    def compute(i, refs):
        r_iou, r_arg, m_iou, m_id, bx1, by1, bx2, by2, labv = refs
        b = c * (B // NC) + i

        def den_body(tg, _):
            sl = pl.ds(tg * L, L)
            m_den[sl] = jnp.maximum(m_iou[sl], IOU_T)
            return 0

        lax.fori_loop(0, MP // L, den_body, 0)

        def ow_body(t, _):
            tsl16 = pl.ds(t, L)
            ai = m_id[tsl16][0]
            off = ai - base
            inr = (off >= 0) & (off < CH)
            offc = jnp.clip(off, 0, CH - 1)
            mk = lax.bitwise_and(iota == 0, jnp.broadcast_to(inr, (L,)))
            iv = jnp.broadcast_to(offc, (L,)).astype(i32)
            plsc.store_scatter(r_iou, [iv],
                               jnp.broadcast_to(m_iou[tsl16][0], (L,)),
                               mask=mk)
            plsc.store_scatter(r_arg, [iv],
                               jnp.broadcast_to(t, (L,)).astype(i32), mask=mk)
            return 0

        lax.fori_loop(0, M, ow_body, 0)

        def fin_body(g, _):
            gs = g * L
            sl = pl.ds(gs, L)
            mi = r_iou[sl]
            bidx = r_arg[sl]
            den = plsc.load_gather(m_den, [bidx])
            lv = plsc.load_gather(labv, [bidx])
            mia = jnp.where(mi < IOU_T * 0.5, 0.0, mi)
            scv = mia / den
            scv = jnp.where(lv <= 0, jnp.zeros((L,), f32), scv)
            scb[sl] = scv
            rows4 = (jnp.broadcast_to(gs, (L,)).astype(i32) + iota) * 4
            for j, ref in enumerate((bx1, by1, bx2, by2)):
                bbj = plsc.load_gather(ref, [bidx])
                plsc.store_scatter(bb2, [rows4 + j], bbj)
            return 0

        lax.fori_loop(0, G, fin_body, 0)

        o1 = pltpu.async_copy(scb, sc_hbm.at[b, pl.ds(base, CH)], sem)
        o2 = pltpu.async_copy(bb2, obb_hbm.at[b, pl.ds(base * 4, CH * 4)],
                              sem)
        return o1, o2

    nimg = B // NC
    pend = fire(0, sets[0])
    outs = None
    for i in range(nimg):
        for cp in pend:
            cp.wait()
        if i + 1 < nimg:
            pend = fire(i + 1, sets[(i + 1) % 2])
        if outs is not None:
            outs[0].wait()
            outs[1].wait()
        outs = compute(i, sets[i % 2])
    outs[0].wait()
    outs[1].wait()


@jax.jit
def kernel(labels, bboxes, anchors):
    labp = jnp.pad(labels.astype(i32), ((0, 0), (0, MP - M)))
    bb_soa = jnp.transpose(jnp.pad(bboxes, ((0, 0), (0, MP - M), (0, 0))),
                           (0, 2, 1))
    bbT = bb_soa[:, :, :MT, None]
    anp = jnp.transpose(jnp.pad(anchors, ((0, AP - A), (0, 0))), (1, 0))

    rm, ra, cm, ca = pl.pallas_call(
        _tc_body,
        grid=(B, NT),
        in_specs=[
            pl.BlockSpec((4, T), lambda b, k: (0, k)),
            pl.BlockSpec((1, 4, MT, 1), lambda b, k: (b, 0, 0, 0)),
        ],
        out_specs=[
            pl.BlockSpec((1, 1, 1, T), lambda b, k: (b, k, 0, 0)),
            pl.BlockSpec((1, 1, 1, T), lambda b, k: (b, k, 0, 0)),
            pl.BlockSpec((1, MT, 1), lambda b, k: (b, 0, 0)),
            pl.BlockSpec((1, MT, 1), lambda b, k: (b, 0, 0)),
        ],
        out_shape=[
            jax.ShapeDtypeStruct((B, NT, 1, T), f32),
            jax.ShapeDtypeStruct((B, NT, 1, T), i32),
            jax.ShapeDtypeStruct((B, MT, 1), f32),
            jax.ShapeDtypeStruct((B, MT, 1), i32),
        ],
    )(anp, bbT)

    rm = rm.reshape(B, AP)
    ra = ra.reshape(B, AP)
    cm = jnp.pad(cm.reshape(B, MT), ((0, 0), (0, MP - MT)))
    ca = jnp.pad(ca.reshape(B, MT), ((0, 0), (0, MP - MT)))

    mesh = plsc.VectorSubcoreMesh(core_axis_name="c", subcore_axis_name="s",
                                  num_cores=NC, num_subcores=NS)
    run = pl.kernel(
        _sc_body,
        out_type=[jax.ShapeDtypeStruct((B, AP), f32),
                  jax.ShapeDtypeStruct((B, AP * 4), f32)],
        mesh=mesh,
        compiler_params=pltpu.CompilerParams(needs_layout_passes=False),
        scratch_types=[
            pltpu.VMEM((CH,), f32),
            pltpu.VMEM((CH,), i32),
            pltpu.VMEM((MP,), f32),
            pltpu.VMEM((MP,), i32),
            pltpu.VMEM((MP,), f32),
            pltpu.VMEM((MP,), f32),
            pltpu.VMEM((MP,), f32),
            pltpu.VMEM((MP,), f32),
            pltpu.VMEM((MP,), i32),
            pltpu.VMEM((CH,), f32),
            pltpu.VMEM((CH,), i32),
            pltpu.VMEM((MP,), f32),
            pltpu.VMEM((MP,), i32),
            pltpu.VMEM((MP,), f32),
            pltpu.VMEM((MP,), f32),
            pltpu.VMEM((MP,), f32),
            pltpu.VMEM((MP,), f32),
            pltpu.VMEM((MP,), i32),
            pltpu.VMEM((MP,), f32),
            pltpu.VMEM((CH,), f32),
            pltpu.VMEM((CH * 4,), f32),
            pltpu.SemaphoreType.DMA,
        ],
    )
    scores, obb = run(rm, ra, cm, ca, bb_soa, labp)
    return scores[:, :A], obb.reshape(B, AP, 4)[:, :A, :]

# --- scband reference (transcript-rebuilt; emitter-appended) ---
"""Pipeline reference for scband-bbox-anchors-19868518711895 (READ-ONLY COPY).

The authoritative reference and input builder live on the scoring server;
editing this copy changes nothing except your own understanding.
"""

import jax, jax.numpy as jnp
import numpy as np

IOU_THRESHOLD = 0.3
STRIDES = [8, 16, 32, 64, 128]
FSIZES = [(64, 64), (32, 32), (16, 16), (8, 8), (4, 4)]

def _layouts():
    layouts = []
    for s in STRIDES:
        b = 4.0 * s
        layouts.append([[b, b], [b * 1.4, b * 0.7], [b * 0.7, b * 1.4],
                        [b * 1.26, b * 1.26], [b * 1.8, b * 0.9], [b * 0.9, b * 1.8]])
    return layouts

def generate_anchors():
    all_a = []
    for stride, (fw, fh), layout in zip(STRIDES, FSIZES, _layouts()):
        lay = np.array([[0.0, 0.0, w, h] for (w, h) in layout], dtype=np.float32)  # [k,4] cbox
        vx = (np.arange(fw, dtype=np.float32) + 0.5) * stride
        vy = (np.arange(fh, dtype=np.float32) + 0.5) * stride
        VY, VX = np.meshgrid(vy, vx, indexing='ij')
        offsets = np.stack([VX, VY], axis=-1)  # [fh,fw,2]
        a = np.tile(lay, (fh, fw, 1, 1)).astype(np.float32)  # [fh,fw,k,4]
        a[..., :2] += offsets[:, :, None, :]
        all_a.append(a.reshape(-1, 4))
    return np.concatenate(all_a, axis=0)  # [A,4] as (cx,cy,w,h)

def cbox2bbox(c):
    return jnp.concatenate([c[..., :2] - c[..., 2:] / 2.0, c[..., :2] + c[..., 2:] / 2.0], axis=-1)

def box_iou_pairwise(a, b):
    area_a = (a[:, 2] - a[:, 0]) * (a[:, 3] - a[:, 1])
    area_b = (b[:, 2] - b[:, 0]) * (b[:, 3] - b[:, 1])
    lt = jnp.maximum(a[:, None, :2], b[None, :, :2])
    rb = jnp.minimum(a[:, None, 2:], b[None, :, 2:])
    wh = jnp.clip(rb - lt, 0.0, None)
    inter = wh[..., 0] * wh[..., 1]
    return inter / (area_a[:, None] + area_b[None, :] - inter)

def match(labels_b, bboxes_b, banchors):
    iou = box_iou_pairwise(banchors, bboxes_b)  # [A, M]
    max_iou_of_anchor = jnp.max(iou, axis=1)
    box_indice = jnp.argmax(iou, axis=1)
    max_iou_of_bbox = jnp.max(iou, axis=0)
    anchor_indice = jnp.argmax(iou, axis=0)
    # Faithful emulation of the sequential overwrite loop (last GT wins on duplicates)
    def body(carry, t):
        mi, bi = carry
        ai = anchor_indice[t]
        mi = mi.at[ai].set(max_iou_of_bbox[t])
        bi = bi.at[ai].set(t)
        return (mi, bi), None
    (max_iou_of_anchor, box_indice), _ = jax.lax.scan(
        body, (max_iou_of_anchor, box_indice), jnp.arange(bboxes_b.shape[0], dtype=box_indice.dtype))
    denom = jnp.where(max_iou_of_bbox < IOU_THRESHOLD, IOU_THRESHOLD, max_iou_of_bbox)
    denom = denom[box_indice]
    mia = jnp.where(max_iou_of_anchor < IOU_THRESHOLD / 2.0, 0.0, max_iou_of_anchor)
    scores = mia / denom
    lab = labels_b[box_indice]
    scores = jnp.where(lab <= 0, 0.0, scores)
    return scores, box_indice

def setup_inputs(seed: int = 0):
    key = jax.random.key(seed)
    k1, k2 = jax.random.split(key)
    labels = jax.random.randint(k1, (8, 100), 0, 80)
    pts = jax.random.uniform(k2, (8, 100, 2, 2), dtype=jnp.float32) * 512.0
    mn = jnp.min(pts, axis=2)
    mx = jnp.max(pts, axis=2) + 1.0
    bboxes = jnp.concatenate([mn, mx], axis=-1)  # valid x1<x2, y1<y2
    anchors = jnp.asarray(generate_anchors())  # [32736, 4]
    return {"labels": labels, "bboxes": bboxes, "anchors": anchors}

def reference(labels, bboxes, anchors):
    banchors = cbox2bbox(anchors)
    batch_scores = []
    batch_bboxes = []
    for i in range(labels.shape[0]):
        score, indice = match(labels[i], bboxes[i], banchors)
        batch_scores.append(score)
        batch_bboxes.append(bboxes[i][indice])
    scores = jnp.stack(batch_scores, axis=0)
    out_bboxes = jnp.stack(batch_bboxes, axis=0)
    return scores, out_bboxes

if __name__ == "__main__":
    import jax
    _d = setup_inputs()
    print(jax.jit(kernel)(*tuple(_d.values())))

</pallas_src>

<mosaic_0001>
#map = affine_map<(d0, d1) -> (0, 0)>
#map1 = affine_map<(d0, d1) -> (0, 0, 0)>
module attributes {stable_mosaic.version = 14 : i64} {
  func.func @_sc_body(%arg0: i32, %arg1: i32, %arg2: memref<8x32768xf32, #tpu.memory_space<hbm>>, %arg3: memref<8x32768xi32, #tpu.memory_space<hbm>>, %arg4: memref<8x128xf32, #tpu.memory_space<hbm>>, %arg5: memref<8x128xi32, #tpu.memory_space<hbm>>, %arg6: memref<8x4x128xf32, #tpu.memory_space<hbm>>, %arg7: memref<8x128xi32, #tpu.memory_space<hbm>>, %arg8: memref<8x32768xf32, #tpu.memory_space<hbm>>, %arg9: memref<8x131072xf32, #tpu.memory_space<hbm>>, %arg10: memref<2048xf32, #tpu.memory_space<vmem>>, %arg11: memref<2048xi32, #tpu.memory_space<vmem>>, %arg12: memref<128xf32, #tpu.memory_space<vmem>>, %arg13: memref<128xi32, #tpu.memory_space<vmem>>, %arg14: memref<128xf32, #tpu.memory_space<vmem>>, %arg15: memref<128xf32, #tpu.memory_space<vmem>>, %arg16: memref<128xf32, #tpu.memory_space<vmem>>, %arg17: memref<128xf32, #tpu.memory_space<vmem>>, %arg18: memref<128xi32, #tpu.memory_space<vmem>>, %arg19: memref<2048xf32, #tpu.memory_space<vmem>>, %arg20: memref<2048xi32, #tpu.memory_space<vmem>>, %arg21: memref<128xf32, #tpu.memory_space<vmem>>, %arg22: memref<128xi32, #tpu.memory_space<vmem>>, %arg23: memref<128xf32, #tpu.memory_space<vmem>>, %arg24: memref<128xf32, #tpu.memory_space<vmem>>, %arg25: memref<128xf32, #tpu.memory_space<vmem>>, %arg26: memref<128xf32, #tpu.memory_space<vmem>>, %arg27: memref<128xi32, #tpu.memory_space<vmem>>, %arg28: memref<128xf32, #tpu.memory_space<vmem>>, %arg29: memref<2048xf32, #tpu.memory_space<vmem>>, %arg30: memref<8192xf32, #tpu.memory_space<vmem>>, %arg31: memref<!tpu.dma_semaphore, #tpu.memory_space<semaphore_mem>>) attributes {dimension_semantics = [#tpu.dimension_semantics<core_parallel>, #tpu.dimension_semantics<subcore_parallel>], iteration_bounds = array<i64: 2, 16>, scalar_prefetch = 0 : i64, scratch_operands = 22 : i64, tpu.core_type = #tpu.core_type<sc_vector_subcore>, window_params = [{transform_indices = #map}, {transform_indices = #map}, {transform_indices = #map}, {transform_indices = #map}, {transform_indices = #map1}, {transform_indices = #map}, {transform_indices = #map}, {transform_indices = #map}]} {
    %mul3A = arith.constant 2048 : i32
    %mul3A_0 = arith.muli %arg1, %mul3A : i32
    %iota3A = tpu.iota {dimensions = array<i32: 0>} : vector<16xi32>
    %mul3A_1 = arith.constant 4 : i32
    %mul3A_2 = arith.muli %arg0, %mul3A_1 : i32
    %add3A = arith.constant 0 : i32
    %add3A_3 = arith.addi %mul3A_2, %add3A : i32
    %dma_start3A = tpu.memref_slice %arg2[%add3A_3, %mul3A_0] : memref<8x32768xf32, #tpu.memory_space<hbm>> -> memref<1x2048xf32, #tpu.memory_space<hbm>>
    %dma_start3A_4 = tpu.memref_squeeze %dma_start3A : memref<1x2048xf32, #tpu.memory_space<hbm>> -> memref<2048xf32, #tpu.memory_space<hbm>>
    %dma_start3A_5 = tpu.memref_slice %arg2[%add3A_3, %mul3A_0] : memref<8x32768xf32, #tpu.memory_space<hbm>> -> memref<1x2048xf32, #tpu.memory_space<hbm>>
    %dma_start3A_6 = tpu.memref_squeeze %dma_start3A_5 : memref<1x2048xf32, #tpu.memory_space<hbm>> -> memref<2048xf32, #tpu.memory_space<hbm>>
    tpu.enqueue_dma source(%dma_start3A_6 : memref<2048xf32, #tpu.memory_space<hbm>>) target(%arg10 : memref<2048xf32, #tpu.memory_space<vmem>>) target_semaphore(%arg31 : memref<!tpu.dma_semaphore, #tpu.memory_space<semaphore_mem>>)
    %dma_start3A_7 = tpu.memref_slice %arg3[%add3A_3, %mul3A_0] : memref<8x32768xi32, #tpu.memory_space<hbm>> -> memref<1x2048xi32, #tpu.memory_space<hbm>>
    %dma_start3A_8 = tpu.memref_squeeze %dma_start3A_7 : memref<1x2048xi32, #tpu.memory_space<hbm>> -> memref<2048xi32, #tpu.memory_space<hbm>>
    %dma_start3A_9 = tpu.memref_slice %arg3[%add3A_3, %mul3A_0] : memref<8x32768xi32, #tpu.memory_space<hbm>> -> memref<1x2048xi32, #tpu.memory_space<hbm>>
    %dma_start3A_10 = tpu.memref_squeeze %dma_start3A_9 : memref<1x2048xi32, #tpu.memory_space<hbm>> -> memref<2048xi32, #tpu.memory_space<hbm>>
    tpu.enqueue_dma source(%dma_start3A_10 : memref<2048xi32, #tpu.memory_space<hbm>>) target(%arg11 : memref<2048xi32, #tpu.memory_space<vmem>>) target_semaphore(%arg31 : memref<!tpu.dma_semaphore, #tpu.memory_space<semaphore_mem>>)
    %dma_start3A_11 = arith.constant 0 : i32
    %dma_start3A_12 = tpu.memref_slice %arg4[%add3A_3, %dma_start3A_11] : memref<8x128xf32, #tpu.memory_space<hbm>> -> memref<1x128xf32, #tpu.memory_space<hbm>>
    %dma_start3A_13 = tpu.memref_squeeze %dma_start3A_12 : memref<1x128xf32, #tpu.memory_space<hbm>> -> memref<128xf32, #tpu.memory_space<hbm>>
    %dma_start3A_14 = arith.constant 0 : i32
    %dma_start3A_15 = tpu.memref_slice %arg4[%add3A_3, %dma_start3A_14] : memref<8x128xf32, #tpu.memory_space<hbm>> -> memref<1x128xf32, #tpu.memory_space<hbm>>
    %dma_start3A_16 = tpu.memref_squeeze %dma_start3A_15 : memref<1x128xf32, #tpu.memory_space<hbm>> -> memref<128xf32, #tpu.memory_space<hbm>>
    tpu.enqueue_dma source(%dma_start3A_16 : memref<128xf32, #tpu.memory_space<hbm>>) target(%arg12 : memref<128xf32, #tpu.memory_space<vmem>>) target_semaphore(%arg31 : memref<!tpu.dma_semaphore, #tpu.memory_space<semaphore_mem>>)
    %dma_start3A_17 = arith.constant 0 : i32
    %dma_start3A_18 = tpu.memref_slice %arg5[%add3A_3, %dma_start3A_17] : memref<8x128xi32, #tpu.memory_space<hbm>> -> memref<1x128xi32, #tpu.memory_space<hbm>>
    %dma_start3A_19 = tpu.memref_squeeze %dma_start3A_18 : memref<1x128xi32, #tpu.memory_space<hbm>> -> memref<128xi32, #tpu.memory_space<hbm>>
    %dma_start3A_20 = arith.constant 0 : i32
    %dma_start3A_21 = tpu.memref_slice %arg5[%add3A_3, %dma_start3A_20] : memref<8x128xi32, #tpu.memory_space<hbm>> -> memref<1x128xi32, #tpu.memory_space<hbm>>
    %dma_start3A_22 = tpu.memref_squeeze %dma_start3A_21 : memref<1x128xi32, #tpu.memory_space<hbm>> -> memref<128xi32, #tpu.memory_space<hbm>>
    tpu.enqueue_dma source(%dma_start3A_22 : memref<128xi32, #tpu.memory_space<hbm>>) target(%arg13 : memref<128xi32, #tpu.memory_space<vmem>>) target_semaphore(%arg31 : memref<!tpu.dma_semaphore, #tpu.memory_space<semaphore_mem>>)
    %dma_start3A_23 = arith.constant 0 : i32
    %dma_start3A_24 = arith.constant 0 : i32
    %dma_start3A_25 = tpu.memref_slice %arg6[%add3A_3, %dma_start3A_23, %dma_start3A_24] : memref<8x4x128xf32, #tpu.memory_space<hbm>> -> memref<1x1x128xf32, #tpu.memory_space<hbm>>
    %dma_start3A_26 = tpu.memref_squeeze %dma_start3A_25 : memref<1x1x128xf32, #tpu.memory_space<hbm>> -> memref<128xf32, #tpu.memory_space<hbm>>
    %dma_start3A_27 = arith.constant 0 : i32
    %dma_start3A_28 = tpu.memref_slice %arg6[%add3A_3, %dma_start3A_23, %dma_start3A_27] : memref<8x4x128xf32, #tpu.memory_space<hbm>> -> memref<1x1x128xf32, #tpu.memory_space<hbm>>
    %dma_start3A_29 = tpu.memref_squeeze %dma_start3A_28 : memref<1x1x128xf32, #tpu.memory_space<hbm>> -> memref<128xf32, #tpu.memory_space<hbm>>
    tpu.enqueue_dma source(%dma_start3A_29 : memref<128xf32, #tpu.memory_space<hbm>>) target(%arg14 : memref<128xf32, #tpu.memory_space<vmem>>) target_semaphore(%arg31 : memref<!tpu.dma_semaphore, #tpu.memory_space<semaphore_mem>>)
    %dma_start3A_30 = arith.constant 1 : i32
    %dma_start3A_31 = arith.constant 0 : i32
    %dma_start3A_32 = tpu.memref_slice %arg6[%add3A_3, %dma_start3A_30, %dma_start3A_31] : memref<8x4x128xf32, #tpu.memory_space<hbm>> -> memref<1x1x128xf32, #tpu.memory_space<hbm>>
    %dma_start3A_33 = tpu.memref_squeeze %dma_start3A_32 : memref<1x1x128xf32, #tpu.memory_space<hbm>> -> memref<128xf32, #tpu.memory_space<hbm>>
    %dma_start3A_34 = arith.constant 0 : i32
    %dma_start3A_35 = tpu.memref_slice %arg6[%add3A_3, %dma_start3A_30, %dma_start3A_34] : memref<8x4x128xf32, #tpu.memory_space<hbm>> -> memref<1x1x128xf32, #tpu.memory_space<hbm>>
    %dma_start3A_36 = tpu.memref_squeeze %dma_start3A_35 : memref<1x1x128xf32, #tpu.memory_space<hbm>> -> memref<128xf32, #tpu.memory_space<hbm>>
    tpu.enqueue_dma source(%dma_start3A_36 : memref<128xf32, #tpu.memory_space<hbm>>) target(%arg15 : memref<128xf32, #tpu.memory_space<vmem>>) target_semaphore(%arg31 : memref<!tpu.dma_semaphore, #tpu.memory_space<semaphore_mem>>)
    %dma_start3A_37 = arith.constant 2 : i32
    %dma_start3A_38 = arith.constant 0 : i32
    %dma_start3A_39 = tpu.memref_slice %arg6[%add3A_3, %dma_start3A_37, %dma_start3A_38] : memref<8x4x128xf32, #tpu.memory_space<hbm>> -> memref<1x1x128xf32, #tpu.memory_space<hbm>>
    %dma_start3A_40 = tpu.memref_squeeze %dma_start3A_39 : memref<1x1x128xf32, #tpu.memory_space<hbm>> -> memref<128xf32, #tpu.memory_space<hbm>>
    %dma_start3A_41 = arith.constant 0 : i32
    %dma_start3A_42 = tpu.memref_slice %arg6[%add3A_3, %dma_start3A_37, %dma_start3A_41] : memref<8x4x128xf32, #tpu.memory_space<hbm>> -> memref<1x1x128xf32, #tpu.memory_space<hbm>>
    %dma_start3A_43 = tpu.memref_squeeze %dma_start3A_42 : memref<1x1x128xf32, #tpu.memory_space<hbm>> -> memref<128xf32, #tpu.memory_space<hbm>>
    tpu.enqueue_dma source(%dma_start3A_43 : memref<128xf32, #tpu.memory_space<hbm>>) target(%arg16 : memref<128xf32, #tpu.memory_space<vmem>>) target_semaphore(%arg31 : memref<!tpu.dma_semaphore, #tpu.memory_space<semaphore_mem>>)
    %dma_start3A_44 = arith.constant 3 : i32
    %dma_start3A_45 = arith.constant 0 : i32
    %dma_start3A_46 = tpu.memref_slice %arg6[%add3A_3, %dma_start3A_44, %dma_start3A_45] : memref<8x4x128xf32, #tpu.memory_space<hbm>> -> memref<1x1x128xf32, #tpu.memory_space<hbm>>
    %dma_start3A_47 = tpu.memref_squeeze %dma_start3A_46 : memref<1x1x128xf32, #tpu.memory_space<hbm>> -> memref<128xf32, #tpu.memory_space<hbm>>
    %dma_start3A_48 = arith.constant 0 : i32
    %dma_start3A_49 = tpu.memref_slice %arg6[%add3A_3, %dma_start3A_44, %dma_start3A_48] : memref<8x4x128xf32, #tpu.memory_space<hbm>> -> memref<1x1x128xf32, #tpu.memory_space<hbm>>
    %dma_start3A_50 = tpu.memref_squeeze %dma_start3A_49 : memref<1x1x128xf32, #tpu.memory_space<hbm>> -> memref<128xf32, #tpu.memory_space<hbm>>
    tpu.enqueue_dma source(%dma_start3A_50 : memref<128xf32, #tpu.memory_space<hbm>>) target(%arg17 : memref<128xf32, #tpu.memory_space<vmem>>) target_semaphore(%arg31 : memref<!tpu.dma_semaphore, #tpu.memory_space<semaphore_mem>>)
    %dma_start3A_51 = arith.constant 0 : i32
    %dma_start3A_52 = tpu.memref_slice %arg7[%add3A_3, %dma_start3A_51] : memref<8x128xi32, #tpu.memory_space<hbm>> -> memref<1x128xi32, #tpu.memory_space<hbm>>
    %dma_start3A_53 = tpu.memref_squeeze %dma_start3A_52 : memref<1x128xi32, #tpu.memory_space<hbm>> -> memref<128xi32, #tpu.memory_space<hbm>>
    %dma_start3A_54 = arith.constant 0 : i32
    %dma_start3A_55 = tpu.memref_slice %arg7[%add3A_3, %dma_start3A_54] : memref<8x128xi32, #tpu.memory_space<hbm>> -> memref<1x128xi32, #tpu.memory_space<hbm>>
    %dma_start3A_56 = tpu.memref_squeeze %dma_start3A_55 : memref<1x128xi32, #tpu.memory_space<hbm>> -> memref<128xi32, #tpu.memory_space<hbm>>
    tpu.enqueue_dma source(%dma_start3A_56 : memref<128xi32, #tpu.memory_space<hbm>>) target(%arg18 : memref<128xi32, #tpu.memory_space<vmem>>) target_semaphore(%arg31 : memref<!tpu.dma_semaphore, #tpu.memory_space<semaphore_mem>>)
    %dma_wait3A = tpu.memref_slice %arg2[%add3A_3, %mul3A_0] : memref<8x32768xf32, #tpu.memory_space<hbm>> -> memref<1x2048xf32, #tpu.memory_space<hbm>>
    %dma_wait3A_57 = tpu.memref_squeeze %dma_wait3A : memref<1x2048xf32, #tpu.memory_space<hbm>> -> memref<2048xf32, #tpu.memory_space<hbm>>
    %dma_wait3A_58 = tpu.memref_slice %arg2[%add3A_3, %mul3A_0] : memref<8x32768xf32, #tpu.memory_space<hbm>> -> memref<1x2048xf32, #tpu.memory_space<hbm>>
    %dma_wait3A_59 = tpu.memref_squeeze %dma_wait3A_58 : memref<1x2048xf32, #tpu.memory_space<hbm>> -> memref<2048xf32, #tpu.memory_space<hbm>>
    tpu.wait_dma2 semaphore(%arg31 : memref<!tpu.dma_semaphore, #tpu.memory_space<semaphore_mem>>) src(%dma_wait3A_59 : memref<2048xf32, #tpu.memory_space<hbm>>) dst(%arg10 : memref<2048xf32, #tpu.memory_space<vmem>>)
    %dma_wait3A_60 = tpu.memref_slice %arg3[%add3A_3, %mul3A_0] : memref<8x32768xi32, #tpu.memory_space<hbm>> -> memref<1x2048xi32, #tpu.memory_space<hbm>>
    %dma_wait3A_61 = tpu.memref_squeeze %dma_wait3A_60 : memref<1x2048xi32, #tpu.memory_space<hbm>> -> memref<2048xi32, #tpu.memory_space<hbm>>
    %dma_wait3A_62 = tpu.memref_slice %arg3[%add3A_3, %mul3A_0] : memref<8x32768xi32, #tpu.memory_space<hbm>> -> memref<1x2048xi32, #tpu.memory_space<hbm>>
    %dma_wait3A_63 = tpu.memref_squeeze %dma_wait3A_62 : memref<1x2048xi32, #tpu.memory_space<hbm>> -> memref<2048xi32, #tpu.memory_space<hbm>>
    tpu.wait_dma2 semaphore(%arg31 : memref<!tpu.dma_semaphore, #tpu.memory_space<semaphore_mem>>) src(%dma_wait3A_63 : memref<2048xi32, #tpu.memory_space<hbm>>) dst(%arg11 : memref<2048xi32, #tpu.memory_space<vmem>>)
    %dma_wait3A_64 = arith.constant 0 : i32
    %dma_wait3A_65 = tpu.memref_slice %arg4[%add3A_3, %dma_wait3A_64] : memref<8x128xf32, #tpu.memory_space<hbm>> -> memref<1x128xf32, #tpu.memory_space<hbm>>
    %dma_wait3A_66 = tpu.memref_squeeze %dma_wait3A_65 : memref<1x128xf32, #tpu.memory_space<hbm>> -> memref<128xf32, #tpu.memory_space<hbm>>
    %dma_wait3A_67 = arith.constant 0 : i32
    %dma_wait3A_68 = tpu.memref_slice %arg4[%add3A_3, %dma_wait3A_67] : memref<8x128xf32, #tpu.memory_space<hbm>> -> memref<1x128xf32, #tpu.memory_space<hbm>>
    %dma_wait3A_69 = tpu.memref_squeeze %dma_wait3A_68 : memref<1x128xf32, #tpu.memory_space<hbm>> -> memref<128xf32, #tpu.memory_space<hbm>>
    tpu.wait_dma2 semaphore(%arg31 : memref<!tpu.dma_semaphore, #tpu.memory_space<semaphore_mem>>) src(%dma_wait3A_69 : memref<128xf32, #tpu.memory_space<hbm>>) dst(%arg12 : memref<128xf32, #tpu.memory_space<vmem>>)
    %dma_wait3A_70 = arith.constant 0 : i32
    %dma_wait3A_71 = tpu.memref_slice %arg5[%add3A_3, %dma_wait3A_70] : memref<8x128xi32, #tpu.memory_space<hbm>> -> memref<1x128xi32, #tpu.memory_space<hbm>>
    %dma_wait3A_72 = tpu.memref_squeeze %dma_wait3A_71 : memref<1x128xi32, #tpu.memory_space<hbm>> -> memref<128xi32, #tpu.memory_space<hbm>>
    %dma_wait3A_73 = arith.constant 0 : i32
    %dma_wait3A_74 = tpu.memref_slice %arg5[%add3A_3, %dma_wait3A_73] : memref<8x128xi32, #tpu.memory_space<hbm>> -> memref<1x128xi32, #tpu.memory_space<hbm>>
    %dma_wait3A_75 = tpu.memref_squeeze %dma_wait3A_74 : memref<1x128xi32, #tpu.memory_space<hbm>> -> memref<128xi32, #tpu.memory_space<hbm>>
    tpu.wait_dma2 semaphore(%arg31 : memref<!tpu.dma_semaphore, #tpu.memory_space<semaphore_mem>>) src(%dma_wait3A_75 : memref<128xi32, #tpu.memory_space<hbm>>) dst(%arg13 : memref<128xi32, #tpu.memory_space<vmem>>)
    %dma_wait3A_76 = arith.constant 0 : i32
    %dma_wait3A_77 = arith.constant 0 : i32
    %dma_wait3A_78 = tpu.memref_slice %arg6[%add3A_3, %dma_wait3A_76, %dma_wait3A_77] : memref<8x4x128xf32, #tpu.memory_space<hbm>> -> memref<1x1x128xf32, #tpu.memory_space<hbm>>
    %dma_wait3A_79 = tpu.memref_squeeze %dma_wait3A_78 : memref<1x1x128xf32, #tpu.memory_space<hbm>> -> memref<128xf32, #tpu.memory_space<hbm>>
    %dma_wait3A_80 = arith.constant 0 : i32
    %dma_wait3A_81 = tpu.memref_slice %arg6[%add3A_3, %dma_wait3A_76, %dma_wait3A_80] : memref<8x4x128xf32, #tpu.memory_space<hbm>> -> memref<1x1x128xf32, #tpu.memory_space<hbm>>
    %dma_wait3A_82 = tpu.memref_squeeze %dma_wait3A_81 : memref<1x1x128xf32, #tpu.memory_space<hbm>> -> memref<128xf32, #tpu.memory_space<hbm>>
    tpu.wait_dma2 semaphore(%arg31 : memref<!tpu.dma_semaphore, #tpu.memory_space<semaphore_mem>>) src(%dma_wait3A_82 : memref<128xf32, #tpu.memory_space<hbm>>) dst(%arg14 : memref<128xf32, #tpu.memory_space<vmem>>)
    %dma_wait3A_83 = arith.constant 1 : i32
    %dma_wait3A_84 = arith.constant 0 : i32
    %dma_wait3A_85 = tpu.memref_slice %arg6[%add3A_3, %dma_wait3A_83, %dma_wait3A_84] : memref<8x4x128xf32, #tpu.memory_space<hbm>> -> memref<1x1x128xf32, #tpu.memory_space<hbm>>
    %dma_wait3A_86 = tpu.memref_squeeze %dma_wait3A_85 : memref<1x1x128xf32, #tpu.memory_space<hbm>> -> memref<128xf32, #tpu.memory_space<hbm>>
    %dma_wait3A_87 = arith.constant 0 : i32
    %dma_wait3A_88 = tpu.memref_slice %arg6[%add3A_3, %dma_wait3A_83, %dma_wait3A_87] : memref<8x4x128xf32, #tpu.memory_space<hbm>> -> memref<1x1x128xf32, #tpu.memory_space<hbm>>
    %dma_wait3A_89 = tpu.memref_squeeze %dma_wait3A_88 : memref<1x1x128xf32, #tpu.memory_space<hbm>> -> memref<128xf32, #tpu.memory_space<hbm>>
    tpu.wait_dma2 semaphore(%arg31 : memref<!tpu.dma_semaphore, #tpu.memory_space<semaphore_mem>>) src(%dma_wait3A_89 : memref<128xf32, #tpu.memory_space<hbm>>) dst(%arg15 : memref<128xf32, #tpu.memory_space<vmem>>)
    %dma_wait3A_90 = arith.constant 2 : i32
    %dma_wait3A_91 = arith.constant 0 : i32
    %dma_wait3A_92 = tpu.memref_slice %arg6[%add3A_3, %dma_wait3A_90, %dma_wait3A_91] : memref<8x4x128xf32, #tpu.memory_space<hbm>> -> memref<1x1x128xf32, #tpu.memory_space<hbm>>
    %dma_wait3A_93 = tpu.memref_squeeze %dma_wait3A_92 : memref<1x1x128xf32, #tpu.memory_space<hbm>> -> memref<128xf32, #tpu.memory_space<hbm>>
    %dma_wait3A_94 = arith.constant 0 : i32
    %dma_wait3A_95 = tpu.memref_slice %arg6[%add3A_3, %dma_wait3A_90, %dma_wait3A_94] : memref<8x4x128xf32, #tpu.memory_space<hbm>> -> memref<1x1x128xf32, #tpu.memory_space<hbm>>
    %dma_wait3A_96 = tpu.memref_squeeze %dma_wait3A_95 : memref<1x1x128xf32, #tpu.memory_space<hbm>> -> memref<128xf32, #tpu.memory_space<hbm>>
    tpu.wait_dma2 semaphore(%arg31 : memref<!tpu.dma_semaphore, #tpu.memory_space<semaphore_mem>>) src(%dma_wait3A_96 : memref<128xf32, #tpu.memory_space<hbm>>) dst(%arg16 : memref<128xf32, #tpu.memory_space<vmem>>)
    %dma_wait3A_97 = arith.constant 3 : i32
    %dma_wait3A_98 = arith.constant 0 : i32
    %dma_wait3A_99 = tpu.memref_slice %arg6[%add3A_3, %dma_wait3A_97, %dma_wait3A_98] : memref<8x4x128xf32, #tpu.memory_space<hbm>> -> memref<1x1x128xf32, #tpu.memory_space<hbm>>
    %dma_wait3A_100 = tpu.memref_squeeze %dma_wait3A_99 : memref<1x1x128xf32, #tpu.memory_space<hbm>> -> memref<128xf32, #tpu.memory_space<hbm>>
    %dma_wait3A_101 = arith.constant 0 : i32
    %dma_wait3A_102 = tpu.memref_slice %arg6[%add3A_3, %dma_wait3A_97, %dma_wait3A_101] : memref<8x4x128xf32, #tpu.memory_space<hbm>> -> memref<1x1x128xf32, #tpu.memory_space<hbm>>
    %dma_wait3A_103 = tpu.memref_squeeze %dma_wait3A_102 : memref<1x1x128xf32, #tpu.memory_space<hbm>> -> memref<128xf32, #tpu.memory_space<hbm>>
    tpu.wait_dma2 semaphore(%arg31 : memref<!tpu.dma_semaphore, #tpu.memory_space<semaphore_mem>>) src(%dma_wait3A_103 : memref<128xf32, #tpu.memory_space<hbm>>) dst(%arg17 : memref<128xf32, #tpu.memory_space<vmem>>)
    %dma_wait3A_104 = arith.constant 0 : i32
    %dma_wait3A_105 = tpu.memref_slice %arg7[%add3A_3, %dma_wait3A_104] : memref<8x128xi32, #tpu.memory_space<hbm>> -> memref<1x128xi32, #tpu.memory_space<hbm>>
    %dma_wait3A_106 = tpu.memref_squeeze %dma_wait3A_105 : memref<1x128xi32, #tpu.memory_space<hbm>> -> memref<128xi32, #tpu.memory_space<hbm>>
    %dma_wait3A_107 = arith.constant 0 : i32
    %dma_wait3A_108 = tpu.memref_slice %arg7[%add3A_3, %dma_wait3A_107] : memref<8x128xi32, #tpu.memory_space<hbm>> -> memref<1x128xi32, #tpu.memory_space<hbm>>
    %dma_wait3A_109 = tpu.memref_squeeze %dma_wait3A_108 : memref<1x128xi32, #tpu.memory_space<hbm>> -> memref<128xi32, #tpu.memory_space<hbm>>
    tpu.wait_dma2 semaphore(%arg31 : memref<!tpu.dma_semaphore, #tpu.memory_space<semaphore_mem>>) src(%dma_wait3A_109 : memref<128xi32, #tpu.memory_space<hbm>>) dst(%arg18 : memref<128xi32, #tpu.memory_space<vmem>>)
    %mul3A_110 = arith.constant 4 : i32
    %mul3A_111 = arith.muli %arg0, %mul3A_110 : i32
    %add3A_112 = arith.constant 1 : i32
    %add3A_113 = arith.addi %mul3A_111, %add3A_112 : i32
    %dma_start3A_114 = tpu.memref_slice %arg2[%add3A_113, %mul3A_0] : memref<8x32768xf32, #tpu.memory_space<hbm>> -> memref<1x2048xf32, #tpu.memory_space<hbm>>
    %dma_start3A_115 = tpu.memref_squeeze %dma_start3A_114 : memref<1x2048xf32, #tpu.memory_space<hbm>> -> memref<2048xf32, #tpu.memory_space<hbm>>
    %dma_start3A_116 = tpu.memref_slice %arg2[%add3A_113, %mul3A_0] : memref<8x32768xf32, #tpu.memory_space<hbm>> -> memref<1x2048xf32, #tpu.memory_space<hbm>>
    %dma_start3A_117 = tpu.memref_squeeze %dma_start3A_116 : memref<1x2048xf32, #tpu.memory_space<hbm>> -> memref<2048xf32, #tpu.memory_space<hbm>>
    tpu.enqueue_dma source(%dma_start3A_117 : memref<2048xf32, #tpu.memory_space<hbm>>) target(%arg19 : memref<2048xf32, #tpu.memory_space<vmem>>) target_semaphore(%arg31 : memref<!tpu.dma_semaphore, #tpu.memory_space<semaphore_mem>>)
    %dma_start3A_118 = tpu.memref_slice %arg3[%add3A_113, %mul3A_0] : memref<8x32768xi32, #tpu.memory_space<hbm>> -> memref<1x2048xi32, #tpu.memory_space<hbm>>
    %dma_start3A_119 = tpu.memref_squeeze %dma_start3A_118 : memref<1x2048xi32, #tpu.memory_space<hbm>> -> memref<2048xi32, #tpu.memory_space<hbm>>
    %dma_start3A_120 = tpu.memref_slice %arg3[%add3A_113, %mul3A_0] : memref<8x32768xi32, #tpu.memory_space<hbm>> -> memref<1x2048xi32, #tpu.memory_space<hbm>>
    %dma_start3A_121 = tpu.memref_squeeze %dma_start3A_120 : memref<1x2048xi32, #tpu.memory_space<hbm>> -> memref<2048xi32, #tpu.memory_space<hbm>>
    tpu.enqueue_dma source(%dma_start3A_121 : memref<2048xi32, #tpu.memory_space<hbm>>) target(%arg20 : memref<2048xi32, #tpu.memory_space<vmem>>) target_semaphore(%arg31 : memref<!tpu.dma_semaphore, #tpu.memory_space<semaphore_mem>>)
    %dma_start3A_122 = arith.constant 0 : i32
    %dma_start3A_123 = tpu.memref_slice %arg4[%add3A_113, %dma_start3A_122] : memref<8x128xf32, #tpu.memory_space<hbm>> -> memref<1x128xf32, #tpu.memory_space<hbm>>
    %dma_start3A_124 = tpu.memref_squeeze %dma_start3A_123 : memref<1x128xf32, #tpu.memory_space<hbm>> -> memref<128xf32, #tpu.memory_space<hbm>>
    %dma_start3A_125 = arith.constant 0 : i32
    %dma_start3A_126 = tpu.memref_slice %arg4[%add3A_113, %dma_start3A_125] : memref<8x128xf32, #tpu.memory_space<hbm>> -> memref<1x128xf32, #tpu.memory_space<hbm>>
    %dma_start3A_127 = tpu.memref_squeeze %dma_start3A_126 : memref<1x128xf32, #tpu.memory_space<hbm>> -> memref<128xf32, #tpu.memory_space<hbm>>
    tpu.enqueue_dma source(%dma_start3A_127 : memref<128xf32, #tpu.memory_space<hbm>>) target(%arg21 : memref<128xf32, #tpu.memory_space<vmem>>) target_semaphore(%arg31 : memref<!tpu.dma_semaphore, #tpu.memory_space<semaphore_mem>>)
    %dma_start3A_128 = arith.constant 0 : i32
    %dma_start3A_129 = tpu.memref_slice %arg5[%add3A_113, %dma_start3A_128] : memref<8x128xi32, #tpu.memory_space<hbm>> -> memref<1x128xi32, #tpu.memory_space<hbm>>
    %dma_start3A_130 = tpu.memref_squeeze %dma_start3A_129 : memref<1x128xi32, #tpu.memory_space<hbm>> -> memref<128xi32, #tpu.memory_space<hbm>>
    %dma_start3A_131 = arith.constant 0 : i32
    %dma_start3A_132 = tpu.memref_slice %arg5[%add3A_113, %dma_start3A_131] : memref<8x128xi32, #tpu.memory_space<hbm>> -> memref<1x128xi32, #tpu.memory_space<hbm>>
    %dma_start3A_133 = tpu.memref_squeeze %dma_start3A_132 : memref<1x128xi32, #tpu.memory_space<hbm>> -> memref<128xi32, #tpu.memory_space<hbm>>
    tpu.enqueue_dma source(%dma_start3A_133 : memref<128xi32, #tpu.memory_space<hbm>>) target(%arg22 : memref<128xi32, #tpu.memory_space<vmem>>) target_semaphore(%arg31 : memref<!tpu.dma_semaphore, #tpu.memory_space<semaphore_mem>>)
    %dma_start3A_134 = arith.constant 0 : i32
    %dma_start3A_135 = arith.constant 0 : i32
    %dma_start3A_136 = tpu.memref_slice %arg6[%add3A_113, %dma_start3A_134, %dma_start3A_135] : memref<8x4x128xf32, #tpu.memory_space<hbm>> -> memref<1x1x128xf32, #tpu.memory_space<hbm>>
    %dma_start3A_137 = tpu.memref_squeeze %dma_start3A_136 : memref<1x1x128xf32, #tpu.memory_space<hbm>> -> memref<128xf32, #tpu.memory_space<hbm>>
    %dma_start3A_138 = arith.constant 0 : i32
    %dma_start3A_139 = tpu.memref_slice %arg6[%add3A_113, %dma_start3A_134, %dma_start3A_138] : memref<8x4x128xf32, #tpu.memory_space<hbm>> -> memref<1x1x128xf32, #tpu.memory_space<hbm>>
    %dma_start3A_140 = tpu.memref_squeeze %dma_start3A_139 : memref<1x1x128xf32, #tpu.memory_space<hbm>> -> memref<128xf32, #tpu.memory_space<hbm>>
    tpu.enqueue_dma source(%dma_start3A_140 : memref<128xf32, #tpu.memory_space<hbm>>) target(%arg23 : memref<128xf32, #tpu.memory_space<vmem>>) target_semaphore(%arg31 : memref<!tpu.dma_semaphore, #tpu.memory_space<semaphore_mem>>)
    %dma_start3A_141 = arith.constant 1 : i32
    %dma_start3A_142 = arith.constant 0 : i32
    %dma_start3A_143 = tpu.memref_slice %arg6[%add3A_113, %dma_start3A_141, %dma_start3A_142] : memref<8x4x128xf32, #tpu.memory_space<hbm>> -> memref<1x1x128xf32, #tpu.memory_space<hbm>>
    %dma_start3A_144 = tpu.memref_squeeze %dma_start3A_143 : memref<1x1x128xf32, #tpu.memory_space<hbm>> -> memref<128xf32, #tpu.memory_space<hbm>>
    %dma_start3A_145 = arith.constant 0 : i32
    %dma_start3A_146 = tpu.memref_slice %arg6[%add3A_113, %dma_start3A_141, %dma_start3A_145] : memref<8x4x128xf32, #tpu.memory_space<hbm>> -> memref<1x1x128xf32, #tpu.memory_space<hbm>>
    %dma_start3A_147 = tpu.memref_squeeze %dma_start3A_146 : memref<1x1x128xf32, #tpu.memory_space<hbm>> -> memref<128xf32, #tpu.memory_space<hbm>>
    tpu.enqueue_dma source(%dma_start3A_147 : memref<128xf32, #tpu.memory_space<hbm>>) target(%arg24 : memref<128xf32, #tpu.memory_space<vmem>>) target_semaphore(%arg31 : memref<!tpu.dma_semaphore, #tpu.memory_space<semaphore_mem>>)
    %dma_start3A_148 = arith.constant 2 : i32
    %dma_start3A_149 = arith.constant 0 : i32
    %dma_start3A_150 = tpu.memref_slice %arg6[%add3A_113, %dma_start3A_148, %dma_start3A_149] : memref<8x4x128xf32, #tpu.memory_space<hbm>> -> memref<1x1x128xf32, #tpu.memory_space<hbm>>
    %dma_start3A_151 = tpu.memref_squeeze %dma_start3A_150 : memref<1x1x128xf32, #tpu.memory_space<hbm>> -> memref<128xf32, #tpu.memory_space<hbm>>
    %dma_start3A_152 = arith.constant 0 : i32
    %dma_start3A_153 = tpu.memref_slice %arg6[%add3A_113, %dma_start3A_148, %dma_start3A_152] : memref<8x4x128xf32, #tpu.memory_space<hbm>> -> memref<1x1x128xf32, #tpu.memory_space<hbm>>
    %dma_start3A_154 = tpu.memref_squeeze %dma_start3A_153 : memref<1x1x128xf32, #tpu.memory_space<hbm>> -> memref<128xf32, #tpu.memory_space<hbm>>
    tpu.enqueue_dma source(%dma_start3A_154 : memref<128xf32, #tpu.memory_space<hbm>>) target(%arg25 : memref<128xf32, #tpu.memory_space<vmem>>) target_semaphore(%arg31 : memref<!tpu.dma_semaphore, #tpu.memory_space<semaphore_mem>>)
    %dma_start3A_155 = arith.constant 3 : i32
    %dma_start3A_156 = arith.constant 0 : i32
    %dma_start3A_157 = tpu.memref_slice %arg6[%add3A_113, %dma_start3A_155, %dma_start3A_156] : memref<8x4x128xf32, #tpu.memory_space<hbm>> -> memref<1x1x128xf32, #tpu.memory_space<hbm>>
    %dma_start3A_158 = tpu.memref_squeeze %dma_start3A_157 : memref<1x1x128xf32, #tpu.memory_space<hbm>> -> memref<128xf32, #tpu.memory_space<hbm>>
    %dma_start3A_159 = arith.constant 0 : i32
    %dma_start3A_160 = tpu.memref_slice %arg6[%add3A_113, %dma_start3A_155, %dma_start3A_159] : memref<8x4x128xf32, #tpu.memory_space<hbm>> -> memref<1x1x128xf32, #tpu.memory_space<hbm>>
    %dma_start3A_161 = tpu.memref_squeeze %dma_start3A_160 : memref<1x1x128xf32, #tpu.memory_space<hbm>> -> memref<128xf32, #tpu.memory_space<hbm>>
    tpu.enqueue_dma source(%dma_start3A_161 : memref<128xf32, #tpu.memory_space<hbm>>) target(%arg26 : memref<128xf32, #tpu.memory_space<vmem>>) target_semaphore(%arg31 : memref<!tpu.dma_semaphore, #tpu.memory_space<semaphore_mem>>)
    %dma_start3A_162 = arith.constant 0 : i32
    %dma_start3A_163 = tpu.memref_slice %arg7[%add3A_113, %dma_start3A_162] : memref<8x128xi32, #tpu.memory_space<hbm>> -> memref<1x128xi32, #tpu.memory_space<hbm>>
    %dma_start3A_164 = tpu.memref_squeeze %dma_start3A_163 : memref<1x128xi32, #tpu.memory_space<hbm>> -> memref<128xi32, #tpu.memory_space<hbm>>
    %dma_start3A_165 = arith.constant 0 : i32
    %dma_start3A_166 = tpu.memref_slice %arg7[%add3A_113, %dma_start3A_165] : memref<8x128xi32, #tpu.memory_space<hbm>> -> memref<1x128xi32, #tpu.memory_space<hbm>>
    %dma_start3A_167 = tpu.memref_squeeze %dma_start3A_166 : memref<1x128xi32, #tpu.memory_space<hbm>> -> memref<128xi32, #tpu.memory_space<hbm>>
    tpu.enqueue_dma source(%dma_start3A_167 : memref<128xi32, #tpu.memory_space<hbm>>) target(%arg27 : memref<128xi32, #tpu.memory_space<vmem>>) target_semaphore(%arg31 : memref<!tpu.dma_semaphore, #tpu.memory_space<semaphore_mem>>)
    %mul3A_168 = arith.constant 4 : i32
    %mul3A_169 = arith.muli %arg0, %mul3A_168 : i32
    %add3A_170 = arith.constant 0 : i32
    %add3A_171 = arith.addi %mul3A_169, %add3A_170 : i32
    %scan3A = arith.constant 0 : i32
    %scan3A_172 = arith.constant 0 : i32
    %scan3A_173 = arith.constant 8 : i32
    %scan3A_174 = arith.addi %scan3A_172, %scan3A_173 : i32
    %scan3A_175 = arith.constant 1 : i32
    %scan3A_176 = scf.for %scan3A_617 = %scan3A_172 to %scan3A_174 step %scan3A_175 iter_args(%scan3A_618 = %scan3A) -> (i32)  : i32 {
      %mul3A_619 = arith.constant 16 : i32
      %mul3A_620 = arith.muli %scan3A_617, %mul3A_619 : i32
      %get3A = arith.index_cast %mul3A_620 : i32 to index
      %get3A_621 = tpu.vector_load %arg12[%get3A] {strides = array<i32>} : memref<128xf32, #tpu.memory_space<vmem>>, vector<16xf32>,
      %max3A = arith.constant 3.000000e-01 : f32
      %max3A_622 = vector.broadcast %max3A : f32 to vector<16xf32>
      %max3A_623 = arith.maximumf %get3A_621, %max3A_622 : vector<16xf32>
      %swap3A = arith.index_cast %mul3A_620 : i32 to index
      %swap3A_624 = tpu.vector_load %arg28[%swap3A] {strides = array<i32>} : memref<128xf32, #tpu.memory_space<vmem>>, vector<16xf32>,
      tpu.vector_store %arg28[%swap3A], %max3A_623 {strides = array<i32>} : memref<128xf32, #tpu.memory_space<vmem>>, vector<16xf32>,
      %scan3A_625 = arith.constant 0 : i32
      scf.yield %scan3A_625 : i32
    }
    %scan3A_177 = arith.constant 8 : i32
    %scan3A_178 = arith.constant 0 : i32
    %scan3A_179 = arith.constant 0 : i32
    %scan3A_180 = arith.constant 100 : i32
    %scan3A_181 = arith.addi %scan3A_179, %scan3A_180 : i32
    %scan3A_182 = arith.constant 1 : i32
    %scan3A_183 = scf.for %scan3A_617 = %scan3A_179 to %scan3A_181 step %scan3A_182 iter_args(%scan3A_618 = %scan3A_178) -> (i32)  : i32 {
      %get3A = arith.index_cast %scan3A_617 : i32 to index
      %get3A_619 = tpu.vector_load %arg13[%get3A] {strides = array<i32>} : memref<128xi32, #tpu.memory_space<vmem>>, vector<16xi32>,
      %slice3A = vector.extract_strided_slice %get3A_619 {offsets = [0], sizes = [1], strides = [1]} : vector<16xi32> to vector<1xi32>
      %squeeze3A = vector.extract %slice3A[0] : i32 from vector<1xi32>
      %sub3A = arith.subi %squeeze3A, %mul3A_0 : i32
      %ge3A = arith.constant 0 : i32
      %ge3A_620 = arith.cmpi sge, %sub3A, %ge3A : i32
      %lt3A = arith.constant 2048 : i32
      %lt3A_621 = arith.cmpi slt, %sub3A, %lt3A : i32
      %and3A = arith.andi %ge3A_620, %lt3A_621 : i1
      %jit3A = arith.constant 0 : i32
      %jit3A_622 = arith.constant 2047 : i32
      %max3A = arith.maxsi %jit3A, %sub3A : i32
      %min3A = arith.minsi %jit3A_622, %max3A : i32
      %eq3A = arith.constant 0 : i32
      %eq3A_623 = vector.broadcast %eq3A : i32 to vector<16xi32>
      %eq3A_624 = arith.cmpi eq, %iota3A, %eq3A_623 : vector<16xi32>
      %broadcast_in_dim3A = vector.broadcast %and3A : i1 to vector<16xi1>
      %and3A_625 = arith.andi %eq3A_624, %broadcast_in_dim3A : vector<16xi1>
      %broadcast_in_dim3A_626 = vector.broadcast %min3A : i32 to vector<16xi32>
      %get3A_627 = arith.index_cast %scan3A_617 : i32 to index
      %get3A_628 = tpu.vector_load %arg12[%get3A_627] {strides = array<i32>} : memref<128xf32, #tpu.memory_space<vmem>>, vector<16xf32>,
      %slice3A_629 = vector.extract_strided_slice %get3A_628 {offsets = [0], sizes = [1], strides = [1]} : vector<16xf32> to vector<1xf32>
      %squeeze3A_630 = vector.extract %slice3A_629[0] : f32 from vector<1xf32>
      %broadcast_in_dim3A_631 = vector.broadcast %squeeze3A_630 : f32 to vector<16xf32>
      tpu.vector_store_idx %arg10[%broadcast_in_dim3A_626], %broadcast_in_dim3A_631 masked %and3A_625 : memref<2048xf32, #tpu.memory_space<vmem>>[vector<16xi32>], vector<16xf32>, vector<16xi1>
      %broadcast_in_dim3A_632 = vector.broadcast %scan3A_617 : i32 to vector<16xi32>
      tpu.vector_store_idx %arg11[%broadcast_in_dim3A_626], %broadcast_in_dim3A_632 masked %and3A_625 : memref<2048xi32, #tpu.memory_space<vmem>>[vector<16xi32>], vector<16xi32>, vector<16xi1>
      %scan3A_633 = arith.constant 0 : i32
      scf.yield %scan3A_633 : i32
    }
    %scan3A_184 = arith.constant 100 : i32
    %scan3A_185 = arith.constant 0 : i32
    %scan3A_186 = arith.constant 0 : i32
    %scan3A_187 = arith.constant 128 : i32
    %scan3A_188 = arith.addi %scan3A_186, %scan3A_187 : i32
    %scan3A_189 = arith.constant 1 : i32
    %scan3A_190 = scf.for %scan3A_617 = %scan3A_186 to %scan3A_188 step %scan3A_189 iter_args(%scan3A_618 = %scan3A_185) -> (i32)  : i32 {
      %mul3A_619 = arith.constant 16 : i32
      %mul3A_620 = arith.muli %scan3A_617, %mul3A_619 : i32
      %get3A = arith.index_cast %mul3A_620 : i32 to index
      %get3A_621 = tpu.vector_load %arg10[%get3A] {strides = array<i32>} : memref<2048xf32, #tpu.memory_space<vmem>>, vector<16xf32>,
      %get3A_622 = arith.index_cast %mul3A_620 : i32 to index
      %get3A_623 = tpu.vector_load %arg11[%get3A_622] {strides = array<i32>} : memref<2048xi32, #tpu.memory_space<vmem>>, vector<16xi32>,
      %gather3A = tpu.vector_load_idx %arg28[%get3A_623] : memref<128xf32, #tpu.memory_space<vmem>>[vector<16xi32>], vector<16xf32>,
      %gather3A_624 = tpu.vector_load_idx %arg18[%get3A_623] : memref<128xi32, #tpu.memory_space<vmem>>[vector<16xi32>], vector<16xi32>,
      %lt3A = arith.constant 1.500000e-01 : f32
      %lt3A_625 = vector.broadcast %lt3A : f32 to vector<16xf32>
      %lt3A_626 = arith.cmpf olt, %get3A_621, %lt3A_625 : vector<16xf32>
      %jit3A = arith.constant 0.000000e+00 : f32
      %broadcast_in_dim3A = vector.broadcast %jit3A : f32 to vector<16xf32>
      %select_n3A = arith.select %lt3A_626, %broadcast_in_dim3A, %get3A_621 : vector<16xi1>, vector<16xf32>
      %div3A = arith.divf %select_n3A, %gather3A : vector<16xf32>
      %le3A = arith.constant 0 : i32
      %le3A_627 = vector.broadcast %le3A : i32 to vector<16xi32>
      %le3A_628 = arith.cmpi sle, %gather3A_624, %le3A_627 : vector<16xi32>
      %broadcast_in_dim3A_629 = arith.constant 0.000000e+00 : f32
      %broadcast_in_dim3A_630 = vector.broadcast %broadcast_in_dim3A_629 : f32 to vector<16xf32>
      %select_n3A_631 = arith.select %le3A_628, %broadcast_in_dim3A_630, %div3A : vector<16xi1>, vector<16xf32>
      %swap3A = arith.index_cast %mul3A_620 : i32 to index
      %swap3A_632 = tpu.vector_load %arg29[%swap3A] {strides = array<i32>} : memref<2048xf32, #tpu.memory_space<vmem>>, vector<16xf32>,
      tpu.vector_store %arg29[%swap3A], %select_n3A_631 {strides = array<i32>} : memref<2048xf32, #tpu.memory_space<vmem>>, vector<16xf32>,
      %broadcast_in_dim3A_633 = vector.broadcast %mul3A_620 : i32 to vector<16xi32>
      %add3A_634 = arith.addi %broadcast_in_dim3A_633, %iota3A : vector<16xi32>
      %mul3A_635 = arith.constant 4 : i32
      %mul3A_636 = vector.broadcast %mul3A_635 : i32 to vector<16xi32>
      %mul3A_637 = arith.muli %add3A_634, %mul3A_636 : vector<16xi32>
      %gather3A_638 = tpu.vector_load_idx %arg14[%get3A_623] : memref<128xf32, #tpu.memory_space<vmem>>[vector<16xi32>], vector<16xf32>,
      %add3A_639 = arith.constant 0 : i32
      %add3A_640 = vector.broadcast %add3A_639 : i32 to vector<16xi32>
      %add3A_641 = arith.addi %mul3A_637, %add3A_640 : vector<16xi32>
      tpu.vector_store_idx %arg30[%add3A_641], %gather3A_638 : memref<8192xf32, #tpu.memory_space<vmem>>[vector<16xi32>], vector<16xf32>,
      %gather3A_642 = tpu.vector_load_idx %arg15[%get3A_623] : memref<128xf32, #tpu.memory_space<vmem>>[vector<16xi32>], vector<16xf32>,
      %add3A_643 = arith.constant 1 : i32
      %add3A_644 = vector.broadcast %add3A_643 : i32 to vector<16xi32>
      %add3A_645 = arith.addi %mul3A_637, %add3A_644 : vector<16xi32>
      tpu.vector_store_idx %arg30[%add3A_645], %gather3A_642 : memref<8192xf32, #tpu.memory_space<vmem>>[vector<16xi32>], vector<16xf32>,
      %gather3A_646 = tpu.vector_load_idx %arg16[%get3A_623] : memref<128xf32, #tpu.memory_space<vmem>>[vector<16xi32>], vector<16xf32>,
      %add3A_647 = arith.constant 2 : i32
      %add3A_648 = vector.broadcast %add3A_647 : i32 to vector<16xi32>
      %add3A_649 = arith.addi %mul3A_637, %add3A_648 : vector<16xi32>
      tpu.vector_store_idx %arg30[%add3A_649], %gather3A_646 : memref<8192xf32, #tpu.memory_space<vmem>>[vector<16xi32>], vector<16xf32>,
      %gather3A_650 = tpu.vector_load_idx %arg17[%get3A_623] : memref<128xf32, #tpu.memory_space<vmem>>[vector<16xi32>], vector<16xf32>,
      %add3A_651 = arith.constant 3 : i32
      %add3A_652 = vector.broadcast %add3A_651 : i32 to vector<16xi32>
      %add3A_653 = arith.addi %mul3A_637, %add3A_652 : vector<16xi32>
      tpu.vector_store_idx %arg30[%add3A_653], %gather3A_650 : memref<8192xf32, #tpu.memory_space<vmem>>[vector<16xi32>], vector<16xf32>,
      %scan3A_654 = arith.constant 0 : i32
      scf.yield %scan3A_654 : i32
    }
    %scan3A_191 = arith.constant 128 : i32
    %dma_start3A_192 = tpu.memref_slice %arg8[%add3A_171, %mul3A_0] : memref<8x32768xf32, #tpu.memory_space<hbm>> -> memref<1x2048xf32, #tpu.memory_space<hbm>>
    %dma_start3A_193 = tpu.memref_squeeze %dma_start3A_192 : memref<1x2048xf32, #tpu.memory_space<hbm>> -> memref<2048xf32, #tpu.memory_space<hbm>>
    %dma_start3A_194 = tpu.memref_slice %arg8[%add3A_171, %mul3A_0] : memref<8x32768xf32, #tpu.memory_space<hbm>> -> memref<1x2048xf32, #tpu.memory_space<hbm>>
    %dma_start3A_195 = tpu.memref_squeeze %dma_start3A_194 : memref<1x2048xf32, #tpu.memory_space<hbm>> -> memref<2048xf32, #tpu.memory_space<hbm>>
    tpu.enqueue_dma source(%arg29 : memref<2048xf32, #tpu.memory_space<vmem>>) target(%dma_start3A_195 : memref<2048xf32, #tpu.memory_space<hbm>>) target_semaphore(%arg31 : memref<!tpu.dma_semaphore, #tpu.memory_space<semaphore_mem>>)
    %mul3A_196 = arith.constant 4 : i32
    %mul3A_197 = arith.muli %mul3A_0, %mul3A_196 : i32
    %dma_start3A_198 = tpu.memref_slice %arg9[%add3A_171, %mul3A_197] : memref<8x131072xf32, #tpu.memory_space<hbm>> -> memref<1x8192xf32, #tpu.memory_space<hbm>>
    %dma_start3A_199 = tpu.memref_squeeze %dma_start3A_198 : memref<1x8192xf32, #tpu.memory_space<hbm>> -> memref<8192xf32, #tpu.memory_space<hbm>>
    %dma_start3A_200 = tpu.memref_slice %arg9[%add3A_171, %mul3A_197] : memref<8x131072xf32, #tpu.memory_space<hbm>> -> memref<1x8192xf32, #tpu.memory_space<hbm>>
    %dma_start3A_201 = tpu.memref_squeeze %dma_start3A_200 : memref<1x8192xf32, #tpu.memory_space<hbm>> -> memref<8192xf32, #tpu.memory_space<hbm>>
    tpu.enqueue_dma source(%arg30 : memref<8192xf32, #tpu.memory_space<vmem>>) target(%dma_start3A_201 : memref<8192xf32, #tpu.memory_space<hbm>>) target_semaphore(%arg31 : memref<!tpu.dma_semaphore, #tpu.memory_space<semaphore_mem>>)
    %dma_wait3A_202 = tpu.memref_slice %arg2[%add3A_113, %mul3A_0] : memref<8x32768xf32, #tpu.memory_space<hbm>> -> memref<1x2048xf32, #tpu.memory_space<hbm>>
    %dma_wait3A_203 = tpu.memref_squeeze %dma_wait3A_202 : memref<1x2048xf32, #tpu.memory_space<hbm>> -> memref<2048xf32, #tpu.memory_space<hbm>>
    %dma_wait3A_204 = tpu.memref_slice %arg2[%add3A_113, %mul3A_0] : memref<8x32768xf32, #tpu.memory_space<hbm>> -> memref<1x2048xf32, #tpu.memory_space<hbm>>
    %dma_wait3A_205 = tpu.memref_squeeze %dma_wait3A_204 : memref<1x2048xf32, #tpu.memory_space<hbm>> -> memref<2048xf32, #tpu.memory_space<hbm>>
    tpu.wait_dma2 semaphore(%arg31 : memref<!tpu.dma_semaphore, #tpu.memory_space<semaphore_mem>>) src(%dma_wait3A_205 : memref<2048xf32, #tpu.memory_space<hbm>>) dst(%arg19 : memref<2048xf32, #tpu.memory_space<vmem>>)
    %dma_wait3A_206 = tpu.memref_slice %arg3[%add3A_113, %mul3A_0] : memref<8x32768xi32, #tpu.memory_space<hbm>> -> memref<1x2048xi32, #tpu.memory_space<hbm>>
    %dma_wait3A_207 = tpu.memref_squeeze %dma_wait3A_206 : memref<1x2048xi32, #tpu.memory_space<hbm>> -> memref<2048xi32, #tpu.memory_space<hbm>>
    %dma_wait3A_208 = tpu.memref_slice %arg3[%add3A_113, %mul3A_0] : memref<8x32768xi32, #tpu.memory_space<hbm>> -> memref<1x2048xi32, #tpu.memory_space<hbm>>
    %dma_wait3A_209 = tpu.memref_squeeze %dma_wait3A_208 : memref<1x2048xi32, #tpu.memory_space<hbm>> -> memref<2048xi32, #tpu.memory_space<hbm>>
    tpu.wait_dma2 semaphore(%arg31 : memref<!tpu.dma_semaphore, #tpu.memory_space<semaphore_mem>>) src(%dma_wait3A_209 : memref<2048xi32, #tpu.memory_space<hbm>>) dst(%arg20 : memref<2048xi32, #tpu.memory_space<vmem>>)
    %dma_wait3A_210 = arith.constant 0 : i32
    %dma_wait3A_211 = tpu.memref_slice %arg4[%add3A_113, %dma_wait3A_210] : memref<8x128xf32, #tpu.memory_space<hbm>> -> memref<1x128xf32, #tpu.memory_space<hbm>>
    %dma_wait3A_212 = tpu.memref_squeeze %dma_wait3A_211 : memref<1x128xf32, #tpu.memory_space<hbm>> -> memref<128xf32, #tpu.memory_space<hbm>>
    %dma_wait3A_213 = arith.constant 0 : i32
    %dma_wait3A_214 = tpu.memref_slice %arg4[%add3A_113, %dma_wait3A_213] : memref<8x128xf32, #tpu.memory_space<hbm>> -> memref<1x128xf32, #tpu.memory_space<hbm>>
    %dma_wait3A_215 = tpu.memref_squeeze %dma_wait3A_214 : memref<1x128xf32, #tpu.memory_space<hbm>> -> memref<128xf32, #tpu.memory_space<hbm>>
    tpu.wait_dma2 semaphore(%arg31 : memref<!tpu.dma_semaphore, #tpu.memory_space<semaphore_mem>>) src(%dma_wait3A_215 : memref<128xf32, #tpu.memory_space<hbm>>) dst(%arg21 : memref<128xf32, #tpu.memory_space<vmem>>)
    %dma_wait3A_216 = arith.constant 0 : i32
    %dma_wait3A_217 = tpu.memref_slice %arg5[%add3A_113, %dma_wait3A_216] : memref<8x128xi32, #tpu.memory_space<hbm>> -> memref<1x128xi32, #tpu.memory_space<hbm>>
    %dma_wait3A_218 = tpu.memref_squeeze %dma_wait3A_217 : memref<1x128xi32, #tpu.memory_space<hbm>> -> memref<128xi32, #tpu.memory_space<hbm>>
    %dma_wait3A_219 = arith.constant 0 : i32
    %dma_wait3A_220 = tpu.memref_slice %arg5[%add3A_113, %dma_wait3A_219] : memref<8x128xi32, #tpu.memory_space<hbm>> -> memref<1x128xi32, #tpu.memory_space<hbm>>
    %dma_wait3A_221 = tpu.memref_squeeze %dma_wait3A_220 : memref<1x128xi32, #tpu.memory_space<hbm>> -> memref<128xi32, #tpu.memory_space<hbm>>
    tpu.wait_dma2 semaphore(%arg31 : memref<!tpu.dma_semaphore, #tpu.memory_space<semaphore_mem>>) src(%dma_wait3A_221 : memref<128xi32, #tpu.memory_space<hbm>>) dst(%arg22 : memref<128xi32, #tpu.memory_space<vmem>>)
    %dma_wait3A_222 = arith.constant 0 : i32
    %dma_wait3A_223 = arith.constant 0 : i32
    %dma_wait3A_224 = tpu.memref_slice %arg6[%add3A_113, %dma_wait3A_222, %dma_wait3A_223] : memref<8x4x128xf32, #tpu.memory_space<hbm>> -> memref<1x1x128xf32, #tpu.memory_space<hbm>>
    %dma_wait3A_225 = tpu.memref_squeeze %dma_wait3A_224 : memref<1x1x128xf32, #tpu.memory_space<hbm>> -> memref<128xf32, #tpu.memory_space<hbm>>
    %dma_wait3A_226 = arith.constant 0 : i32
    %dma_wait3A_227 = tpu.memref_slice %arg6[%add3A_113, %dma_wait3A_222, %dma_wait3A_226] : memref<8x4x128xf32, #tpu.memory_space<hbm>> -> memref<1x1x128xf32, #tpu.memory_space<hbm>>
    %dma_wait3A_228 = tpu.memref_squeeze %dma_wait3A_227 : memref<1x1x128xf32, #tpu.memory_space<hbm>> -> memref<128xf32, #tpu.memory_space<hbm>>
    tpu.wait_dma2 semaphore(%arg31 : memref<!tpu.dma_semaphore, #tpu.memory_space<semaphore_mem>>) src(%dma_wait3A_228 : memref<128xf32, #tpu.memory_space<hbm>>) dst(%arg23 : memref<128xf32, #tpu.memory_space<vmem>>)
    %dma_wait3A_229 = arith.constant 1 : i32
    %dma_wait3A_230 = arith.constant 0 : i32
    %dma_wait3A_231 = tpu.memref_slice %arg6[%add3A_113, %dma_wait3A_229, %dma_wait3A_230] : memref<8x4x128xf32, #tpu.memory_space<hbm>> -> memref<1x1x128xf32, #tpu.memory_space<hbm>>
    %dma_wait3A_232 = tpu.memref_squeeze %dma_wait3A_231 : memref<1x1x128xf32, #tpu.memory_space<hbm>> -> memref<128xf32, #tpu.memory_space<hbm>>
    %dma_wait3A_233 = arith.constant 0 : i32
    %dma_wait3A_234 = tpu.memref_slice %arg6[%add3A_113, %dma_wait3A_229, %dma_wait3A_233] : memref<8x4x128xf32, #tpu.memory_space<hbm>> -> memref<1x1x128xf32, #tpu.memory_space<hbm>>
    %dma_wait3A_235 = tpu.memref_squeeze %dma_wait3A_234 : memref<1x1x128xf32, #tpu.memory_space<hbm>> -> memref<128xf32, #tpu.memory_space<hbm>>
    tpu.wait_dma2 semaphore(%arg31 : memref<!tpu.dma_semaphore, #tpu.memory_space<semaphore_mem>>) src(%dma_wait3A_235 : memref<128xf32, #tpu.memory_space<hbm>>) dst(%arg24 : memref<128xf32, #tpu.memory_space<vmem>>)
    %dma_wait3A_236 = arith.constant 2 : i32
    %dma_wait3A_237 = arith.constant 0 : i32
    %dma_wait3A_238 = tpu.memref_slice %arg6[%add3A_113, %dma_wait3A_236, %dma_wait3A_237] : memref<8x4x128xf32, #tpu.memory_space<hbm>> -> memref<1x1x128xf32, #tpu.memory_space<hbm>>
    %dma_wait3A_239 = tpu.memref_squeeze %dma_wait3A_238 : memref<1x1x128xf32, #tpu.memory_space<hbm>> -> memref<128xf32, #tpu.memory_space<hbm>>
    %dma_wait3A_240 = arith.constant 0 : i32
    %dma_wait3A_241 = tpu.memref_slice %arg6[%add3A_113, %dma_wait3A_236, %dma_wait3A_240] : memref<8x4x128xf32, #tpu.memory_space<hbm>> -> memref<1x1x128xf32, #tpu.memory_space<hbm>>
    %dma_wait3A_242 = tpu.memref_squeeze %dma_wait3A_241 : memref<1x1x128xf32, #tpu.memory_space<hbm>> -> memref<128xf32, #tpu.memory_space<hbm>>
    tpu.wait_dma2 semaphore(%arg31 : memref<!tpu.dma_semaphore, #tpu.memory_space<semaphore_mem>>) src(%dma_wait3A_242 : memref<128xf32, #tpu.memory_space<hbm>>) dst(%arg25 : memref<128xf32, #tpu.memory_space<vmem>>)
    %dma_wait3A_243 = arith.constant 3 : i32
    %dma_wait3A_244 = arith.constant 0 : i32
    %dma_wait3A_245 = tpu.memref_slice %arg6[%add3A_113, %dma_wait3A_243, %dma_wait3A_244] : memref<8x4x128xf32, #tpu.memory_space<hbm>> -> memref<1x1x128xf32, #tpu.memory_space<hbm>>
    %dma_wait3A_246 = tpu.memref_squeeze %dma_wait3A_245 : memref<1x1x128xf32, #tpu.memory_space<hbm>> -> memref<128xf32, #tpu.memory_space<hbm>>
    %dma_wait3A_247 = arith.constant 0 : i32
    %dma_wait3A_248 = tpu.memref_slice %arg6[%add3A_113, %dma_wait3A_243, %dma_wait3A_247] : memref<8x4x128xf32, #tpu.memory_space<hbm>> -> memref<1x1x128xf32, #tpu.memory_space<hbm>>
    %dma_wait3A_249 = tpu.memref_squeeze %dma_wait3A_248 : memref<1x1x128xf32, #tpu.memory_space<hbm>> -> memref<128xf32, #tpu.memory_space<hbm>>
    tpu.wait_dma2 semaphore(%arg31 : memref<!tpu.dma_semaphore, #tpu.memory_space<semaphore_mem>>) src(%dma_wait3A_249 : memref<128xf32, #tpu.memory_space<hbm>>) dst(%arg26 : memref<128xf32, #tpu.memory_space<vmem>>)
    %dma_wait3A_250 = arith.constant 0 : i32
    %dma_wait3A_251 = tpu.memref_slice %arg7[%add3A_113, %dma_wait3A_250] : memref<8x128xi32, #tpu.memory_space<hbm>> -> memref<1x128xi32, #tpu.memory_space<hbm>>
    %dma_wait3A_252 = tpu.memref_squeeze %dma_wait3A_251 : memref<1x128xi32, #tpu.memory_space<hbm>> -> memref<128xi32, #tpu.memory_space<hbm>>
    %dma_wait3A_253 = arith.constant 0 : i32
    %dma_wait3A_254 = tpu.memref_slice %arg7[%add3A_113, %dma_wait3A_253] : memref<8x128xi32, #tpu.memory_space<hbm>> -> memref<1x128xi32, #tpu.memory_space<hbm>>
    %dma_wait3A_255 = tpu.memref_squeeze %dma_wait3A_254 : memref<1x128xi32, #tpu.memory_space<hbm>> -> memref<128xi32, #tpu.memory_space<hbm>>
    tpu.wait_dma2 semaphore(%arg31 : memref<!tpu.dma_semaphore, #tpu.memory_space<semaphore_mem>>) src(%dma_wait3A_255 : memref<128xi32, #tpu.memory_space<hbm>>) dst(%arg27 : memref<128xi32, #tpu.memory_space<vmem>>)
    %mul3A_256 = arith.constant 4 : i32
    %mul3A_257 = arith.muli %arg0, %mul3A_256 : i32
    %add3A_258 = arith.constant 2 : i32
    %add3A_259 = arith.addi %mul3A_257, %add3A_258 : i32
    %dma_start3A_260 = tpu.memref_slice %arg2[%add3A_259, %mul3A_0] : memref<8x32768xf32, #tpu.memory_space<hbm>> -> memref<1x2048xf32, #tpu.memory_space<hbm>>
    %dma_start3A_261 = tpu.memref_squeeze %dma_start3A_260 : memref<1x2048xf32, #tpu.memory_space<hbm>> -> memref<2048xf32, #tpu.memory_space<hbm>>
    %dma_start3A_262 = tpu.memref_slice %arg2[%add3A_259, %mul3A_0] : memref<8x32768xf32, #tpu.memory_space<hbm>> -> memref<1x2048xf32, #tpu.memory_space<hbm>>
    %dma_start3A_263 = tpu.memref_squeeze %dma_start3A_262 : memref<1x2048xf32, #tpu.memory_space<hbm>> -> memref<2048xf32, #tpu.memory_space<hbm>>
    tpu.enqueue_dma source(%dma_start3A_263 : memref<2048xf32, #tpu.memory_space<hbm>>) target(%arg10 : memref<2048xf32, #tpu.memory_space<vmem>>) target_semaphore(%arg31 : memref<!tpu.dma_semaphore, #tpu.memory_space<semaphore_mem>>)
    %dma_start3A_264 = tpu.memref_slice %arg3[%add3A_259, %mul3A_0] : memref<8x32768xi32, #tpu.memory_space<hbm>> -> memref<1x2048xi32, #tpu.memory_space<hbm>>
    %dma_start3A_265 = tpu.memref_squeeze %dma_start3A_264 : memref<1x2048xi32, #tpu.memory_space<hbm>> -> memref<2048xi32, #tpu.memory_space<hbm>>
    %dma_start3A_266 = tpu.memref_slice %arg3[%add3A_259, %mul3A_0] : memref<8x32768xi32, #tpu.memory_space<hbm>> -> memref<1x2048xi32, #tpu.memory_space<hbm>>
    %dma_start3A_267 = tpu.memref_squeeze %dma_start3A_266 : memref<1x2048xi32, #tpu.memory_space<hbm>> -> memref<2048xi32, #tpu.memory_space<hbm>>
    tpu.enqueue_dma source(%dma_start3A_267 : memref<2048xi32, #tpu.memory_space<hbm>>) target(%arg11 : memref<2048xi32, #tpu.memory_space<vmem>>) target_semaphore(%arg31 : memref<!tpu.dma_semaphore, #tpu.memory_space<semaphore_mem>>)
    %dma_start3A_268 = arith.constant 0 : i32
    %dma_start3A_269 = tpu.memref_slice %arg4[%add3A_259, %dma_start3A_268] : memref<8x128xf32, #tpu.memory_space<hbm>> -> memref<1x128xf32, #tpu.memory_space<hbm>>
    %dma_start3A_270 = tpu.memref_squeeze %dma_start3A_269 : memref<1x128xf32, #tpu.memory_space<hbm>> -> memref<128xf32, #tpu.memory_space<hbm>>
    %dma_start3A_271 = arith.constant 0 : i32
    %dma_start3A_272 = tpu.memref_slice %arg4[%add3A_259, %dma_start3A_271] : memref<8x128xf32, #tpu.memory_space<hbm>> -> memref<1x128xf32, #tpu.memory_space<hbm>>
    %dma_start3A_273 = tpu.memref_squeeze %dma_start3A_272 : memref<1x128xf32, #tpu.memory_space<hbm>> -> memref<128xf32, #tpu.memory_space<hbm>>
    tpu.enqueue_dma source(%dma_start3A_273 : memref<128xf32, #tpu.memory_space<hbm>>) target(%arg12 : memref<128xf32, #tpu.memory_space<vmem>>) target_semaphore(%arg31 : memref<!tpu.dma_semaphore, #tpu.memory_space<semaphore_mem>>)
    %dma_start3A_274 = arith.constant 0 : i32
    %dma_start3A_275 = tpu.memref_slice %arg5[%add3A_259, %dma_start3A_274] : memref<8x128xi32, #tpu.memory_space<hbm>> -> memref<1x128xi32, #tpu.memory_space<hbm>>
    %dma_start3A_276 = tpu.memref_squeeze %dma_start3A_275 : memref<1x128xi32, #tpu.memory_space<hbm>> -> memref<128xi32, #tpu.memory_space<hbm>>
    %dma_start3A_277 = arith.constant 0 : i32
    %dma_start3A_278 = tpu.memref_slice %arg5[%add3A_259, %dma_start3A_277] : memref<8x128xi32, #tpu.memory_space<hbm>> -> memref<1x128xi32, #tpu.memory_space<hbm>>
    %dma_start3A_279 = tpu.memref_squeeze %dma_start3A_278 : memref<1x128xi32, #tpu.memory_space<hbm>> -> memref<128xi32, #tpu.memory_space<hbm>>
    tpu.enqueue_dma source(%dma_start3A_279 : memref<128xi32, #tpu.memory_space<hbm>>) target(%arg13 : memref<128xi32, #tpu.memory_space<vmem>>) target_semaphore(%arg31 : memref<!tpu.dma_semaphore, #tpu.memory_space<semaphore_mem>>)
    %dma_start3A_280 = arith.constant 0 : i32
    %dma_start3A_281 = arith.constant 0 : i32
    %dma_start3A_282 = tpu.memref_slice %arg6[%add3A_259, %dma_start3A_280, %dma_start3A_281] : memref<8x4x128xf32, #tpu.memory_space<hbm>> -> memref<1x1x128xf32, #tpu.memory_space<hbm>>
    %dma_start3A_283 = tpu.memref_squeeze %dma_start3A_282 : memref<1x1x128xf32, #tpu.memory_space<hbm>> -> memref<128xf32, #tpu.memory_space<hbm>>
    %dma_start3A_284 = arith.constant 0 : i32
    %dma_start3A_285 = tpu.memref_slice %arg6[%add3A_259, %dma_start3A_280, %dma_start3A_284] : memref<8x4x128xf32, #tpu.memory_space<hbm>> -> memref<1x1x128xf32, #tpu.memory_space<hbm>>
    %dma_start3A_286 = tpu.memref_squeeze %dma_start3A_285 : memref<1x1x128xf32, #tpu.memory_space<hbm>> -> memref<128xf32, #tpu.memory_space<hbm>>
    tpu.enqueue_dma source(%dma_start3A_286 : memref<128xf32, #tpu.memory_space<hbm>>) target(%arg14 : memref<128xf32, #tpu.memory_space<vmem>>) target_semaphore(%arg31 : memref<!tpu.dma_semaphore, #tpu.memory_space<semaphore_mem>>)
    %dma_start3A_287 = arith.constant 1 : i32
    %dma_start3A_288 = arith.constant 0 : i32
    %dma_start3A_289 = tpu.memref_slice %arg6[%add3A_259, %dma_start3A_287, %dma_start3A_288] : memref<8x4x128xf32, #tpu.memory_space<hbm>> -> memref<1x1x128xf32, #tpu.memory_space<hbm>>
    %dma_start3A_290 = tpu.memref_squeeze %dma_start3A_289 : memref<1x1x128xf32, #tpu.memory_space<hbm>> -> memref<128xf32, #tpu.memory_space<hbm>>
    %dma_start3A_291 = arith.constant 0 : i32
    %dma_start3A_292 = tpu.memref_slice %arg6[%add3A_259, %dma_start3A_287, %dma_start3A_291] : memref<8x4x128xf32, #tpu.memory_space<hbm>> -> memref<1x1x128xf32, #tpu.memory_space<hbm>>
    %dma_start3A_293 = tpu.memref_squeeze %dma_start3A_292 : memref<1x1x128xf32, #tpu.memory_space<hbm>> -> memref<128xf32, #tpu.memory_space<hbm>>
    tpu.enqueue_dma source(%dma_start3A_293 : memref<128xf32, #tpu.memory_space<hbm>>) target(%arg15 : memref<128xf32, #tpu.memory_space<vmem>>) target_semaphore(%arg31 : memref<!tpu.dma_semaphore, #tpu.memory_space<semaphore_mem>>)
    %dma_start3A_294 = arith.constant 2 : i32
    %dma_start3A_295 = arith.constant 0 : i32
    %dma_start3A_296 = tpu.memref_slice %arg6[%add3A_259, %dma_start3A_294, %dma_start3A_295] : memref<8x4x128xf32, #tpu.memory_space<hbm>> -> memref<1x1x128xf32, #tpu.memory_space<hbm>>
    %dma_start3A_297 = tpu.memref_squeeze %dma_start3A_296 : memref<1x1x128xf32, #tpu.memory_space<hbm>> -> memref<128xf32, #tpu.memory_space<hbm>>
    %dma_start3A_298 = arith.constant 0 : i32
    %dma_start3A_299 = tpu.memref_slice %arg6[%add3A_259, %dma_start3A_294, %dma_start3A_298] : memref<8x4x128xf32, #tpu.memory_space<hbm>> -> memref<1x1x128xf32, #tpu.memory_space<hbm>>
    %dma_start3A_300 = tpu.memref_squeeze %dma_start3A_299 : memref<1x1x128xf32, #tpu.memory_space<hbm>> -> memref<128xf32, #tpu.memory_space<hbm>>
    tpu.enqueue_dma source(%dma_start3A_300 : memref<128xf32, #tpu.memory_space<hbm>>) target(%arg16 : memref<128xf32, #tpu.memory_space<vmem>>) target_semaphore(%arg31 : memref<!tpu.dma_semaphore, #tpu.memory_space<semaphore_mem>>)
    %dma_start3A_301 = arith.constant 3 : i32
    %dma_start3A_302 = arith.constant 0 : i32
    %dma_start3A_303 = tpu.memref_slice %arg6[%add3A_259, %dma_start3A_301, %dma_start3A_302] : memref<8x4x128xf32, #tpu.memory_space<hbm>> -> memref<1x1x128xf32, #tpu.memory_space<hbm>>
    %dma_start3A_304 = tpu.memref_squeeze %dma_start3A_303 : memref<1x1x128xf32, #tpu.memory_space<hbm>> -> memref<128xf32, #tpu.memory_space<hbm>>
    %dma_start3A_305 = arith.constant 0 : i32
    %dma_start3A_306 = tpu.memref_slice %arg6[%add3A_259, %dma_start3A_301, %dma_start3A_305] : memref<8x4x128xf32, #tpu.memory_space<hbm>> -> memref<1x1x128xf32, #tpu.memory_space<hbm>>
    %dma_start3A_307 = tpu.memref_squeeze %dma_start3A_306 : memref<1x1x128xf32, #tpu.memory_space<hbm>> -> memref<128xf32, #tpu.memory_space<hbm>>
    tpu.enqueue_dma source(%dma_start3A_307 : memref<128xf32, #tpu.memory_space<hbm>>) target(%arg17 : memref<128xf32, #tpu.memory_space<vmem>>) target_semaphore(%arg31 : memref<!tpu.dma_semaphore, #tpu.memory_space<semaphore_mem>>)
    %dma_start3A_308 = arith.constant 0 : i32
    %dma_start3A_309 = tpu.memref_slice %arg7[%add3A_259, %dma_start3A_308] : memref<8x128xi32, #tpu.memory_space<hbm>> -> memref<1x128xi32, #tpu.memory_space<hbm>>
    %dma_start3A_310 = tpu.memref_squeeze %dma_start3A_309 : memref<1x128xi32, #tpu.memory_space<hbm>> -> memref<128xi32, #tpu.memory_space<hbm>>
    %dma_start3A_311 = arith.constant 0 : i32
    %dma_start3A_312 = tpu.memref_slice %arg7[%add3A_259, %dma_start3A_311] : memref<8x128xi32, #tpu.memory_space<hbm>> -> memref<1x128xi32, #tpu.memory_space<hbm>>
    %dma_start3A_313 = tpu.memref_squeeze %dma_start3A_312 : memref<1x128xi32, #tpu.memory_space<hbm>> -> memref<128xi32, #tpu.memory_space<hbm>>
    tpu.enqueue_dma source(%dma_start3A_313 : memref<128xi32, #tpu.memory_space<hbm>>) target(%arg18 : memref<128xi32, #tpu.memory_space<vmem>>) target_semaphore(%arg31 : memref<!tpu.dma_semaphore, #tpu.memory_space<semaphore_mem>>)
    %dma_wait3A_314 = tpu.memref_slice %arg8[%add3A_171, %mul3A_0] : memref<8x32768xf32, #tpu.memory_space<hbm>> -> memref<1x2048xf32, #tpu.memory_space<hbm>>
    %dma_wait3A_315 = tpu.memref_squeeze %dma_wait3A_314 : memref<1x2048xf32, #tpu.memory_space<hbm>> -> memref<2048xf32, #tpu.memory_space<hbm>>
    %dma_wait3A_316 = tpu.memref_slice %arg8[%add3A_171, %mul3A_0] : memref<8x32768xf32, #tpu.memory_space<hbm>> -> memref<1x2048xf32, #tpu.memory_space<hbm>>
    %dma_wait3A_317 = tpu.memref_squeeze %dma_wait3A_316 : memref<1x2048xf32, #tpu.memory_space<hbm>> -> memref<2048xf32, #tpu.memory_space<hbm>>
    tpu.wait_dma2 semaphore(%arg31 : memref<!tpu.dma_semaphore, #tpu.memory_space<semaphore_mem>>) src(%arg29 : memref<2048xf32, #tpu.memory_space<vmem>>) dst(%dma_wait3A_317 : memref<2048xf32, #tpu.memory_space<hbm>>)
    %dma_wait3A_318 = tpu.memref_slice %arg9[%add3A_171, %mul3A_197] : memref<8x131072xf32, #tpu.memory_space<hbm>> -> memref<1x8192xf32, #tpu.memory_space<hbm>>
    %dma_wait3A_319 = tpu.memref_squeeze %dma_wait3A_318 : memref<1x8192xf32, #tpu.memory_space<hbm>> -> memref<8192xf32, #tpu.memory_space<hbm>>
    %dma_wait3A_320 = tpu.memref_slice %arg9[%add3A_171, %mul3A_197] : memref<8x131072xf32, #tpu.memory_space<hbm>> -> memref<1x8192xf32, #tpu.memory_space<hbm>>
    %dma_wait3A_321 = tpu.memref_squeeze %dma_wait3A_320 : memref<1x8192xf32, #tpu.memory_space<hbm>> -> memref<8192xf32, #tpu.memory_space<hbm>>
    tpu.wait_dma2 semaphore(%arg31 : memref<!tpu.dma_semaphore, #tpu.memory_space<semaphore_mem>>) src(%arg30 : memref<8192xf32, #tpu.memory_space<vmem>>) dst(%dma_wait3A_321 : memref<8192xf32, #tpu.memory_space<hbm>>)
    %mul3A_322 = arith.constant 4 : i32
    %mul3A_323 = arith.muli %arg0, %mul3A_322 : i32
    %add3A_324 = arith.constant 1 : i32
    %add3A_325 = arith.addi %mul3A_323, %add3A_324 : i32
    %scan3A_326 = arith.constant 0 : i32
    %scan3A_327 = arith.constant 0 : i32
    %scan3A_328 = arith.constant 8 : i32
    %scan3A_329 = arith.addi %scan3A_327, %scan3A_328 : i32
    %scan3A_330 = arith.constant 1 : i32
    %scan3A_331 = scf.for %scan3A_617 = %scan3A_327 to %scan3A_329 step %scan3A_330 iter_args(%scan3A_618 = %scan3A_326) -> (i32)  : i32 {
      %mul3A_619 = arith.constant 16 : i32
      %mul3A_620 = arith.muli %scan3A_617, %mul3A_619 : i32
      %get3A = arith.index_cast %mul3A_620 : i32 to index
      %get3A_621 = tpu.vector_load %arg21[%get3A] {strides = array<i32>} : memref<128xf32, #tpu.memory_space<vmem>>, vector<16xf32>,
      %max3A = arith.constant 3.000000e-01 : f32
      %max3A_622 = vector.broadcast %max3A : f32 to vector<16xf32>
      %max3A_623 = arith.maximumf %get3A_621, %max3A_622 : vector<16xf32>
      %swap3A = arith.index_cast %mul3A_620 : i32 to index
      %swap3A_624 = tpu.vector_load %arg28[%swap3A] {strides = array<i32>} : memref<128xf32, #tpu.memory_space<vmem>>, vector<16xf32>,
      tpu.vector_store %arg28[%swap3A], %max3A_623 {strides = array<i32>} : memref<128xf32, #tpu.memory_space<vmem>>, vector<16xf32>,
      %scan3A_625 = arith.constant 0 : i32
      scf.yield %scan3A_625 : i32
    }
    %scan3A_332 = arith.constant 8 : i32
    %scan3A_333 = arith.constant 0 : i32
    %scan3A_334 = arith.constant 0 : i32
    %scan3A_335 = arith.constant 100 : i32
    %scan3A_336 = arith.addi %scan3A_334, %scan3A_335 : i32
    %scan3A_337 = arith.constant 1 : i32
    %scan3A_338 = scf.for %scan3A_617 = %scan3A_334 to %scan3A_336 step %scan3A_337 iter_args(%scan3A_618 = %scan3A_333) -> (i32)  : i32 {
      %get3A = arith.index_cast %scan3A_617 : i32 to index
      %get3A_619 = tpu.vector_load %arg22[%get3A] {strides = array<i32>} : memref<128xi32, #tpu.memory_space<vmem>>, vector<16xi32>,
      %slice3A = vector.extract_strided_slice %get3A_619 {offsets = [0], sizes = [1], strides = [1]} : vector<16xi32> to vector<1xi32>
      %squeeze3A = vector.extract %slice3A[0] : i32 from vector<1xi32>
      %sub3A = arith.subi %squeeze3A, %mul3A_0 : i32
      %ge3A = arith.constant 0 : i32
      %ge3A_620 = arith.cmpi sge, %sub3A, %ge3A : i32
      %lt3A = arith.constant 2048 : i32
      %lt3A_621 = arith.cmpi slt, %sub3A, %lt3A : i32
      %and3A = arith.andi %ge3A_620, %lt3A_621 : i1
      %jit3A = arith.constant 0 : i32
      %jit3A_622 = arith.constant 2047 : i32
      %max3A = arith.maxsi %jit3A, %sub3A : i32
      %min3A = arith.minsi %jit3A_622, %max3A : i32
      %eq3A = arith.constant 0 : i32
      %eq3A_623 = vector.broadcast %eq3A : i32 to vector<16xi32>
      %eq3A_624 = arith.cmpi eq, %iota3A, %eq3A_623 : vector<16xi32>
      %broadcast_in_dim3A = vector.broadcast %and3A : i1 to vector<16xi1>
      %and3A_625 = arith.andi %eq3A_624, %broadcast_in_dim3A : vector<16xi1>
      %broadcast_in_dim3A_626 = vector.broadcast %min3A : i32 to vector<16xi32>
      %get3A_627 = arith.index_cast %scan3A_617 : i32 to index
      %get3A_628 = tpu.vector_load %arg21[%get3A_627] {strides = array<i32>} : memref<128xf32, #tpu.memory_space<vmem>>, vector<16xf32>,
      %slice3A_629 = vector.extract_strided_slice %get3A_628 {offsets = [0], sizes = [1], strides = [1]} : vector<16xf32> to vector<1xf32>
      %squeeze3A_630 = vector.extract %slice3A_629[0] : f32 from vector<1xf32>
      %broadcast_in_dim3A_631 = vector.broadcast %squeeze3A_630 : f32 to vector<16xf32>
      tpu.vector_store_idx %arg19[%broadcast_in_dim3A_626], %broadcast_in_dim3A_631 masked %and3A_625 : memref<2048xf32, #tpu.memory_space<vmem>>[vector<16xi32>], vector<16xf32>, vector<16xi1>
      %broadcast_in_dim3A_632 = vector.broadcast %scan3A_617 : i32 to vector<16xi32>
      tpu.vector_store_idx %arg20[%broadcast_in_dim3A_626], %broadcast_in_dim3A_632 masked %and3A_625 : memref<2048xi32, #tpu.memory_space<vmem>>[vector<16xi32>], vector<16xi32>, vector<16xi1>
      %scan3A_633 = arith.constant 0 : i32
      scf.yield %scan3A_633 : i32
    }
    %scan3A_339 = arith.constant 100 : i32
    %scan3A_340 = arith.constant 0 : i32
    %scan3A_341 = arith.constant 0 : i32
    %scan3A_342 = arith.constant 128 : i32
    %scan3A_343 = arith.addi %scan3A_341, %scan3A_342 : i32
    %scan3A_344 = arith.constant 1 : i32
    %scan3A_345 = scf.for %scan3A_617 = %scan3A_341 to %scan3A_343 step %scan3A_344 iter_args(%scan3A_618 = %scan3A_340) -> (i32)  : i32 {
      %mul3A_619 = arith.constant 16 : i32
      %mul3A_620 = arith.muli %scan3A_617, %mul3A_619 : i32
      %get3A = arith.index_cast %mul3A_620 : i32 to index
      %get3A_621 = tpu.vector_load %arg19[%get3A] {strides = array<i32>} : memref<2048xf32, #tpu.memory_space<vmem>>, vector<16xf32>,
      %get3A_622 = arith.index_cast %mul3A_620 : i32 to index
      %get3A_623 = tpu.vector_load %arg20[%get3A_622] {strides = array<i32>} : memref<2048xi32, #tpu.memory_space<vmem>>, vector<16xi32>,
      %gather3A = tpu.vector_load_idx %arg28[%get3A_623] : memref<128xf32, #tpu.memory_space<vmem>>[vector<16xi32>], vector<16xf32>,
      %gather3A_624 = tpu.vector_load_idx %arg27[%get3A_623] : memref<128xi32, #tpu.memory_space<vmem>>[vector<16xi32>], vector<16xi32>,
      %lt3A = arith.constant 1.500000e-01 : f32
      %lt3A_625 = vector.broadcast %lt3A : f32 to vector<16xf32>
      %lt3A_626 = arith.cmpf olt, %get3A_621, %lt3A_625 : vector<16xf32>
      %jit3A = arith.constant 0.000000e+00 : f32
      %broadcast_in_dim3A = vector.broadcast %jit3A : f32 to vector<16xf32>
      %select_n3A = arith.select %lt3A_626, %broadcast_in_dim3A, %get3A_621 : vector<16xi1>, vector<16xf32>
      %div3A = arith.divf %select_n3A, %gather3A : vector<16xf32>
      %le3A = arith.constant 0 : i32
      %le3A_627 = vector.broadcast %le3A : i32 to vector<16xi32>
      %le3A_628 = arith.cmpi sle, %gather3A_624, %le3A_627 : vector<16xi32>
      %broadcast_in_dim3A_629 = arith.constant 0.000000e+00 : f32
      %broadcast_in_dim3A_630 = vector.broadcast %broadcast_in_dim3A_629 : f32 to vector<16xf32>
      %select_n3A_631 = arith.select %le3A_628, %broadcast_in_dim3A_630, %div3A : vector<16xi1>, vector<16xf32>
      %swap3A = arith.index_cast %mul3A_620 : i32 to index
      %swap3A_632 = tpu.vector_load %arg29[%swap3A] {strides = array<i32>} : memref<2048xf32, #tpu.memory_space<vmem>>, vector<16xf32>,
      tpu.vector_store %arg29[%swap3A], %select_n3A_631 {strides = array<i32>} : memref<2048xf32, #tpu.memory_space<vmem>>, vector<16xf32>,
      %broadcast_in_dim3A_633 = vector.broadcast %mul3A_620 : i32 to vector<16xi32>
      %add3A_634 = arith.addi %broadcast_in_dim3A_633, %iota3A : vector<16xi32>
      %mul3A_635 = arith.constant 4 : i32
      %mul3A_636 = vector.broadcast %mul3A_635 : i32 to vector<16xi32>
      %mul3A_637 = arith.muli %add3A_634, %mul3A_636 : vector<16xi32>
      %gather3A_638 = tpu.vector_load_idx %arg23[%get3A_623] : memref<128xf32, #tpu.memory_space<vmem>>[vector<16xi32>], vector<16xf32>,
      %add3A_639 = arith.constant 0 : i32
      %add3A_640 = vector.broadcast %add3A_639 : i32 to vector<16xi32>
      %add3A_641 = arith.addi %mul3A_637, %add3A_640 : vector<16xi32>
      tpu.vector_store_idx %arg30[%add3A_641], %gather3A_638 : memref<8192xf32, #tpu.memory_space<vmem>>[vector<16xi32>], vector<16xf32>,
      %gather3A_642 = tpu.vector_load_idx %arg24[%get3A_623] : memref<128xf32, #tpu.memory_space<vmem>>[vector<16xi32>], vector<16xf32>,
      %add3A_643 = arith.constant 1 : i32
      %add3A_644 = vector.broadcast %add3A_643 : i32 to vector<16xi32>
      %add3A_645 = arith.addi %mul3A_637, %add3A_644 : vector<16xi32>
      tpu.vector_store_idx %arg30[%add3A_645], %gather3A_642 : memref<8192xf32, #tpu.memory_space<vmem>>[vector<16xi32>], vector<16xf32>,
      %gather3A_646 = tpu.vector_load_idx %arg25[%get3A_623] : memref<128xf32, #tpu.memory_space<vmem>>[vector<16xi32>], vector<16xf32>,
      %add3A_647 = arith.constant 2 : i32
      %add3A_648 = vector.broadcast %add3A_647 : i32 to vector<16xi32>
      %add3A_649 = arith.addi %mul3A_637, %add3A_648 : vector<16xi32>
      tpu.vector_store_idx %arg30[%add3A_649], %gather3A_646 : memref<8192xf32, #tpu.memory_space<vmem>>[vector<16xi32>], vector<16xf32>,
      %gather3A_650 = tpu.vector_load_idx %arg26[%get3A_623] : memref<128xf32, #tpu.memory_space<vmem>>[vector<16xi32>], vector<16xf32>,
      %add3A_651 = arith.constant 3 : i32
      %add3A_652 = vector.broadcast %add3A_651 : i32 to vector<16xi32>
      %add3A_653 = arith.addi %mul3A_637, %add3A_652 : vector<16xi32>
      tpu.vector_store_idx %arg30[%add3A_653], %gather3A_650 : memref<8192xf32, #tpu.memory_space<vmem>>[vector<16xi32>], vector<16xf32>,
      %scan3A_654 = arith.constant 0 : i32
      scf.yield %scan3A_654 : i32
    }
    %scan3A_346 = arith.constant 128 : i32
    %dma_start3A_347 = tpu.memref_slice %arg8[%add3A_325, %mul3A_0] : memref<8x32768xf32, #tpu.memory_space<hbm>> -> memref<1x2048xf32, #tpu.memory_space<hbm>>
    %dma_start3A_348 = tpu.memref_squeeze %dma_start3A_347 : memref<1x2048xf32, #tpu.memory_space<hbm>> -> memref<2048xf32, #tpu.memory_space<hbm>>
    %dma_start3A_349 = tpu.memref_slice %arg8[%add3A_325, %mul3A_0] : memref<8x32768xf32, #tpu.memory_space<hbm>> -> memref<1x2048xf32, #tpu.memory_space<hbm>>
    %dma_start3A_350 = tpu.memref_squeeze %dma_start3A_349 : memref<1x2048xf32, #tpu.memory_space<hbm>> -> memref<2048xf32, #tpu.memory_space<hbm>>
    tpu.enqueue_dma source(%arg29 : memref<2048xf32, #tpu.memory_space<vmem>>) target(%dma_start3A_350 : memref<2048xf32, #tpu.memory_space<hbm>>) target_semaphore(%arg31 : memref<!tpu.dma_semaphore, #tpu.memory_space<semaphore_mem>>)
    %mul3A_351 = arith.constant 4 : i32
    %mul3A_352 = arith.muli %mul3A_0, %mul3A_351 : i32
    %dma_start3A_353 = tpu.memref_slice %arg9[%add3A_325, %mul3A_352] : memref<8x131072xf32, #tpu.memory_space<hbm>> -> memref<1x8192xf32, #tpu.memory_space<hbm>>
    %dma_start3A_354 = tpu.memref_squeeze %dma_start3A_353 : memref<1x8192xf32, #tpu.memory_space<hbm>> -> memref<8192xf32, #tpu.memory_space<hbm>>
    %dma_start3A_355 = tpu.memref_slice %arg9[%add3A_325, %mul3A_352] : memref<8x131072xf32, #tpu.memory_space<hbm>> -> memref<1x8192xf32, #tpu.memory_space<hbm>>
    %dma_start3A_356 = tpu.memref_squeeze %dma_start3A_355 : memref<1x8192xf32, #tpu.memory_space<hbm>> -> memref<8192xf32, #tpu.memory_space<hbm>>
    tpu.enqueue_dma source(%arg30 : memref<8192xf32, #tpu.memory_space<vmem>>) target(%dma_start3A_356 : memref<8192xf32, #tpu.memory_space<hbm>>) target_semaphore(%arg31 : memref<!tpu.dma_semaphore, #tpu.memory_space<semaphore_mem>>)
    %dma_wait3A_357 = tpu.memref_slice %arg2[%add3A_259, %mul3A_0] : memref<8x32768xf32, #tpu.memory_space<hbm>> -> memref<1x2048xf32, #tpu.memory_space<hbm>>
    %dma_wait3A_358 = tpu.memref_squeeze %dma_wait3A_357 : memref<1x2048xf32, #tpu.memory_space<hbm>> -> memref<2048xf32, #tpu.memory_space<hbm>>
    %dma_wait3A_359 = tpu.memref_slice %arg2[%add3A_259, %mul3A_0] : memref<8x32768xf32, #tpu.memory_space<hbm>> -> memref<1x2048xf32, #tpu.memory_space<hbm>>
    %dma_wait3A_360 = tpu.memref_squeeze %dma_wait3A_359 : memref<1x2048xf32, #tpu.memory_space<hbm>> -> memref<2048xf32, #tpu.memory_space<hbm>>
    tpu.wait_dma2 semaphore(%arg31 : memref<!tpu.dma_semaphore, #tpu.memory_space<semaphore_mem>>) src(%dma_wait3A_360 : memref<2048xf32, #tpu.memory_space<hbm>>) dst(%arg10 : memref<2048xf32, #tpu.memory_space<vmem>>)
    %dma_wait3A_361 = tpu.memref_slice %arg3[%add3A_259, %mul3A_0] : memref<8x32768xi32, #tpu.memory_space<hbm>> -> memref<1x2048xi32, #tpu.memory_space<hbm>>
    %dma_wait3A_362 = tpu.memref_squeeze %dma_wait3A_361 : memref<1x2048xi32, #tpu.memory_space<hbm>> -> memref<2048xi32, #tpu.memory_space<hbm>>
    %dma_wait3A_363 = tpu.memref_slice %arg3[%add3A_259, %mul3A_0] : memref<8x32768xi32, #tpu.memory_space<hbm>> -> memref<1x2048xi32, #tpu.memory_space<hbm>>
    %dma_wait3A_364 = tpu.memref_squeeze %dma_wait3A_363 : memref<1x2048xi32, #tpu.memory_space<hbm>> -> memref<2048xi32, #tpu.memory_space<hbm>>
    tpu.wait_dma2 semaphore(%arg31 : memref<!tpu.dma_semaphore, #tpu.memory_space<semaphore_mem>>) src(%dma_wait3A_364 : memref<2048xi32, #tpu.memory_space<hbm>>) dst(%arg11 : memref<2048xi32, #tpu.memory_space<vmem>>)
    %dma_wait3A_365 = arith.constant 0 : i32
    %dma_wait3A_366 = tpu.memref_slice %arg4[%add3A_259, %dma_wait3A_365] : memref<8x128xf32, #tpu.memory_space<hbm>> -> memref<1x128xf32, #tpu.memory_space<hbm>>
    %dma_wait3A_367 = tpu.memref_squeeze %dma_wait3A_366 : memref<1x128xf32, #tpu.memory_space<hbm>> -> memref<128xf32, #tpu.memory_space<hbm>>
    %dma_wait3A_368 = arith.constant 0 : i32
    %dma_wait3A_369 = tpu.memref_slice %arg4[%add3A_259, %dma_wait3A_368] : memref<8x128xf32, #tpu.memory_space<hbm>> -> memref<1x128xf32, #tpu.memory_space<hbm>>
    %dma_wait3A_370 = tpu.memref_squeeze %dma_wait3A_369 : memref<1x128xf32, #tpu.memory_space<hbm>> -> memref<128xf32, #tpu.memory_space<hbm>>
    tpu.wait_dma2 semaphore(%arg31 : memref<!tpu.dma_semaphore, #tpu.memory_space<semaphore_mem>>) src(%dma_wait3A_370 : memref<128xf32, #tpu.memory_space<hbm>>) dst(%arg12 : memref<128xf32, #tpu.memory_space<vmem>>)
    %dma_wait3A_371 = arith.constant 0 : i32
    %dma_wait3A_372 = tpu.memref_slice %arg5[%add3A_259, %dma_wait3A_371] : memref<8x128xi32, #tpu.memory_space<hbm>> -> memref<1x128xi32, #tpu.memory_space<hbm>>
    %dma_wait3A_373 = tpu.memref_squeeze %dma_wait3A_372 : memref<1x128xi32, #tpu.memory_space<hbm>> -> memref<128xi32, #tpu.memory_space<hbm>>
    %dma_wait3A_374 = arith.constant 0 : i32
    %dma_wait3A_375 = tpu.memref_slice %arg5[%add3A_259, %dma_wait3A_374] : memref<8x128xi32, #tpu.memory_space<hbm>> -> memref<1x128xi32, #tpu.memory_space<hbm>>
    %dma_wait3A_376 = tpu.memref_squeeze %dma_wait3A_375 : memref<1x128xi32, #tpu.memory_space<hbm>> -> memref<128xi32, #tpu.memory_space<hbm>>
    tpu.wait_dma2 semaphore(%arg31 : memref<!tpu.dma_semaphore, #tpu.memory_space<semaphore_mem>>) src(%dma_wait3A_376 : memref<128xi32, #tpu.memory_space<hbm>>) dst(%arg13 : memref<128xi32, #tpu.memory_space<vmem>>)
    %dma_wait3A_377 = arith.constant 0 : i32
    %dma_wait3A_378 = arith.constant 0 : i32
    %dma_wait3A_379 = tpu.memref_slice %arg6[%add3A_259, %dma_wait3A_377, %dma_wait3A_378] : memref<8x4x128xf32, #tpu.memory_space<hbm>> -> memref<1x1x128xf32, #tpu.memory_space<hbm>>
    %dma_wait3A_380 = tpu.memref_squeeze %dma_wait3A_379 : memref<1x1x128xf32, #tpu.memory_space<hbm>> -> memref<128xf32, #tpu.memory_space<hbm>>
    %dma_wait3A_381 = arith.constant 0 : i32
    %dma_wait3A_382 = tpu.memref_slice %arg6[%add3A_259, %dma_wait3A_377, %dma_wait3A_381] : memref<8x4x128xf32, #tpu.memory_space<hbm>> -> memref<1x1x128xf32, #tpu.memory_space<hbm>>
    %dma_wait3A_383 = tpu.memref_squeeze %dma_wait3A_382 : memref<1x1x128xf32, #tpu.memory_space<hbm>> -> memref<128xf32, #tpu.memory_space<hbm>>
    tpu.wait_dma2 semaphore(%arg31 : memref<!tpu.dma_semaphore, #tpu.memory_space<semaphore_mem>>) src(%dma_wait3A_383 : memref<128xf32, #tpu.memory_space<hbm>>) dst(%arg14 : memref<128xf32, #tpu.memory_space<vmem>>)
    %dma_wait3A_384 = arith.constant 1 : i32
    %dma_wait3A_385 = arith.constant 0 : i32
    %dma_wait3A_386 = tpu.memref_slice %arg6[%add3A_259, %dma_wait3A_384, %dma_wait3A_385] : memref<8x4x128xf32, #tpu.memory_space<hbm>> -> memref<1x1x128xf32, #tpu.memory_space<hbm>>
    %dma_wait3A_387 = tpu.memref_squeeze %dma_wait3A_386 : memref<1x1x128xf32, #tpu.memory_space<hbm>> -> memref<128xf32, #tpu.memory_space<hbm>>
    %dma_wait3A_388 = arith.constant 0 : i32
    %dma_wait3A_389 = tpu.memref_slice %arg6[%add3A_259, %dma_wait3A_384, %dma_wait3A_388] : memref<8x4x128xf32, #tpu.memory_space<hbm>> -> memref<1x1x128xf32, #tpu.memory_space<hbm>>
    %dma_wait3A_390 = tpu.memref_squeeze %dma_wait3A_389 : memref<1x1x128xf32, #tpu.memory_space<hbm>> -> memref<128xf32, #tpu.memory_space<hbm>>
    tpu.wait_dma2 semaphore(%arg31 : memref<!tpu.dma_semaphore, #tpu.memory_space<semaphore_mem>>) src(%dma_wait3A_390 : memref<128xf32, #tpu.memory_space<hbm>>) dst(%arg15 : memref<128xf32, #tpu.memory_space<vmem>>)
    %dma_wait3A_391 = arith.constant 2 : i32
    %dma_wait3A_392 = arith.constant 0 : i32
    %dma_wait3A_393 = tpu.memref_slice %arg6[%add3A_259, %dma_wait3A_391, %dma_wait3A_392] : memref<8x4x128xf32, #tpu.memory_space<hbm>> -> memref<1x1x128xf32, #tpu.memory_space<hbm>>
    %dma_wait3A_394 = tpu.memref_squeeze %dma_wait3A_393 : memref<1x1x128xf32, #tpu.memory_space<hbm>> -> memref<128xf32, #tpu.memory_space<hbm>>
    %dma_wait3A_395 = arith.constant 0 : i32
    %dma_wait3A_396 = tpu.memref_slice %arg6[%add3A_259, %dma_wait3A_391, %dma_wait3A_395] : memref<8x4x128xf32, #tpu.memory_space<hbm>> -> memref<1x1x128xf32, #tpu.memory_space<hbm>>
    %dma_wait3A_397 = tpu.memref_squeeze %dma_wait3A_396 : memref<1x1x128xf32, #tpu.memory_space<hbm>> -> memref<128xf32, #tpu.memory_space<hbm>>
    tpu.wait_dma2 semaphore(%arg31 : memref<!tpu.dma_semaphore, #tpu.memory_space<semaphore_mem>>) src(%dma_wait3A_397 : memref<128xf32, #tpu.memory_space<hbm>>) dst(%arg16 : memref<128xf32, #tpu.memory_space<vmem>>)
    %dma_wait3A_398 = arith.constant 3 : i32
    %dma_wait3A_399 = arith.constant 0 : i32
    %dma_wait3A_400 = tpu.memref_slice %arg6[%add3A_259, %dma_wait3A_398, %dma_wait3A_399] : memref<8x4x128xf32, #tpu.memory_space<hbm>> -> memref<1x1x128xf32, #tpu.memory_space<hbm>>
    %dma_wait3A_401 = tpu.memref_squeeze %dma_wait3A_400 : memref<1x1x128xf32, #tpu.memory_space<hbm>> -> memref<128xf32, #tpu.memory_space<hbm>>
    %dma_wait3A_402 = arith.constant 0 : i32
    %dma_wait3A_403 = tpu.memref_slice %arg6[%add3A_259, %dma_wait3A_398, %dma_wait3A_402] : memref<8x4x128xf32, #tpu.memory_space<hbm>> -> memref<1x1x128xf32, #tpu.memory_space<hbm>>
    %dma_wait3A_404 = tpu.memref_squeeze %dma_wait3A_403 : memref<1x1x128xf32, #tpu.memory_space<hbm>> -> memref<128xf32, #tpu.memory_space<hbm>>
    tpu.wait_dma2 semaphore(%arg31 : memref<!tpu.dma_semaphore, #tpu.memory_space<semaphore_mem>>) src(%dma_wait3A_404 : memref<128xf32, #tpu.memory_space<hbm>>) dst(%arg17 : memref<128xf32, #tpu.memory_space<vmem>>)
    %dma_wait3A_405 = arith.constant 0 : i32
    %dma_wait3A_406 = tpu.memref_slice %arg7[%add3A_259, %dma_wait3A_405] : memref<8x128xi32, #tpu.memory_space<hbm>> -> memref<1x128xi32, #tpu.memory_space<hbm>>
    %dma_wait3A_407 = tpu.memref_squeeze %dma_wait3A_406 : memref<1x128xi32, #tpu.memory_space<hbm>> -> memref<128xi32, #tpu.memory_space<hbm>>
    %dma_wait3A_408 = arith.constant 0 : i32
    %dma_wait3A_409 = tpu.memref_slice %arg7[%add3A_259, %dma_wait3A_408] : memref<8x128xi32, #tpu.memory_space<hbm>> -> memref<1x128xi32, #tpu.memory_space<hbm>>
    %dma_wait3A_410 = tpu.memref_squeeze %dma_wait3A_409 : memref<1x128xi32, #tpu.memory_space<hbm>> -> memref<128xi32, #tpu.memory_space<hbm>>
    tpu.wait_dma2 semaphore(%arg31 : memref<!tpu.dma_semaphore, #tpu.memory_space<semaphore_mem>>) src(%dma_wait3A_410 : memref<128xi32, #tpu.memory_space<hbm>>) dst(%arg18 : memref<128xi32, #tpu.memory_space<vmem>>)
    %mul3A_411 = arith.constant 4 : i32
    %mul3A_412 = arith.muli %arg0, %mul3A_411 : i32
    %add3A_413 = arith.constant 3 : i32
    %add3A_414 = arith.addi %mul3A_412, %add3A_413 : i32
    %dma_start3A_415 = tpu.memref_slice %arg2[%add3A_414, %mul3A_0] : memref<8x32768xf32, #tpu.memory_space<hbm>> -> memref<1x2048xf32, #tpu.memory_space<hbm>>
    %dma_start3A_416 = tpu.memref_squeeze %dma_start3A_415 : memref<1x2048xf32, #tpu.memory_space<hbm>> -> memref<2048xf32, #tpu.memory_space<hbm>>
    %dma_start3A_417 = tpu.memref_slice %arg2[%add3A_414, %mul3A_0] : memref<8x32768xf32, #tpu.memory_space<hbm>> -> memref<1x2048xf32, #tpu.memory_space<hbm>>
    %dma_start3A_418 = tpu.memref_squeeze %dma_start3A_417 : memref<1x2048xf32, #tpu.memory_space<hbm>> -> memref<2048xf32, #tpu.memory_space<hbm>>
    tpu.enqueue_dma source(%dma_start3A_418 : memref<2048xf32, #tpu.memory_space<hbm>>) target(%arg19 : memref<2048xf32, #tpu.memory_space<vmem>>) target_semaphore(%arg31 : memref<!tpu.dma_semaphore, #tpu.memory_space<semaphore_mem>>)
    %dma_start3A_419 = tpu.memref_slice %arg3[%add3A_414, %mul3A_0] : memref<8x32768xi32, #tpu.memory_space<hbm>> -> memref<1x2048xi32, #tpu.memory_space<hbm>>
    %dma_start3A_420 = tpu.memref_squeeze %dma_start3A_419 : memref<1x2048xi32, #tpu.memory_space<hbm>> -> memref<2048xi32, #tpu.memory_space<hbm>>
    %dma_start3A_421 = tpu.memref_slice %arg3[%add3A_414, %mul3A_0] : memref<8x32768xi32, #tpu.memory_space<hbm>> -> memref<1x2048xi32, #tpu.memory_space<hbm>>
    %dma_start3A_422 = tpu.memref_squeeze %dma_start3A_421 : memref<1x2048xi32, #tpu.memory_space<hbm>> -> memref<2048xi32, #tpu.memory_space<hbm>>
    tpu.enqueue_dma source(%dma_start3A_422 : memref<2048xi32, #tpu.memory_space<hbm>>) target(%arg20 : memref<2048xi32, #tpu.memory_space<vmem>>) target_semaphore(%arg31 : memref<!tpu.dma_semaphore, #tpu.memory_space<semaphore_mem>>)
    %dma_start3A_423 = arith.constant 0 : i32
    %dma_start3A_424 = tpu.memref_slice %arg4[%add3A_414, %dma_start3A_423] : memref<8x128xf32, #tpu.memory_space<hbm>> -> memref<1x128xf32, #tpu.memory_space<hbm>>
    %dma_start3A_425 = tpu.memref_squeeze %dma_start3A_424 : memref<1x128xf32, #tpu.memory_space<hbm>> -> memref<128xf32, #tpu.memory_space<hbm>>
    %dma_start3A_426 = arith.constant 0 : i32
    %dma_start3A_427 = tpu.memref_slice %arg4[%add3A_414, %dma_start3A_426] : memref<8x128xf32, #tpu.memory_space<hbm>> -> memref<1x128xf32, #tpu.memory_space<hbm>>
    %dma_start3A_428 = tpu.memref_squeeze %dma_start3A_427 : memref<1x128xf32, #tpu.memory_space<hbm>> -> memref<128xf32, #tpu.memory_space<hbm>>
    tpu.enqueue_dma source(%dma_start3A_428 : memref<128xf32, #tpu.memory_space<hbm>>) target(%arg21 : memref<128xf32, #tpu.memory_space<vmem>>) target_semaphore(%arg31 : memref<!tpu.dma_semaphore, #tpu.memory_space<semaphore_mem>>)
    %dma_start3A_429 = arith.constant 0 : i32
    %dma_start3A_430 = tpu.memref_slice %arg5[%add3A_414, %dma_start3A_429] : memref<8x128xi32, #tpu.memory_space<hbm>> -> memref<1x128xi32, #tpu.memory_space<hbm>>
    %dma_start3A_431 = tpu.memref_squeeze %dma_start3A_430 : memref<1x128xi32, #tpu.memory_space<hbm>> -> memref<128xi32, #tpu.memory_space<hbm>>
    %dma_start3A_432 = arith.constant 0 : i32
    %dma_start3A_433 = tpu.memref_slice %arg5[%add3A_414, %dma_start3A_432] : memref<8x128xi32, #tpu.memory_space<hbm>> -> memref<1x128xi32, #tpu.memory_space<hbm>>
    %dma_start3A_434 = tpu.memref_squeeze %dma_start3A_433 : memref<1x128xi32, #tpu.memory_space<hbm>> -> memref<128xi32, #tpu.memory_space<hbm>>
    tpu.enqueue_dma source(%dma_start3A_434 : memref<128xi32, #tpu.memory_space<hbm>>) target(%arg22 : memref<128xi32, #tpu.memory_space<vmem>>) target_semaphore(%arg31 : memref<!tpu.dma_semaphore, #tpu.memory_space<semaphore_mem>>)
    %dma_start3A_435 = arith.constant 0 : i32
    %dma_start3A_436 = arith.constant 0 : i32
    %dma_start3A_437 = tpu.memref_slice %arg6[%add3A_414, %dma_start3A_435, %dma_start3A_436] : memref<8x4x128xf32, #tpu.memory_space<hbm>> -> memref<1x1x128xf32, #tpu.memory_space<hbm>>
    %dma_start3A_438 = tpu.memref_squeeze %dma_start3A_437 : memref<1x1x128xf32, #tpu.memory_space<hbm>> -> memref<128xf32, #tpu.memory_space<hbm>>
    %dma_start3A_439 = arith.constant 0 : i32
    %dma_start3A_440 = tpu.memref_slice %arg6[%add3A_414, %dma_start3A_435, %dma_start3A_439] : memref<8x4x128xf32, #tpu.memory_space<hbm>> -> memref<1x1x128xf32, #tpu.memory_space<hbm>>
    %dma_start3A_441 = tpu.memref_squeeze %dma_start3A_440 : memref<1x1x128xf32, #tpu.memory_space<hbm>> -> memref<128xf32, #tpu.memory_space<hbm>>
    tpu.enqueue_dma source(%dma_start3A_441 : memref<128xf32, #tpu.memory_space<hbm>>) target(%arg23 : memref<128xf32, #tpu.memory_space<vmem>>) target_semaphore(%arg31 : memref<!tpu.dma_semaphore, #tpu.memory_space<semaphore_mem>>)
    %dma_start3A_442 = arith.constant 1 : i32
    %dma_start3A_443 = arith.constant 0 : i32
    %dma_start3A_444 = tpu.memref_slice %arg6[%add3A_414, %dma_start3A_442, %dma_start3A_443] : memref<8x4x128xf32, #tpu.memory_space<hbm>> -> memref<1x1x128xf32, #tpu.memory_space<hbm>>
    %dma_start3A_445 = tpu.memref_squeeze %dma_start3A_444 : memref<1x1x128xf32, #tpu.memory_space<hbm>> -> memref<128xf32, #tpu.memory_space<hbm>>
    %dma_start3A_446 = arith.constant 0 : i32
    %dma_start3A_447 = tpu.memref_slice %arg6[%add3A_414, %dma_start3A_442, %dma_start3A_446] : memref<8x4x128xf32, #tpu.memory_space<hbm>> -> memref<1x1x128xf32, #tpu.memory_space<hbm>>
    %dma_start3A_448 = tpu.memref_squeeze %dma_start3A_447 : memref<1x1x128xf32, #tpu.memory_space<hbm>> -> memref<128xf32, #tpu.memory_space<hbm>>
    tpu.enqueue_dma source(%dma_start3A_448 : memref<128xf32, #tpu.memory_space<hbm>>) target(%arg24 : memref<128xf32, #tpu.memory_space<vmem>>) target_semaphore(%arg31 : memref<!tpu.dma_semaphore, #tpu.memory_space<semaphore_mem>>)
    %dma_start3A_449 = arith.constant 2 : i32
    %dma_start3A_450 = arith.constant 0 : i32
    %dma_start3A_451 = tpu.memref_slice %arg6[%add3A_414, %dma_start3A_449, %dma_start3A_450] : memref<8x4x128xf32, #tpu.memory_space<hbm>> -> memref<1x1x128xf32, #tpu.memory_space<hbm>>
    %dma_start3A_452 = tpu.memref_squeeze %dma_start3A_451 : memref<1x1x128xf32, #tpu.memory_space<hbm>> -> memref<128xf32, #tpu.memory_space<hbm>>
    %dma_start3A_453 = arith.constant 0 : i32
    %dma_start3A_454 = tpu.memref_slice %arg6[%add3A_414, %dma_start3A_449, %dma_start3A_453] : memref<8x4x128xf32, #tpu.memory_space<hbm>> -> memref<1x1x128xf32, #tpu.memory_space<hbm>>
    %dma_start3A_455 = tpu.memref_squeeze %dma_start3A_454 : memref<1x1x128xf32, #tpu.memory_space<hbm>> -> memref<128xf32, #tpu.memory_space<hbm>>
    tpu.enqueue_dma source(%dma_start3A_455 : memref<128xf32, #tpu.memory_space<hbm>>) target(%arg25 : memref<128xf32, #tpu.memory_space<vmem>>) target_semaphore(%arg31 : memref<!tpu.dma_semaphore, #tpu.memory_space<semaphore_mem>>)
    %dma_start3A_456 = arith.constant 3 : i32
    %dma_start3A_457 = arith.constant 0 : i32
    %dma_start3A_458 = tpu.memref_slice %arg6[%add3A_414, %dma_start3A_456, %dma_start3A_457] : memref<8x4x128xf32, #tpu.memory_space<hbm>> -> memref<1x1x128xf32, #tpu.memory_space<hbm>>
    %dma_start3A_459 = tpu.memref_squeeze %dma_start3A_458 : memref<1x1x128xf32, #tpu.memory_space<hbm>> -> memref<128xf32, #tpu.memory_space<hbm>>
    %dma_start3A_460 = arith.constant 0 : i32
    %dma_start3A_461 = tpu.memref_slice %arg6[%add3A_414, %dma_start3A_456, %dma_start3A_460] : memref<8x4x128xf32, #tpu.memory_space<hbm>> -> memref<1x1x128xf32, #tpu.memory_space<hbm>>
    %dma_start3A_462 = tpu.memref_squeeze %dma_start3A_461 : memref<1x1x128xf32, #tpu.memory_space<hbm>> -> memref<128xf32, #tpu.memory_space<hbm>>
    tpu.enqueue_dma source(%dma_start3A_462 : memref<128xf32, #tpu.memory_space<hbm>>) target(%arg26 : memref<128xf32, #tpu.memory_space<vmem>>) target_semaphore(%arg31 : memref<!tpu.dma_semaphore, #tpu.memory_space<semaphore_mem>>)
    %dma_start3A_463 = arith.constant 0 : i32
    %dma_start3A_464 = tpu.memref_slice %arg7[%add3A_414, %dma_start3A_463] : memref<8x128xi32, #tpu.memory_space<hbm>> -> memref<1x128xi32, #tpu.memory_space<hbm>>
    %dma_start3A_465 = tpu.memref_squeeze %dma_start3A_464 : memref<1x128xi32, #tpu.memory_space<hbm>> -> memref<128xi32, #tpu.memory_space<hbm>>
    %dma_start3A_466 = arith.constant 0 : i32
    %dma_start3A_467 = tpu.memref_slice %arg7[%add3A_414, %dma_start3A_466] : memref<8x128xi32, #tpu.memory_space<hbm>> -> memref<1x128xi32, #tpu.memory_space<hbm>>
    %dma_start3A_468 = tpu.memref_squeeze %dma_start3A_467 : memref<1x128xi32, #tpu.memory_space<hbm>> -> memref<128xi32, #tpu.memory_space<hbm>>
    tpu.enqueue_dma source(%dma_start3A_468 : memref<128xi32, #tpu.memory_space<hbm>>) target(%arg27 : memref<128xi32, #tpu.memory_space<vmem>>) target_semaphore(%arg31 : memref<!tpu.dma_semaphore, #tpu.memory_space<semaphore_mem>>)
    %dma_wait3A_469 = tpu.memref_slice %arg8[%add3A_325, %mul3A_0] : memref<8x32768xf32, #tpu.memory_space<hbm>> -> memref<1x2048xf32, #tpu.memory_space<hbm>>
    %dma_wait3A_470 = tpu.memref_squeeze %dma_wait3A_469 : memref<1x2048xf32, #tpu.memory_space<hbm>> -> memref<2048xf32, #tpu.memory_space<hbm>>
    %dma_wait3A_471 = tpu.memref_slice %arg8[%add3A_325, %mul3A_0] : memref<8x32768xf32, #tpu.memory_space<hbm>> -> memref<1x2048xf32, #tpu.memory_space<hbm>>
    %dma_wait3A_472 = tpu.memref_squeeze %dma_wait3A_471 : memref<1x2048xf32, #tpu.memory_space<hbm>> -> memref<2048xf32, #tpu.memory_space<hbm>>
    tpu.wait_dma2 semaphore(%arg31 : memref<!tpu.dma_semaphore, #tpu.memory_space<semaphore_mem>>) src(%arg29 : memref<2048xf32, #tpu.memory_space<vmem>>) dst(%dma_wait3A_472 : memref<2048xf32, #tpu.memory_space<hbm>>)
    %dma_wait3A_473 = tpu.memref_slice %arg9[%add3A_325, %mul3A_352] : memref<8x131072xf32, #tpu.memory_space<hbm>> -> memref<1x8192xf32, #tpu.memory_space<hbm>>
    %dma_wait3A_474 = tpu.memref_squeeze %dma_wait3A_473 : memref<1x8192xf32, #tpu.memory_space<hbm>> -> memref<8192xf32, #tpu.memory_space<hbm>>
    %dma_wait3A_475 = tpu.memref_slice %arg9[%add3A_325, %mul3A_352] : memref<8x131072xf32, #tpu.memory_space<hbm>> -> memref<1x8192xf32, #tpu.memory_space<hbm>>
    %dma_wait3A_476 = tpu.memref_squeeze %dma_wait3A_475 : memref<1x8192xf32, #tpu.memory_space<hbm>> -> memref<8192xf32, #tpu.memory_space<hbm>>
    tpu.wait_dma2 semaphore(%arg31 : memref<!tpu.dma_semaphore, #tpu.memory_space<semaphore_mem>>) src(%arg30 : memref<8192xf32, #tpu.memory_space<vmem>>) dst(%dma_wait3A_476 : memref<8192xf32, #tpu.memory_space<hbm>>)
    %mul3A_477 = arith.constant 4 : i32
    %mul3A_478 = arith.muli %arg0, %mul3A_477 : i32
    %add3A_479 = arith.constant 2 : i32
    %add3A_480 = arith.addi %mul3A_478, %add3A_479 : i32
    %scan3A_481 = arith.constant 0 : i32
    %scan3A_482 = arith.constant 0 : i32
    %scan3A_483 = arith.constant 8 : i32
    %scan3A_484 = arith.addi %scan3A_482, %scan3A_483 : i32
    %scan3A_485 = arith.constant 1 : i32
    %scan3A_486 = scf.for %scan3A_617 = %scan3A_482 to %scan3A_484 step %scan3A_485 iter_args(%scan3A_618 = %scan3A_481) -> (i32)  : i32 {
      %mul3A_619 = arith.constant 16 : i32
      %mul3A_620 = arith.muli %scan3A_617, %mul3A_619 : i32
      %get3A = arith.index_cast %mul3A_620 : i32 to index
      %get3A_621 = tpu.vector_load %arg12[%get3A] {strides = array<i32>} : memref<128xf32, #tpu.memory_space<vmem>>, vector<16xf32>,
      %max3A = arith.constant 3.000000e-01 : f32
      %max3A_622 = vector.broadcast %max3A : f32 to vector<16xf32>
      %max3A_623 = arith.maximumf %get3A_621, %max3A_622 : vector<16xf32>
      %swap3A = arith.index_cast %mul3A_620 : i32 to index
      %swap3A_624 = tpu.vector_load %arg28[%swap3A] {strides = array<i32>} : memref<128xf32, #tpu.memory_space<vmem>>, vector<16xf32>,
      tpu.vector_store %arg28[%swap3A], %max3A_623 {strides = array<i32>} : memref<128xf32, #tpu.memory_space<vmem>>, vector<16xf32>,
      %scan3A_625 = arith.constant 0 : i32
      scf.yield %scan3A_625 : i32
    }
    %scan3A_487 = arith.constant 8 : i32
    %scan3A_488 = arith.constant 0 : i32
    %scan3A_489 = arith.constant 0 : i32
    %scan3A_490 = arith.constant 100 : i32
    %scan3A_491 = arith.addi %scan3A_489, %scan3A_490 : i32
    %scan3A_492 = arith.constant 1 : i32
    %scan3A_493 = scf.for %scan3A_617 = %scan3A_489 to %scan3A_491 step %scan3A_492 iter_args(%scan3A_618 = %scan3A_488) -> (i32)  : i32 {
      %get3A = arith.index_cast %scan3A_617 : i32 to index
      %get3A_619 = tpu.vector_load %arg13[%get3A] {strides = array<i32>} : memref<128xi32, #tpu.memory_space<vmem>>, vector<16xi32>,
      %slice3A = vector.extract_strided_slice %get3A_619 {offsets = [0], sizes = [1], strides = [1]} : vector<16xi32> to vector<1xi32>
      %squeeze3A = vector.extract %slice3A[0] : i32 from vector<1xi32>
      %sub3A = arith.subi %squeeze3A, %mul3A_0 : i32
      %ge3A = arith.constant 0 : i32
      %ge3A_620 = arith.cmpi sge, %sub3A, %ge3A : i32
      %lt3A = arith.constant 2048 : i32
      %lt3A_621 = arith.cmpi slt, %sub3A, %lt3A : i32
      %and3A = arith.andi %ge3A_620, %lt3A_621 : i1
      %jit3A = arith.constant 0 : i32
      %jit3A_622 = arith.constant 2047 : i32
      %max3A = arith.maxsi %jit3A, %sub3A : i32
      %min3A = arith.minsi %jit3A_622, %max3A : i32
      %eq3A = arith.constant 0 : i32
      %eq3A_623 = vector.broadcast %eq3A : i32 to vector<16xi32>
      %eq3A_624 = arith.cmpi eq, %iota3A, %eq3A_623 : vector<16xi32>
      %broadcast_in_dim3A = vector.broadcast %and3A : i1 to vector<16xi1>
      %and3A_625 = arith.andi %eq3A_624, %broadcast_in_dim3A : vector<16xi1>
      %broadcast_in_dim3A_626 = vector.broadcast %min3A : i32 to vector<16xi32>
      %get3A_627 = arith.index_cast %scan3A_617 : i32 to index
      %get3A_628 = tpu.vector_load %arg12[%get3A_627] {strides = array<i32>} : memref<128xf32, #tpu.memory_space<vmem>>, vector<16xf32>,
      %slice3A_629 = vector.extract_strided_slice %get3A_628 {offsets = [0], sizes = [1], strides = [1]} : vector<16xf32> to vector<1xf32>
      %squeeze3A_630 = vector.extract %slice3A_629[0] : f32 from vector<1xf32>
      %broadcast_in_dim3A_631 = vector.broadcast %squeeze3A_630 : f32 to vector<16xf32>
      tpu.vector_store_idx %arg10[%broadcast_in_dim3A_626], %broadcast_in_dim3A_631 masked %and3A_625 : memref<2048xf32, #tpu.memory_space<vmem>>[vector<16xi32>], vector<16xf32>, vector<16xi1>
      %broadcast_in_dim3A_632 = vector.broadcast %scan3A_617 : i32 to vector<16xi32>
      tpu.vector_store_idx %arg11[%broadcast_in_dim3A_626], %broadcast_in_dim3A_632 masked %and3A_625 : memref<2048xi32, #tpu.memory_space<vmem>>[vector<16xi32>], vector<16xi32>, vector<16xi1>
      %scan3A_633 = arith.constant 0 : i32
      scf.yield %scan3A_633 : i32
    }
    %scan3A_494 = arith.constant 100 : i32
    %scan3A_495 = arith.constant 0 : i32
    %scan3A_496 = arith.constant 0 : i32
    %scan3A_497 = arith.constant 128 : i32
    %scan3A_498 = arith.addi %scan3A_496, %scan3A_497 : i32
    %scan3A_499 = arith.constant 1 : i32
    %scan3A_500 = scf.for %scan3A_617 = %scan3A_496 to %scan3A_498 step %scan3A_499 iter_args(%scan3A_618 = %scan3A_495) -> (i32)  : i32 {
      %mul3A_619 = arith.constant 16 : i32
      %mul3A_620 = arith.muli %scan3A_617, %mul3A_619 : i32
      %get3A = arith.index_cast %mul3A_620 : i32 to index
      %get3A_621 = tpu.vector_load %arg10[%get3A] {strides = array<i32>} : memref<2048xf32, #tpu.memory_space<vmem>>, vector<16xf32>,
      %get3A_622 = arith.index_cast %mul3A_620 : i32 to index
      %get3A_623 = tpu.vector_load %arg11[%get3A_622] {strides = array<i32>} : memref<2048xi32, #tpu.memory_space<vmem>>, vector<16xi32>,
      %gather3A = tpu.vector_load_idx %arg28[%get3A_623] : memref<128xf32, #tpu.memory_space<vmem>>[vector<16xi32>], vector<16xf32>,
      %gather3A_624 = tpu.vector_load_idx %arg18[%get3A_623] : memref<128xi32, #tpu.memory_space<vmem>>[vector<16xi32>], vector<16xi32>,
      %lt3A = arith.constant 1.500000e-01 : f32
      %lt3A_625 = vector.broadcast %lt3A : f32 to vector<16xf32>
      %lt3A_626 = arith.cmpf olt, %get3A_621, %lt3A_625 : vector<16xf32>
      %jit3A = arith.constant 0.000000e+00 : f32
      %broadcast_in_dim3A = vector.broadcast %jit3A : f32 to vector<16xf32>
      %select_n3A = arith.select %lt3A_626, %broadcast_in_dim3A, %get3A_621 : vector<16xi1>, vector<16xf32>
      %div3A = arith.divf %select_n3A, %gather3A : vector<16xf32>
      %le3A = arith.constant 0 : i32
      %le3A_627 = vector.broadcast %le3A : i32 to vector<16xi32>
      %le3A_628 = arith.cmpi sle, %gather3A_624, %le3A_627 : vector<16xi32>
      %broadcast_in_dim3A_629 = arith.constant 0.000000e+00 : f32
      %broadcast_in_dim3A_630 = vector.broadcast %broadcast_in_dim3A_629 : f32 to vector<16xf32>
      %select_n3A_631 = arith.select %le3A_628, %broadcast_in_dim3A_630, %div3A : vector<16xi1>, vector<16xf32>
      %swap3A = arith.index_cast %mul3A_620 : i32 to index
      %swap3A_632 = tpu.vector_load %arg29[%swap3A] {strides = array<i32>} : memref<2048xf32, #tpu.memory_space<vmem>>, vector<16xf32>,
      tpu.vector_store %arg29[%swap3A], %select_n3A_631 {strides = array<i32>} : memref<2048xf32, #tpu.memory_space<vmem>>, vector<16xf32>,
      %broadcast_in_dim3A_633 = vector.broadcast %mul3A_620 : i32 to vector<16xi32>
      %add3A_634 = arith.addi %broadcast_in_dim3A_633, %iota3A : vector<16xi32>
      %mul3A_635 = arith.constant 4 : i32
      %mul3A_636 = vector.broadcast %mul3A_635 : i32 to vector<16xi32>
      %mul3A_637 = arith.muli %add3A_634, %mul3A_636 : vector<16xi32>
      %gather3A_638 = tpu.vector_load_idx %arg14[%get3A_623] : memref<128xf32, #tpu.memory_space<vmem>>[vector<16xi32>], vector<16xf32>,
      %add3A_639 = arith.constant 0 : i32
      %add3A_640 = vector.broadcast %add3A_639 : i32 to vector<16xi32>
      %add3A_641 = arith.addi %mul3A_637, %add3A_640 : vector<16xi32>
      tpu.vector_store_idx %arg30[%add3A_641], %gather3A_638 : memref<8192xf32, #tpu.memory_space<vmem>>[vector<16xi32>], vector<16xf32>,
      %gather3A_642 = tpu.vector_load_idx %arg15[%get3A_623] : memref<128xf32, #tpu.memory_space<vmem>>[vector<16xi32>], vector<16xf32>,
      %add3A_643 = arith.constant 1 : i32
      %add3A_644 = vector.broadcast %add3A_643 : i32 to vector<16xi32>
      %add3A_645 = arith.addi %mul3A_637, %add3A_644 : vector<16xi32>
      tpu.vector_store_idx %arg30[%add3A_645], %gather3A_642 : memref<8192xf32, #tpu.memory_space<vmem>>[vector<16xi32>], vector<16xf32>,
      %gather3A_646 = tpu.vector_load_idx %arg16[%get3A_623] : memref<128xf32, #tpu.memory_space<vmem>>[vector<16xi32>], vector<16xf32>,
      %add3A_647 = arith.constant 2 : i32
      %add3A_648 = vector.broadcast %add3A_647 : i32 to vector<16xi32>
      %add3A_649 = arith.addi %mul3A_637, %add3A_648 : vector<16xi32>
      tpu.vector_store_idx %arg30[%add3A_649], %gather3A_646 : memref<8192xf32, #tpu.memory_space<vmem>>[vector<16xi32>], vector<16xf32>,
      %gather3A_650 = tpu.vector_load_idx %arg17[%get3A_623] : memref<128xf32, #tpu.memory_space<vmem>>[vector<16xi32>], vector<16xf32>,
      %add3A_651 = arith.constant 3 : i32
      %add3A_652 = vector.broadcast %add3A_651 : i32 to vector<16xi32>
      %add3A_653 = arith.addi %mul3A_637, %add3A_652 : vector<16xi32>
      tpu.vector_store_idx %arg30[%add3A_653], %gather3A_650 : memref<8192xf32, #tpu.memory_space<vmem>>[vector<16xi32>], vector<16xf32>,
      %scan3A_654 = arith.constant 0 : i32
      scf.yield %scan3A_654 : i32
    }
    %scan3A_501 = arith.constant 128 : i32
    %dma_start3A_502 = tpu.memref_slice %arg8[%add3A_480, %mul3A_0] : memref<8x32768xf32, #tpu.memory_space<hbm>> -> memref<1x2048xf32, #tpu.memory_space<hbm>>
    %dma_start3A_503 = tpu.memref_squeeze %dma_start3A_502 : memref<1x2048xf32, #tpu.memory_space<hbm>> -> memref<2048xf32, #tpu.memory_space<hbm>>
    %dma_start3A_504 = tpu.memref_slice %arg8[%add3A_480, %mul3A_0] : memref<8x32768xf32, #tpu.memory_space<hbm>> -> memref<1x2048xf32, #tpu.memory_space<hbm>>
    %dma_start3A_505 = tpu.memref_squeeze %dma_start3A_504 : memref<1x2048xf32, #tpu.memory_space<hbm>> -> memref<2048xf32, #tpu.memory_space<hbm>>
    tpu.enqueue_dma source(%arg29 : memref<2048xf32, #tpu.memory_space<vmem>>) target(%dma_start3A_505 : memref<2048xf32, #tpu.memory_space<hbm>>) target_semaphore(%arg31 : memref<!tpu.dma_semaphore, #tpu.memory_space<semaphore_mem>>)
    %mul3A_506 = arith.constant 4 : i32
    %mul3A_507 = arith.muli %mul3A_0, %mul3A_506 : i32
    %dma_start3A_508 = tpu.memref_slice %arg9[%add3A_480, %mul3A_507] : memref<8x131072xf32, #tpu.memory_space<hbm>> -> memref<1x8192xf32, #tpu.memory_space<hbm>>
    %dma_start3A_509 = tpu.memref_squeeze %dma_start3A_508 : memref<1x8192xf32, #tpu.memory_space<hbm>> -> memref<8192xf32, #tpu.memory_space<hbm>>
    %dma_start3A_510 = tpu.memref_slice %arg9[%add3A_480, %mul3A_507] : memref<8x131072xf32, #tpu.memory_space<hbm>> -> memref<1x8192xf32, #tpu.memory_space<hbm>>
    %dma_start3A_511 = tpu.memref_squeeze %dma_start3A_510 : memref<1x8192xf32, #tpu.memory_space<hbm>> -> memref<8192xf32, #tpu.memory_space<hbm>>
    tpu.enqueue_dma source(%arg30 : memref<8192xf32, #tpu.memory_space<vmem>>) target(%dma_start3A_511 : memref<8192xf32, #tpu.memory_space<hbm>>) target_semaphore(%arg31 : memref<!tpu.dma_semaphore, #tpu.memory_space<semaphore_mem>>)
    %dma_wait3A_512 = tpu.memref_slice %arg2[%add3A_414, %mul3A_0] : memref<8x32768xf32, #tpu.memory_space<hbm>> -> memref<1x2048xf32, #tpu.memory_space<hbm>>
    %dma_wait3A_513 = tpu.memref_squeeze %dma_wait3A_512 : memref<1x2048xf32, #tpu.memory_space<hbm>> -> memref<2048xf32, #tpu.memory_space<hbm>>
    %dma_wait3A_514 = tpu.memref_slice %arg2[%add3A_414, %mul3A_0] : memref<8x32768xf32, #tpu.memory_space<hbm>> -> memref<1x2048xf32, #tpu.memory_space<hbm>>
    %dma_wait3A_515 = tpu.memref_squeeze %dma_wait3A_514 : memref<1x2048xf32, #tpu.memory_space<hbm>> -> memref<2048xf32, #tpu.memory_space<hbm>>
    tpu.wait_dma2 semaphore(%arg31 : memref<!tpu.dma_semaphore, #tpu.memory_space<semaphore_mem>>) src(%dma_wait3A_515 : memref<2048xf32, #tpu.memory_space<hbm>>) dst(%arg19 : memref<2048xf32, #tpu.memory_space<vmem>>)
    %dma_wait3A_516 = tpu.memref_slice %arg3[%add3A_414, %mul3A_0] : memref<8x32768xi32, #tpu.memory_space<hbm>> -> memref<1x2048xi32, #tpu.memory_space<hbm>>
    %dma_wait3A_517 = tpu.memref_squeeze %dma_wait3A_516 : memref<1x2048xi32, #tpu.memory_space<hbm>> -> memref<2048xi32, #tpu.memory_space<hbm>>
    %dma_wait3A_518 = tpu.memref_slice %arg3[%add3A_414, %mul3A_0] : memref<8x32768xi32, #tpu.memory_space<hbm>> -> memref<1x2048xi32, #tpu.memory_space<hbm>>
    %dma_wait3A_519 = tpu.memref_squeeze %dma_wait3A_518 : memref<1x2048xi32, #tpu.memory_space<hbm>> -> memref<2048xi32, #tpu.memory_space<hbm>>
    tpu.wait_dma2 semaphore(%arg31 : memref<!tpu.dma_semaphore, #tpu.memory_space<semaphore_mem>>) src(%dma_wait3A_519 : memref<2048xi32, #tpu.memory_space<hbm>>) dst(%arg20 : memref<2048xi32, #tpu.memory_space<vmem>>)
    %dma_wait3A_520 = arith.constant 0 : i32
    %dma_wait3A_521 = tpu.memref_slice %arg4[%add3A_414, %dma_wait3A_520] : memref<8x128xf32, #tpu.memory_space<hbm>> -> memref<1x128xf32, #tpu.memory_space<hbm>>
    %dma_wait3A_522 = tpu.memref_squeeze %dma_wait3A_521 : memref<1x128xf32, #tpu.memory_space<hbm>> -> memref<128xf32, #tpu.memory_space<hbm>>
    %dma_wait3A_523 = arith.constant 0 : i32
    %dma_wait3A_524 = tpu.memref_slice %arg4[%add3A_414, %dma_wait3A_523] : memref<8x128xf32, #tpu.memory_space<hbm>> -> memref<1x128xf32, #tpu.memory_space<hbm>>
    %dma_wait3A_525 = tpu.memref_squeeze %dma_wait3A_524 : memref<1x128xf32, #tpu.memory_space<hbm>> -> memref<128xf32, #tpu.memory_space<hbm>>
    tpu.wait_dma2 semaphore(%arg31 : memref<!tpu.dma_semaphore, #tpu.memory_space<semaphore_mem>>) src(%dma_wait3A_525 : memref<128xf32, #tpu.memory_space<hbm>>) dst(%arg21 : memref<128xf32, #tpu.memory_space<vmem>>)
    %dma_wait3A_526 = arith.constant 0 : i32
    %dma_wait3A_527 = tpu.memref_slice %arg5[%add3A_414, %dma_wait3A_526] : memref<8x128xi32, #tpu.memory_space<hbm>> -> memref<1x128xi32, #tpu.memory_space<hbm>>
    %dma_wait3A_528 = tpu.memref_squeeze %dma_wait3A_527 : memref<1x128xi32, #tpu.memory_space<hbm>> -> memref<128xi32, #tpu.memory_space<hbm>>
    %dma_wait3A_529 = arith.constant 0 : i32
    %dma_wait3A_530 = tpu.memref_slice %arg5[%add3A_414, %dma_wait3A_529] : memref<8x128xi32, #tpu.memory_space<hbm>> -> memref<1x128xi32, #tpu.memory_space<hbm>>
    %dma_wait3A_531 = tpu.memref_squeeze %dma_wait3A_530 : memref<1x128xi32, #tpu.memory_space<hbm>> -> memref<128xi32, #tpu.memory_space<hbm>>
    tpu.wait_dma2 semaphore(%arg31 : memref<!tpu.dma_semaphore, #tpu.memory_space<semaphore_mem>>) src(%dma_wait3A_531 : memref<128xi32, #tpu.memory_space<hbm>>) dst(%arg22 : memref<128xi32, #tpu.memory_space<vmem>>)
    %dma_wait3A_532 = arith.constant 0 : i32
    %dma_wait3A_533 = arith.constant 0 : i32
    %dma_wait3A_534 = tpu.memref_slice %arg6[%add3A_414, %dma_wait3A_532, %dma_wait3A_533] : memref<8x4x128xf32, #tpu.memory_space<hbm>> -> memref<1x1x128xf32, #tpu.memory_space<hbm>>
    %dma_wait3A_535 = tpu.memref_squeeze %dma_wait3A_534 : memref<1x1x128xf32, #tpu.memory_space<hbm>> -> memref<128xf32, #tpu.memory_space<hbm>>
    %dma_wait3A_536 = arith.constant 0 : i32
    %dma_wait3A_537 = tpu.memref_slice %arg6[%add3A_414, %dma_wait3A_532, %dma_wait3A_536] : memref<8x4x128xf32, #tpu.memory_space<hbm>> -> memref<1x1x128xf32, #tpu.memory_space<hbm>>
    %dma_wait3A_538 = tpu.memref_squeeze %dma_wait3A_537 : memref<1x1x128xf32, #tpu.memory_space<hbm>> -> memref<128xf32, #tpu.memory_space<hbm>>
    tpu.wait_dma2 semaphore(%arg31 : memref<!tpu.dma_semaphore, #tpu.memory_space<semaphore_mem>>) src(%dma_wait3A_538 : memref<128xf32, #tpu.memory_space<hbm>>) dst(%arg23 : memref<128xf32, #tpu.memory_space<vmem>>)
    %dma_wait3A_539 = arith.constant 1 : i32
    %dma_wait3A_540 = arith.constant 0 : i32
    %dma_wait3A_541 = tpu.memref_slice %arg6[%add3A_414, %dma_wait3A_539, %dma_wait3A_540] : memref<8x4x128xf32, #tpu.memory_space<hbm>> -> memref<1x1x128xf32, #tpu.memory_space<hbm>>
    %dma_wait3A_542 = tpu.memref_squeeze %dma_wait3A_541 : memref<1x1x128xf32, #tpu.memory_space<hbm>> -> memref<128xf32, #tpu.memory_space<hbm>>
    %dma_wait3A_543 = arith.constant 0 : i32
    %dma_wait3A_544 = tpu.memref_slice %arg6[%add3A_414, %dma_wait3A_539, %dma_wait3A_543] : memref<8x4x128xf32, #tpu.memory_space<hbm>> -> memref<1x1x128xf32, #tpu.memory_space<hbm>>
    %dma_wait3A_545 = tpu.memref_squeeze %dma_wait3A_544 : memref<1x1x128xf32, #tpu.memory_space<hbm>> -> memref<128xf32, #tpu.memory_space<hbm>>
    tpu.wait_dma2 semaphore(%arg31 : memref<!tpu.dma_semaphore, #tpu.memory_space<semaphore_mem>>) src(%dma_wait3A_545 : memref<128xf32, #tpu.memory_space<hbm>>) dst(%arg24 : memref<128xf32, #tpu.memory_space<vmem>>)
    %dma_wait3A_546 = arith.constant 2 : i32
    %dma_wait3A_547 = arith.constant 0 : i32
    %dma_wait3A_548 = tpu.memref_slice %arg6[%add3A_414, %dma_wait3A_546, %dma_wait3A_547] : memref<8x4x128xf32, #tpu.memory_space<hbm>> -> memref<1x1x128xf32, #tpu.memory_space<hbm>>
    %dma_wait3A_549 = tpu.memref_squeeze %dma_wait3A_548 : memref<1x1x128xf32, #tpu.memory_space<hbm>> -> memref<128xf32, #tpu.memory_space<hbm>>
    %dma_wait3A_550 = arith.constant 0 : i32
    %dma_wait3A_551 = tpu.memref_slice %arg6[%add3A_414, %dma_wait3A_546, %dma_wait3A_550] : memref<8x4x128xf32, #tpu.memory_space<hbm>> -> memref<1x1x128xf32, #tpu.memory_space<hbm>>
    %dma_wait3A_552 = tpu.memref_squeeze %dma_wait3A_551 : memref<1x1x128xf32, #tpu.memory_space<hbm>> -> memref<128xf32, #tpu.memory_space<hbm>>
    tpu.wait_dma2 semaphore(%arg31 : memref<!tpu.dma_semaphore, #tpu.memory_space<semaphore_mem>>) src(%dma_wait3A_552 : memref<128xf32, #tpu.memory_space<hbm>>) dst(%arg25 : memref<128xf32, #tpu.memory_space<vmem>>)
    %dma_wait3A_553 = arith.constant 3 : i32
    %dma_wait3A_554 = arith.constant 0 : i32
    %dma_wait3A_555 = tpu.memref_slice %arg6[%add3A_414, %dma_wait3A_553, %dma_wait3A_554] : memref<8x4x128xf32, #tpu.memory_space<hbm>> -> memref<1x1x128xf32, #tpu.memory_space<hbm>>
    %dma_wait3A_556 = tpu.memref_squeeze %dma_wait3A_555 : memref<1x1x128xf32, #tpu.memory_space<hbm>> -> memref<128xf32, #tpu.memory_space<hbm>>
    %dma_wait3A_557 = arith.constant 0 : i32
    %dma_wait3A_558 = tpu.memref_slice %arg6[%add3A_414, %dma_wait3A_553, %dma_wait3A_557] : memref<8x4x128xf32, #tpu.memory_space<hbm>> -> memref<1x1x128xf32, #tpu.memory_space<hbm>>
    %dma_wait3A_559 = tpu.memref_squeeze %dma_wait3A_558 : memref<1x1x128xf32, #tpu.memory_space<hbm>> -> memref<128xf32, #tpu.memory_space<hbm>>
    tpu.wait_dma2 semaphore(%arg31 : memref<!tpu.dma_semaphore, #tpu.memory_space<semaphore_mem>>) src(%dma_wait3A_559 : memref<128xf32, #tpu.memory_space<hbm>>) dst(%arg26 : memref<128xf32, #tpu.memory_space<vmem>>)
    %dma_wait3A_560 = arith.constant 0 : i32
    %dma_wait3A_561 = tpu.memref_slice %arg7[%add3A_414, %dma_wait3A_560] : memref<8x128xi32, #tpu.memory_space<hbm>> -> memref<1x128xi32, #tpu.memory_space<hbm>>
    %dma_wait3A_562 = tpu.memref_squeeze %dma_wait3A_561 : memref<1x128xi32, #tpu.memory_space<hbm>> -> memref<128xi32, #tpu.memory_space<hbm>>
    %dma_wait3A_563 = arith.constant 0 : i32
    %dma_wait3A_564 = tpu.memref_slice %arg7[%add3A_414, %dma_wait3A_563] : memref<8x128xi32, #tpu.memory_space<hbm>> -> memref<1x128xi32, #tpu.memory_space<hbm>>
    %dma_wait3A_565 = tpu.memref_squeeze %dma_wait3A_564 : memref<1x128xi32, #tpu.memory_space<hbm>> -> memref<128xi32, #tpu.memory_space<hbm>>
    tpu.wait_dma2 semaphore(%arg31 : memref<!tpu.dma_semaphore, #tpu.memory_space<semaphore_mem>>) src(%dma_wait3A_565 : memref<128xi32, #tpu.memory_space<hbm>>) dst(%arg27 : memref<128xi32, #tpu.memory_space<vmem>>)
    %dma_wait3A_566 = tpu.memref_slice %arg8[%add3A_480, %mul3A_0] : memref<8x32768xf32, #tpu.memory_space<hbm>> -> memref<1x2048xf32, #tpu.memory_space<hbm>>
    %dma_wait3A_567 = tpu.memref_squeeze %dma_wait3A_566 : memref<1x2048xf32, #tpu.memory_space<hbm>> -> memref<2048xf32, #tpu.memory_space<hbm>>
    %dma_wait3A_568 = tpu.memref_slice %arg8[%add3A_480, %mul3A_0] : memref<8x32768xf32, #tpu.memory_space<hbm>> -> memref<1x2048xf32, #tpu.memory_space<hbm>>
    %dma_wait3A_569 = tpu.memref_squeeze %dma_wait3A_568 : memref<1x2048xf32, #tpu.memory_space<hbm>> -> memref<2048xf32, #tpu.memory_space<hbm>>
    tpu.wait_dma2 semaphore(%arg31 : memref<!tpu.dma_semaphore, #tpu.memory_space<semaphore_mem>>) src(%arg29 : memref<2048xf32, #tpu.memory_space<vmem>>) dst(%dma_wait3A_569 : memref<2048xf32, #tpu.memory_space<hbm>>)
    %dma_wait3A_570 = tpu.memref_slice %arg9[%add3A_480, %mul3A_507] : memref<8x131072xf32, #tpu.memory_space<hbm>> -> memref<1x8192xf32, #tpu.memory_space<hbm>>
    %dma_wait3A_571 = tpu.memref_squeeze %dma_wait3A_570 : memref<1x8192xf32, #tpu.memory_space<hbm>> -> memref<8192xf32, #tpu.memory_space<hbm>>
    %dma_wait3A_572 = tpu.memref_slice %arg9[%add3A_480, %mul3A_507] : memref<8x131072xf32, #tpu.memory_space<hbm>> -> memref<1x8192xf32, #tpu.memory_space<hbm>>
    %dma_wait3A_573 = tpu.memref_squeeze %dma_wait3A_572 : memref<1x8192xf32, #tpu.memory_space<hbm>> -> memref<8192xf32, #tpu.memory_space<hbm>>
    tpu.wait_dma2 semaphore(%arg31 : memref<!tpu.dma_semaphore, #tpu.memory_space<semaphore_mem>>) src(%arg30 : memref<8192xf32, #tpu.memory_space<vmem>>) dst(%dma_wait3A_573 : memref<8192xf32, #tpu.memory_space<hbm>>)
    %mul3A_574 = arith.constant 4 : i32
    %mul3A_575 = arith.muli %arg0, %mul3A_574 : i32
    %add3A_576 = arith.constant 3 : i32
    %add3A_577 = arith.addi %mul3A_575, %add3A_576 : i32
    %scan3A_578 = arith.constant 0 : i32
    %scan3A_579 = arith.constant 0 : i32
    %scan3A_580 = arith.constant 8 : i32
    %scan3A_581 = arith.addi %scan3A_579, %scan3A_580 : i32
    %scan3A_582 = arith.constant 1 : i32
    %scan3A_583 = scf.for %scan3A_617 = %scan3A_579 to %scan3A_581 step %scan3A_582 iter_args(%scan3A_618 = %scan3A_578) -> (i32)  : i32 {
      %mul3A_619 = arith.constant 16 : i32
      %mul3A_620 = arith.muli %scan3A_617, %mul3A_619 : i32
      %get3A = arith.index_cast %mul3A_620 : i32 to index
      %get3A_621 = tpu.vector_load %arg21[%get3A] {strides = array<i32>} : memref<128xf32, #tpu.memory_space<vmem>>, vector<16xf32>,
      %max3A = arith.constant 3.000000e-01 : f32
      %max3A_622 = vector.broadcast %max3A : f32 to vector<16xf32>
      %max3A_623 = arith.maximumf %get3A_621, %max3A_622 : vector<16xf32>
      %swap3A = arith.index_cast %mul3A_620 : i32 to index
      %swap3A_624 = tpu.vector_load %arg28[%swap3A] {strides = array<i32>} : memref<128xf32, #tpu.memory_space<vmem>>, vector<16xf32>,
      tpu.vector_store %arg28[%swap3A], %max3A_623 {strides = array<i32>} : memref<128xf32, #tpu.memory_space<vmem>>, vector<16xf32>,
      %scan3A_625 = arith.constant 0 : i32
      scf.yield %scan3A_625 : i32
    }
    %scan3A_584 = arith.constant 8 : i32
    %scan3A_585 = arith.constant 0 : i32
    %scan3A_586 = arith.constant 0 : i32
    %scan3A_587 = arith.constant 100 : i32
    %scan3A_588 = arith.addi %scan3A_586, %scan3A_587 : i32
    %scan3A_589 = arith.constant 1 : i32
    %scan3A_590 = scf.for %scan3A_617 = %scan3A_586 to %scan3A_588 step %scan3A_589 iter_args(%scan3A_618 = %scan3A_585) -> (i32)  : i32 {
      %get3A = arith.index_cast %scan3A_617 : i32 to index
      %get3A_619 = tpu.vector_load %arg22[%get3A] {strides = array<i32>} : memref<128xi32, #tpu.memory_space<vmem>>, vector<16xi32>,
      %slice3A = vector.extract_strided_slice %get3A_619 {offsets = [0], sizes = [1], strides = [1]} : vector<16xi32> to vector<1xi32>
      %squeeze3A = vector.extract %slice3A[0] : i32 from vector<1xi32>
      %sub3A = arith.subi %squeeze3A, %mul3A_0 : i32
      %ge3A = arith.constant 0 : i32
      %ge3A_620 = arith.cmpi sge, %sub3A, %ge3A : i32
      %lt3A = arith.constant 2048 : i32
      %lt3A_621 = arith.cmpi slt, %sub3A, %lt3A : i32
      %and3A = arith.andi %ge3A_620, %lt3A_621 : i1
      %jit3A = arith.constant 0 : i32
      %jit3A_622 = arith.constant 2047 : i32
      %max3A = arith.maxsi %jit3A, %sub3A : i32
      %min3A = arith.minsi %jit3A_622, %max3A : i32
      %eq3A = arith.constant 0 : i32
      %eq3A_623 = vector.broadcast %eq3A : i32 to vector<16xi32>
      %eq3A_624 = arith.cmpi eq, %iota3A, %eq3A_623 : vector<16xi32>
      %broadcast_in_dim3A = vector.broadcast %and3A : i1 to vector<16xi1>
      %and3A_625 = arith.andi %eq3A_624, %broadcast_in_dim3A : vector<16xi1>
      %broadcast_in_dim3A_626 = vector.broadcast %min3A : i32 to vector<16xi32>
      %get3A_627 = arith.index_cast %scan3A_617 : i32 to index
      %get3A_628 = tpu.vector_load %arg21[%get3A_627] {strides = array<i32>} : memref<128xf32, #tpu.memory_space<vmem>>, vector<16xf32>,
      %slice3A_629 = vector.extract_strided_slice %get3A_628 {offsets = [0], sizes = [1], strides = [1]} : vector<16xf32> to vector<1xf32>
      %squeeze3A_630 = vector.extract %slice3A_629[0] : f32 from vector<1xf32>
      %broadcast_in_dim3A_631 = vector.broadcast %squeeze3A_630 : f32 to vector<16xf32>
      tpu.vector_store_idx %arg19[%broadcast_in_dim3A_626], %broadcast_in_dim3A_631 masked %and3A_625 : memref<2048xf32, #tpu.memory_space<vmem>>[vector<16xi32>], vector<16xf32>, vector<16xi1>
      %broadcast_in_dim3A_632 = vector.broadcast %scan3A_617 : i32 to vector<16xi32>
      tpu.vector_store_idx %arg20[%broadcast_in_dim3A_626], %broadcast_in_dim3A_632 masked %and3A_625 : memref<2048xi32, #tpu.memory_space<vmem>>[vector<16xi32>], vector<16xi32>, vector<16xi1>
      %scan3A_633 = arith.constant 0 : i32
      scf.yield %scan3A_633 : i32
    }
    %scan3A_591 = arith.constant 100 : i32
    %scan3A_592 = arith.constant 0 : i32
    %scan3A_593 = arith.constant 0 : i32
    %scan3A_594 = arith.constant 128 : i32
    %scan3A_595 = arith.addi %scan3A_593, %scan3A_594 : i32
    %scan3A_596 = arith.constant 1 : i32
    %scan3A_597 = scf.for %scan3A_617 = %scan3A_593 to %scan3A_595 step %scan3A_596 iter_args(%scan3A_618 = %scan3A_592) -> (i32)  : i32 {
      %mul3A_619 = arith.constant 16 : i32
      %mul3A_620 = arith.muli %scan3A_617, %mul3A_619 : i32
      %get3A = arith.index_cast %mul3A_620 : i32 to index
      %get3A_621 = tpu.vector_load %arg19[%get3A] {strides = array<i32>} : memref<2048xf32, #tpu.memory_space<vmem>>, vector<16xf32>,
      %get3A_622 = arith.index_cast %mul3A_620 : i32 to index
      %get3A_623 = tpu.vector_load %arg20[%get3A_622] {strides = array<i32>} : memref<2048xi32, #tpu.memory_space<vmem>>, vector<16xi32>,
      %gather3A = tpu.vector_load_idx %arg28[%get3A_623] : memref<128xf32, #tpu.memory_space<vmem>>[vector<16xi32>], vector<16xf32>,
      %gather3A_624 = tpu.vector_load_idx %arg27[%get3A_623] : memref<128xi32, #tpu.memory_space<vmem>>[vector<16xi32>], vector<16xi32>,
      %lt3A = arith.constant 1.500000e-01 : f32
      %lt3A_625 = vector.broadcast %lt3A : f32 to vector<16xf32>
      %lt3A_626 = arith.cmpf olt, %get3A_621, %lt3A_625 : vector<16xf32>
      %jit3A = arith.constant 0.000000e+00 : f32
      %broadcast_in_dim3A = vector.broadcast %jit3A : f32 to vector<16xf32>
      %select_n3A = arith.select %lt3A_626, %broadcast_in_dim3A, %get3A_621 : vector<16xi1>, vector<16xf32>
      %div3A = arith.divf %select_n3A, %gather3A : vector<16xf32>
      %le3A = arith.constant 0 : i32
      %le3A_627 = vector.broadcast %le3A : i32 to vector<16xi32>
      %le3A_628 = arith.cmpi sle, %gather3A_624, %le3A_627 : vector<16xi32>
      %broadcast_in_dim3A_629 = arith.constant 0.000000e+00 : f32
      %broadcast_in_dim3A_630 = vector.broadcast %broadcast_in_dim3A_629 : f32 to vector<16xf32>
      %select_n3A_631 = arith.select %le3A_628, %broadcast_in_dim3A_630, %div3A : vector<16xi1>, vector<16xf32>
      %swap3A = arith.index_cast %mul3A_620 : i32 to index
      %swap3A_632 = tpu.vector_load %arg29[%swap3A] {strides = array<i32>} : memref<2048xf32, #tpu.memory_space<vmem>>, vector<16xf32>,
      tpu.vector_store %arg29[%swap3A], %select_n3A_631 {strides = array<i32>} : memref<2048xf32, #tpu.memory_space<vmem>>, vector<16xf32>,
      %broadcast_in_dim3A_633 = vector.broadcast %mul3A_620 : i32 to vector<16xi32>
      %add3A_634 = arith.addi %broadcast_in_dim3A_633, %iota3A : vector<16xi32>
      %mul3A_635 = arith.constant 4 : i32
      %mul3A_636 = vector.broadcast %mul3A_635 : i32 to vector<16xi32>
      %mul3A_637 = arith.muli %add3A_634, %mul3A_636 : vector<16xi32>
      %gather3A_638 = tpu.vector_load_idx %arg23[%get3A_623] : memref<128xf32, #tpu.memory_space<vmem>>[vector<16xi32>], vector<16xf32>,
      %add3A_639 = arith.constant 0 : i32
      %add3A_640 = vector.broadcast %add3A_639 : i32 to vector<16xi32>
      %add3A_641 = arith.addi %mul3A_637, %add3A_640 : vector<16xi32>
      tpu.vector_store_idx %arg30[%add3A_641], %gather3A_638 : memref<8192xf32, #tpu.memory_space<vmem>>[vector<16xi32>], vector<16xf32>,
      %gather3A_642 = tpu.vector_load_idx %arg24[%get3A_623] : memref<128xf32, #tpu.memory_space<vmem>>[vector<16xi32>], vector<16xf32>,
      %add3A_643 = arith.constant 1 : i32
      %add3A_644 = vector.broadcast %add3A_643 : i32 to vector<16xi32>
      %add3A_645 = arith.addi %mul3A_637, %add3A_644 : vector<16xi32>
      tpu.vector_store_idx %arg30[%add3A_645], %gather3A_642 : memref<8192xf32, #tpu.memory_space<vmem>>[vector<16xi32>], vector<16xf32>,
      %gather3A_646 = tpu.vector_load_idx %arg25[%get3A_623] : memref<128xf32, #tpu.memory_space<vmem>>[vector<16xi32>], vector<16xf32>,
      %add3A_647 = arith.constant 2 : i32
      %add3A_648 = vector.broadcast %add3A_647 : i32 to vector<16xi32>
      %add3A_649 = arith.addi %mul3A_637, %add3A_648 : vector<16xi32>
      tpu.vector_store_idx %arg30[%add3A_649], %gather3A_646 : memref<8192xf32, #tpu.memory_space<vmem>>[vector<16xi32>], vector<16xf32>,
      %gather3A_650 = tpu.vector_load_idx %arg26[%get3A_623] : memref<128xf32, #tpu.memory_space<vmem>>[vector<16xi32>], vector<16xf32>,
      %add3A_651 = arith.constant 3 : i32
      %add3A_652 = vector.broadcast %add3A_651 : i32 to vector<16xi32>
      %add3A_653 = arith.addi %mul3A_637, %add3A_652 : vector<16xi32>
      tpu.vector_store_idx %arg30[%add3A_653], %gather3A_650 : memref<8192xf32, #tpu.memory_space<vmem>>[vector<16xi32>], vector<16xf32>,
      %scan3A_654 = arith.constant 0 : i32
      scf.yield %scan3A_654 : i32
    }
    %scan3A_598 = arith.constant 128 : i32
    %dma_start3A_599 = tpu.memref_slice %arg8[%add3A_577, %mul3A_0] : memref<8x32768xf32, #tpu.memory_space<hbm>> -> memref<1x2048xf32, #tpu.memory_space<hbm>>
    %dma_start3A_600 = tpu.memref_squeeze %dma_start3A_599 : memref<1x2048xf32, #tpu.memory_space<hbm>> -> memref<2048xf32, #tpu.memory_space<hbm>>
    %dma_start3A_601 = tpu.memref_slice %arg8[%add3A_577, %mul3A_0] : memref<8x32768xf32, #tpu.memory_space<hbm>> -> memref<1x2048xf32, #tpu.memory_space<hbm>>
    %dma_start3A_602 = tpu.memref_squeeze %dma_start3A_601 : memref<1x2048xf32, #tpu.memory_space<hbm>> -> memref<2048xf32, #tpu.memory_space<hbm>>
    tpu.enqueue_dma source(%arg29 : memref<2048xf32, #tpu.memory_space<vmem>>) target(%dma_start3A_602 : memref<2048xf32, #tpu.memory_space<hbm>>) target_semaphore(%arg31 : memref<!tpu.dma_semaphore, #tpu.memory_space<semaphore_mem>>)
    %mul3A_603 = arith.constant 4 : i32
    %mul3A_604 = arith.muli %mul3A_0, %mul3A_603 : i32
    %dma_start3A_605 = tpu.memref_slice %arg9[%add3A_577, %mul3A_604] : memref<8x131072xf32, #tpu.memory_space<hbm>> -> memref<1x8192xf32, #tpu.memory_space<hbm>>
    %dma_start3A_606 = tpu.memref_squeeze %dma_start3A_605 : memref<1x8192xf32, #tpu.memory_space<hbm>> -> memref<8192xf32, #tpu.memory_space<hbm>>
    %dma_start3A_607 = tpu.memref_slice %arg9[%add3A_577, %mul3A_604] : memref<8x131072xf32, #tpu.memory_space<hbm>> -> memref<1x8192xf32, #tpu.memory_space<hbm>>
    %dma_start3A_608 = tpu.memref_squeeze %dma_start3A_607 : memref<1x8192xf32, #tpu.memory_space<hbm>> -> memref<8192xf32, #tpu.memory_space<hbm>>
    tpu.enqueue_dma source(%arg30 : memref<8192xf32, #tpu.memory_space<vmem>>) target(%dma_start3A_608 : memref<8192xf32, #tpu.memory_space<hbm>>) target_semaphore(%arg31 : memref<!tpu.dma_semaphore, #tpu.memory_space<semaphore_mem>>)
    %dma_wait3A_609 = tpu.memref_slice %arg8[%add3A_577, %mul3A_0] : memref<8x32768xf32, #tpu.memory_space<hbm>> -> memref<1x2048xf32, #tpu.memory_space<hbm>>
    %dma_wait3A_610 = tpu.memref_squeeze %dma_wait3A_609 : memref<1x2048xf32, #tpu.memory_space<hbm>> -> memref<2048xf32, #tpu.memory_space<hbm>>
    %dma_wait3A_611 = tpu.memref_slice %arg8[%add3A_577, %mul3A_0] : memref<8x32768xf32, #tpu.memory_space<hbm>> -> memref<1x2048xf32, #tpu.memory_space<hbm>>
    %dma_wait3A_612 = tpu.memref_squeeze %dma_wait3A_611 : memref<1x2048xf32, #tpu.memory_space<hbm>> -> memref<2048xf32, #tpu.memory_space<hbm>>
    tpu.wait_dma2 semaphore(%arg31 : memref<!tpu.dma_semaphore, #tpu.memory_space<semaphore_mem>>) src(%arg29 : memref<2048xf32, #tpu.memory_space<vmem>>) dst(%dma_wait3A_612 : memref<2048xf32, #tpu.memory_space<hbm>>)
    %dma_wait3A_613 = tpu.memref_slice %arg9[%add3A_577, %mul3A_604] : memref<8x131072xf32, #tpu.memory_space<hbm>> -> memref<1x8192xf32, #tpu.memory_space<hbm>>
    %dma_wait3A_614 = tpu.memref_squeeze %dma_wait3A_613 : memref<1x8192xf32, #tpu.memory_space<hbm>> -> memref<8192xf32, #tpu.memory_space<hbm>>
    %dma_wait3A_615 = tpu.memref_slice %arg9[%add3A_577, %mul3A_604] : memref<8x131072xf32, #tpu.memory_space<hbm>> -> memref<1x8192xf32, #tpu.memory_space<hbm>>
    %dma_wait3A_616 = tpu.memref_squeeze %dma_wait3A_615 : memref<1x8192xf32, #tpu.memory_space<hbm>> -> memref<8192xf32, #tpu.memory_space<hbm>>
    tpu.wait_dma2 semaphore(%arg31 : memref<!tpu.dma_semaphore, #tpu.memory_space<semaphore_mem>>) src(%arg30 : memref<8192xf32, #tpu.memory_space<vmem>>) dst(%dma_wait3A_616 : memref<8192xf32, #tpu.memory_space<hbm>>)
    return
  }
}

module attributes {stable_mosaic.version = 14 : i64} {
  func.func @_tc_body(%arg0: i32, %arg1: i32, %arg2: memref<4x4096xf32, #tpu.memory_space<vmem>>, %arg3: memref<1x4x104x1xf32, #tpu.memory_space<vmem>>, %arg4: memref<1x1x1x4096xf32, #tpu.memory_space<vmem>>, %arg5: memref<1x1x1x4096xi32, #tpu.memory_space<vmem>>, %arg6: memref<1x104x1xf32, #tpu.memory_space<vmem>>, %arg7: memref<1x104x1xi32, #tpu.memory_space<vmem>>) attributes {dimension_semantics = [#tpu.dimension_semantics<arbitrary>, #tpu.dimension_semantics<arbitrary>], iteration_bounds = array<i64: 8, 8>, scalar_prefetch = 0 : i64, scratch_operands = 0 : i64, tpu.core_type = #tpu.core_type<tc>, window_params = [{transform_indices = @transform_0, window_bounds = array<i64: 4, 4096>}, {transform_indices = @transform_1, window_bounds = array<i64: 1, 4, 104, 1>}, {transform_indices = @transform_2, window_bounds = array<i64: 1, 1, 1, 4096>}, {transform_indices = @transform_3, window_bounds = array<i64: 1, 1, 1, 4096>}, {transform_indices = @transform_4, window_bounds = array<i64: 1, 104, 1>}, {transform_indices = @transform_5, window_bounds = array<i64: 1, 104, 1>}]} {
    %iota3A = tpu.iota {dimensions = array<i32: 0>} : vector<104x4096xi32>
    %iota3A_0 = tpu.iota {dimensions = array<i32: 1>} : vector<104x4096xi32>
    %mul3A = arith.constant 4096 : i32
    %mul3A_1 = arith.muli %arg1, %mul3A : i32
    %add3A = vector.broadcast %mul3A_1 : i32 to vector<104x4096xi32>
    %add3A_2 = arith.addi %iota3A_0, %add3A : vector<104x4096xi32>
    %get3A = arith.constant 0 : index
    %get3A_3 = arith.constant 0 : index
    %get3A_4 = vector.load %arg2[%get3A, %get3A_3] : memref<4x4096xf32, #tpu.memory_space<vmem>>, vector<1x4096xf32>
    %get3A_5 = vector.shape_cast %get3A_4 : vector<1x4096xf32> to vector<4096xf32>
    %get3A_6 = arith.constant 1 : index
    %get3A_7 = arith.constant 0 : index
    %get3A_8 = vector.load %arg2[%get3A_6, %get3A_7] : memref<4x4096xf32, #tpu.memory_space<vmem>>, vector<1x4096xf32>
    %get3A_9 = vector.shape_cast %get3A_8 : vector<1x4096xf32> to vector<4096xf32>
    %get3A_10 = arith.constant 2 : index
    %get3A_11 = arith.constant 0 : index
    %get3A_12 = vector.load %arg2[%get3A_10, %get3A_11] : memref<4x4096xf32, #tpu.memory_space<vmem>>, vector<1x4096xf32>
    %get3A_13 = vector.shape_cast %get3A_12 : vector<1x4096xf32> to vector<4096xf32>
    %get3A_14 = arith.constant 3 : index
    %get3A_15 = arith.constant 0 : index
    %get3A_16 = vector.load %arg2[%get3A_14, %get3A_15] : memref<4x4096xf32, #tpu.memory_space<vmem>>, vector<1x4096xf32>
    %get3A_17 = vector.shape_cast %get3A_16 : vector<1x4096xf32> to vector<4096xf32>
    %div3A = arith.constant 2.000000e+00 : f32
    %div3A_18 = vector.broadcast %div3A : f32 to vector<4096xf32>
    %div3A_19 = arith.divf %get3A_13, %div3A_18 : vector<4096xf32>
    %sub3A = arith.subf %get3A_5, %div3A_19 : vector<4096xf32>
    %div3A_20 = arith.constant 2.000000e+00 : f32
    %div3A_21 = vector.broadcast %div3A_20 : f32 to vector<4096xf32>
    %div3A_22 = arith.divf %get3A_17, %div3A_21 : vector<4096xf32>
    %sub3A_23 = arith.subf %get3A_9, %div3A_22 : vector<4096xf32>
    %div3A_24 = arith.constant 2.000000e+00 : f32
    %div3A_25 = vector.broadcast %div3A_24 : f32 to vector<4096xf32>
    %div3A_26 = arith.divf %get3A_13, %div3A_25 : vector<4096xf32>
    %add3A_27 = arith.addf %get3A_5, %div3A_26 : vector<4096xf32>
    %div3A_28 = arith.constant 2.000000e+00 : f32
    %div3A_29 = vector.broadcast %div3A_28 : f32 to vector<4096xf32>
    %div3A_30 = arith.divf %get3A_17, %div3A_29 : vector<4096xf32>
    %add3A_31 = arith.addf %get3A_9, %div3A_30 : vector<4096xf32>
    %sub3A_32 = arith.subf %add3A_27, %sub3A : vector<4096xf32>
    %sub3A_33 = arith.subf %add3A_31, %sub3A_23 : vector<4096xf32>
    %mul3A_34 = arith.mulf %sub3A_32, %sub3A_33 : vector<4096xf32>
    %get3A_35 = arith.constant 0 : index
    %get3A_36 = arith.constant 0 : index
    %get3A_37 = arith.constant 0 : index
    %get3A_38 = arith.constant 0 : index
    %get3A_39 = vector.load %arg3[%get3A_35, %get3A_36, %get3A_37, %get3A_38] : memref<1x4x104x1xf32, #tpu.memory_space<vmem>>, vector<1x1x104x1xf32>
    %get3A_40 = vector.shape_cast %get3A_39 : vector<1x1x104x1xf32> to vector<104x1xf32>
    %get3A_41 = arith.constant 0 : index
    %get3A_42 = arith.constant 1 : index
    %get3A_43 = arith.constant 0 : index
    %get3A_44 = arith.constant 0 : index
    %get3A_45 = vector.load %arg3[%get3A_41, %get3A_42, %get3A_43, %get3A_44] : memref<1x4x104x1xf32, #tpu.memory_space<vmem>>, vector<1x1x104x1xf32>
    %get3A_46 = vector.shape_cast %get3A_45 : vector<1x1x104x1xf32> to vector<104x1xf32>
    %get3A_47 = arith.constant 0 : index
    %get3A_48 = arith.constant 2 : index
    %get3A_49 = arith.constant 0 : index
    %get3A_50 = arith.constant 0 : index
    %get3A_51 = vector.load %arg3[%get3A_47, %get3A_48, %get3A_49, %get3A_50] : memref<1x4x104x1xf32, #tpu.memory_space<vmem>>, vector<1x1x104x1xf32>
    %get3A_52 = vector.shape_cast %get3A_51 : vector<1x1x104x1xf32> to vector<104x1xf32>
    %get3A_53 = arith.constant 0 : index
    %get3A_54 = arith.constant 3 : index
    %get3A_55 = arith.constant 0 : index
    %get3A_56 = arith.constant 0 : index
    %get3A_57 = vector.load %arg3[%get3A_53, %get3A_54, %get3A_55, %get3A_56] : memref<1x4x104x1xf32, #tpu.memory_space<vmem>>, vector<1x1x104x1xf32>
    %get3A_58 = vector.shape_cast %get3A_57 : vector<1x1x104x1xf32> to vector<104x1xf32>
    %sub3A_59 = arith.subf %get3A_52, %get3A_40 : vector<104x1xf32>
    %sub3A_60 = arith.subf %get3A_58, %get3A_46 : vector<104x1xf32>
    %mul3A_61 = arith.mulf %sub3A_59, %sub3A_60 : vector<104x1xf32>
    %broadcast_in_dim3A = vector.shape_cast %sub3A : vector<4096xf32> to vector<1x4096xf32>
    %broadcast_in_dim3A_62 = vector.shape_cast %broadcast_in_dim3A : vector<1x4096xf32> to vector<1x4096xf32>
    %broadcast_in_dim3A_63 = vector.broadcast %broadcast_in_dim3A_62 : vector<1x4096xf32> to vector<104x4096xf32>
    %broadcast_in_dim3A_64 = vector.shape_cast %get3A_40 : vector<104x1xf32> to vector<104x1xf32>
    %broadcast_in_dim3A_65 = vector.broadcast %broadcast_in_dim3A_64 : vector<104x1xf32> to vector<104x4096xf32>
    %max3A = arith.maximumf %broadcast_in_dim3A_63, %broadcast_in_dim3A_65 : vector<104x4096xf32>
    %broadcast_in_dim3A_66 = vector.shape_cast %sub3A_23 : vector<4096xf32> to vector<1x4096xf32>
    %broadcast_in_dim3A_67 = vector.shape_cast %broadcast_in_dim3A_66 : vector<1x4096xf32> to vector<1x4096xf32>
    %broadcast_in_dim3A_68 = vector.broadcast %broadcast_in_dim3A_67 : vector<1x4096xf32> to vector<104x4096xf32>
    %broadcast_in_dim3A_69 = vector.shape_cast %get3A_46 : vector<104x1xf32> to vector<104x1xf32>
    %broadcast_in_dim3A_70 = vector.broadcast %broadcast_in_dim3A_69 : vector<104x1xf32> to vector<104x4096xf32>
    %max3A_71 = arith.maximumf %broadcast_in_dim3A_68, %broadcast_in_dim3A_70 : vector<104x4096xf32>
    %broadcast_in_dim3A_72 = vector.shape_cast %add3A_27 : vector<4096xf32> to vector<1x4096xf32>
    %broadcast_in_dim3A_73 = vector.shape_cast %broadcast_in_dim3A_72 : vector<1x4096xf32> to vector<1x4096xf32>
    %broadcast_in_dim3A_74 = vector.broadcast %broadcast_in_dim3A_73 : vector<1x4096xf32> to vector<104x4096xf32>
    %broadcast_in_dim3A_75 = vector.shape_cast %get3A_52 : vector<104x1xf32> to vector<104x1xf32>
    %broadcast_in_dim3A_76 = vector.broadcast %broadcast_in_dim3A_75 : vector<104x1xf32> to vector<104x4096xf32>
    %min3A = arith.minimumf %broadcast_in_dim3A_74, %broadcast_in_dim3A_76 : vector<104x4096xf32>
    %broadcast_in_dim3A_77 = vector.shape_cast %add3A_31 : vector<4096xf32> to vector<1x4096xf32>
    %broadcast_in_dim3A_78 = vector.shape_cast %broadcast_in_dim3A_77 : vector<1x4096xf32> to vector<1x4096xf32>
    %broadcast_in_dim3A_79 = vector.broadcast %broadcast_in_dim3A_78 : vector<1x4096xf32> to vector<104x4096xf32>
    %broadcast_in_dim3A_80 = vector.shape_cast %get3A_58 : vector<104x1xf32> to vector<104x1xf32>
    %broadcast_in_dim3A_81 = vector.broadcast %broadcast_in_dim3A_80 : vector<104x1xf32> to vector<104x4096xf32>
    %min3A_82 = arith.minimumf %broadcast_in_dim3A_79, %broadcast_in_dim3A_81 : vector<104x4096xf32>
    %sub3A_83 = arith.subf %min3A, %max3A : vector<104x4096xf32>
    %max3A_84 = arith.constant 0.000000e+00 : f32
    %max3A_85 = vector.broadcast %max3A_84 : f32 to vector<104x4096xf32>
    %max3A_86 = arith.maximumf %sub3A_83, %max3A_85 : vector<104x4096xf32>
    %sub3A_87 = arith.subf %min3A_82, %max3A_71 : vector<104x4096xf32>
    %max3A_88 = arith.constant 0.000000e+00 : f32
    %max3A_89 = vector.broadcast %max3A_88 : f32 to vector<104x4096xf32>
    %max3A_90 = arith.maximumf %sub3A_87, %max3A_89 : vector<104x4096xf32>
    %mul3A_91 = arith.mulf %max3A_86, %max3A_90 : vector<104x4096xf32>
    %broadcast_in_dim3A_92 = vector.shape_cast %mul3A_34 : vector<4096xf32> to vector<1x4096xf32>
    %broadcast_in_dim3A_93 = vector.shape_cast %broadcast_in_dim3A_92 : vector<1x4096xf32> to vector<1x4096xf32>
    %broadcast_in_dim3A_94 = vector.broadcast %broadcast_in_dim3A_93 : vector<1x4096xf32> to vector<104x4096xf32>
    %broadcast_in_dim3A_95 = vector.shape_cast %mul3A_61 : vector<104x1xf32> to vector<104x1xf32>
    %broadcast_in_dim3A_96 = vector.broadcast %broadcast_in_dim3A_95 : vector<104x1xf32> to vector<104x4096xf32>
    %add3A_97 = arith.addf %broadcast_in_dim3A_94, %broadcast_in_dim3A_96 : vector<104x4096xf32>
    %sub3A_98 = arith.subf %add3A_97, %mul3A_91 : vector<104x4096xf32>
    %div3A_99 = arith.divf %mul3A_91, %sub3A_98 : vector<104x4096xf32>
    %lt3A = arith.constant 100 : i32
    %lt3A_100 = vector.broadcast %lt3A : i32 to vector<104x4096xi32>
    %lt3A_101 = arith.cmpi slt, %iota3A, %lt3A_100 : vector<104x4096xi32>
    %jit3A = arith.constant -1.000000e+00 : f32
    %broadcast_in_dim3A_102 = vector.broadcast %jit3A : f32 to vector<104x4096xf32>
    %select_n3A = arith.select %lt3A_101, %div3A_99, %broadcast_in_dim3A_102 : vector<104x4096xi1>, vector<104x4096xf32>
    %reduce_max3A = arith.constant dense<0xFF800000> : vector<4096xf32>
    %reduce_max3A_103 = vector.multi_reduction <maximumf>, %select_n3A, %reduce_max3A [0] : vector<104x4096xf32> to vector<4096xf32>
    %broadcast_in_dim3A_104 = vector.shape_cast %reduce_max3A_103 : vector<4096xf32> to vector<1x4096xf32>
    %eq3A = vector.broadcast %broadcast_in_dim3A_104 : vector<1x4096xf32> to vector<104x4096xf32>
    %eq3A_105 = arith.cmpf oeq, %select_n3A, %eq3A : vector<104x4096xf32>
    %jit3A_106 = arith.constant 1073741824 : i32
    %broadcast_in_dim3A_107 = vector.broadcast %jit3A_106 : i32 to vector<104x4096xi32>
    %select_n3A_108 = arith.select %eq3A_105, %iota3A, %broadcast_in_dim3A_107 : vector<104x4096xi1>, vector<104x4096xi32>
    %reduce_min3A = arith.constant dense<2147483647> : vector<4096xi32>
    %reduce_min3A_109 = vector.multi_reduction <minsi>, %select_n3A_108, %reduce_min3A [0] : vector<104x4096xi32> to vector<4096xi32>
    %swap3A = arith.constant 0 : index
    %swap3A_110 = arith.constant 0 : index
    %swap3A_111 = arith.constant 0 : index
    %swap3A_112 = arith.constant 0 : index
    %swap3A_113 = vector.load %arg4[%swap3A, %swap3A_110, %swap3A_111, %swap3A_112] : memref<1x1x1x4096xf32, #tpu.memory_space<vmem>>, vector<1x1x1x4096xf32>
    %swap3A_114 = vector.shape_cast %swap3A_113 : vector<1x1x1x4096xf32> to vector<4096xf32>
    %swap3A_115 = vector.shape_cast %reduce_max3A_103 : vector<4096xf32> to vector<1x1x1x4096xf32>
    tpu.vector_store %arg4[%swap3A, %swap3A_110, %swap3A_111, %swap3A_112], %swap3A_115 {strides = array<i32>} : memref<1x1x1x4096xf32, #tpu.memory_space<vmem>>, vector<1x1x1x4096xf32>,
    %swap3A_116 = arith.constant 0 : index
    %swap3A_117 = arith.constant 0 : index
    %swap3A_118 = arith.constant 0 : index
    %swap3A_119 = arith.constant 0 : index
    %swap3A_120 = vector.load %arg5[%swap3A_116, %swap3A_117, %swap3A_118, %swap3A_119] : memref<1x1x1x4096xi32, #tpu.memory_space<vmem>>, vector<1x1x1x4096xi32>
    %swap3A_121 = vector.shape_cast %swap3A_120 : vector<1x1x1x4096xi32> to vector<4096xi32>
    %swap3A_122 = vector.shape_cast %reduce_min3A_109 : vector<4096xi32> to vector<1x1x1x4096xi32>
    tpu.vector_store %arg5[%swap3A_116, %swap3A_117, %swap3A_118, %swap3A_119], %swap3A_122 {strides = array<i32>} : memref<1x1x1x4096xi32, #tpu.memory_space<vmem>>, vector<1x1x1x4096xi32>,
    %reduce_max3A_123 = arith.constant dense<0xFF800000> : vector<104xf32>
    %reduce_max3A_124 = vector.multi_reduction <maximumf>, %select_n3A, %reduce_max3A_123 [1] : vector<104x4096xf32> to vector<104xf32>
    %broadcast_in_dim3A_125 = vector.shape_cast %reduce_max3A_124 : vector<104xf32> to vector<104x1xf32>
    %eq3A_126 = vector.broadcast %broadcast_in_dim3A_125 : vector<104x1xf32> to vector<104x4096xf32>
    %eq3A_127 = arith.cmpf oeq, %select_n3A, %eq3A_126 : vector<104x4096xf32>
    %jit3A_128 = arith.constant 1073741824 : i32
    %broadcast_in_dim3A_129 = vector.broadcast %jit3A_128 : i32 to vector<104x4096xi32>
    %select_n3A_130 = arith.select %eq3A_127, %add3A_2, %broadcast_in_dim3A_129 : vector<104x4096xi1>, vector<104x4096xi32>
    %reduce_min3A_131 = arith.constant dense<2147483647> : vector<104xi32>
    %reduce_min3A_132 = vector.multi_reduction <minsi>, %select_n3A_130, %reduce_min3A_131 [1] : vector<104x4096xi32> to vector<104xi32>
    %broadcast_in_dim3A_133 = vector.shape_cast %reduce_min3A_132 : vector<104xi32> to vector<104x1xi32>
    %eq3A_134 = arith.constant 0 : i32
    %eq3A_135 = arith.cmpi eq, %arg1, %eq3A_134 : i32
    %get3A_136 = arith.constant 0 : index
    %get3A_137 = arith.constant 0 : index
    %get3A_138 = arith.constant 0 : index
    %get3A_139 = vector.load %arg6[%get3A_136, %get3A_137, %get3A_138] : memref<1x104x1xf32, #tpu.memory_space<vmem>>, vector<1x104x1xf32>
    %get3A_140 = vector.shape_cast %get3A_139 : vector<1x104x1xf32> to vector<104x1xf32>
    %jit3A_141 = arith.constant -2.000000e+00 : f32
    %broadcast_in_dim3A_142 = vector.broadcast %jit3A_141 : f32 to vector<104x1xf32>
    %select_n3A_143 = arith.select %eq3A_135, %broadcast_in_dim3A_142, %get3A_140 : vector<104x1xf32>
    %eq3A_144 = arith.constant 0 : i32
    %eq3A_145 = arith.cmpi eq, %arg1, %eq3A_144 : i32
    %get3A_146 = arith.constant 0 : index
    %get3A_147 = arith.constant 0 : index
    %get3A_148 = arith.constant 0 : index
    %get3A_149 = vector.load %arg7[%get3A_146, %get3A_147, %get3A_148] : memref<1x104x1xi32, #tpu.memory_space<vmem>>, vector<1x104x1xi32>
    %get3A_150 = vector.shape_cast %get3A_149 : vector<1x104x1xi32> to vector<104x1xi32>
    %jit3A_151 = arith.constant 1073741824 : i32
    %broadcast_in_dim3A_152 = vector.broadcast %jit3A_151 : i32 to vector<104x1xi32>
    %select_n3A_153 = arith.select %eq3A_145, %broadcast_in_dim3A_152, %get3A_150 : vector<104x1xi32>
    %gt3A = arith.cmpf ogt, %broadcast_in_dim3A_125, %select_n3A_143 : vector<104x1xf32>
    %eq3A_154 = arith.cmpf oeq, %broadcast_in_dim3A_125, %select_n3A_143 : vector<104x1xf32>
    %max3A_155 = arith.maximumf %select_n3A_143, %broadcast_in_dim3A_125 : vector<104x1xf32>
    %swap3A_156 = arith.constant 0 : index
    %swap3A_157 = arith.constant 0 : index
    %swap3A_158 = arith.constant 0 : index
    %swap3A_159 = vector.load %arg6[%swap3A_156, %swap3A_157, %swap3A_158] : memref<1x104x1xf32, #tpu.memory_space<vmem>>, vector<1x104x1xf32>
    %swap3A_160 = vector.shape_cast %swap3A_159 : vector<1x104x1xf32> to vector<104x1xf32>
    %swap3A_161 = vector.shape_cast %max3A_155 : vector<104x1xf32> to vector<1x104x1xf32>
    tpu.vector_store %arg6[%swap3A_156, %swap3A_157, %swap3A_158], %swap3A_161 {strides = array<i32>} : memref<1x104x1xf32, #tpu.memory_space<vmem>>, vector<1x104x1xf32>,
    %min3A_162 = arith.minsi %select_n3A_153, %broadcast_in_dim3A_133 : vector<104x1xi32>
    %select_n3A_163 = arith.select %eq3A_154, %min3A_162, %select_n3A_153 : vector<104x1xi1>, vector<104x1xi32>
    %select_n3A_164 = arith.select %gt3A, %broadcast_in_dim3A_133, %select_n3A_163 : vector<104x1xi1>, vector<104x1xi32>
    %swap3A_165 = arith.constant 0 : index
    %swap3A_166 = arith.constant 0 : index
    %swap3A_167 = arith.constant 0 : index
    %swap3A_168 = vector.load %arg7[%swap3A_165, %swap3A_166, %swap3A_167] : memref<1x104x1xi32, #tpu.memory_space<vmem>>, vector<1x104x1xi32>
    %swap3A_169 = vector.shape_cast %swap3A_168 : vector<1x104x1xi32> to vector<104x1xi32>
    %swap3A_170 = vector.shape_cast %select_n3A_164 : vector<104x1xi32> to vector<1x104x1xi32>
    tpu.vector_store %arg7[%swap3A_165, %swap3A_166, %swap3A_167], %swap3A_170 {strides = array<i32>} : memref<1x104x1xi32, #tpu.memory_space<vmem>>, vector<1x104x1xi32>,
    return
  }
  func.func @transform_0(%arg0: i32, %arg1: i32) -> (i32, i32) {
    %c0_i32 = arith.constant 0 : i32
    %c0_i32_0 = arith.constant 0 : i32
    return %c0_i32, %arg1 : i32, i32
  }
  func.func @transform_1(%arg0: i32, %arg1: i32) -> (i32, i32, i32, i32) {
    %c0_i32 = arith.constant 0 : i32
    %c0_i32_0 = arith.constant 0 : i32
    %c0_i32_1 = arith.constant 0 : i32
    %c0_i32_2 = arith.constant 0 : i32
    return %arg0, %c0_i32, %c0_i32_0, %c0_i32_1 : i32, i32, i32, i32
  }
  func.func @transform_2(%arg0: i32, %arg1: i32) -> (i32, i32, i32, i32) {
    %c0_i32 = arith.constant 0 : i32
    %c0_i32_0 = arith.constant 0 : i32
    %c0_i32_1 = arith.constant 0 : i32
    return %arg0, %arg1, %c0_i32, %c0_i32_0 : i32, i32, i32, i32
  }
  func.func @transform_3(%arg0: i32, %arg1: i32) -> (i32, i32, i32, i32) {
    %c0_i32 = arith.constant 0 : i32
    %c0_i32_0 = arith.constant 0 : i32
    %c0_i32_1 = arith.constant 0 : i32
    return %arg0, %arg1, %c0_i32, %c0_i32_0 : i32, i32, i32, i32
  }
  func.func @transform_4(%arg0: i32, %arg1: i32) -> (i32, i32, i32) {
    %c0_i32 = arith.constant 0 : i32
    %c0_i32_0 = arith.constant 0 : i32
    %c0_i32_1 = arith.constant 0 : i32
    return %arg0, %c0_i32, %c0_i32_0 : i32, i32, i32
  }
  func.func @transform_5(%arg0: i32, %arg1: i32) -> (i32, i32, i32) {
    %c0_i32 = arith.constant 0 : i32
    %c0_i32_0 = arith.constant 0 : i32
    %c0_i32_1 = arith.constant 0 : i32
    return %arg0, %c0_i32, %c0_i32_0 : i32, i32, i32
  }
}

</mosaic_0001>

<sc_bundles>
// kernel: kernel.4.cloned.1.call-start
scs
__scs_entry_jumppad:
0x0: {  	(pc) =	sbr.rel $0x88, $3  }
0x1: {  	(tag) =	ssettag $0x0;
	lr =	simm.s32 $0x1  }
0x2: {  	[smem:$0x3F9E] =	sst lr;
	_ =	strace $0xD0000000  }
0x3: {  	_ = 	snop  }
0x4: {  	_ = 	snop  }
0x5: {  	_ = 	snop  }
0x6: {  	_ = 	snop  }
0x7: {  	_ = 	snop  }
__scs_overlays_trampoline_lowered:
0x8: {  	[smem:$0x3FAD] =	sst s0  }
0x9: {  	[smem:$0x3FAE] =	sst s1  }
0xa: {  	[smem:$0x3FAF] =	sst s2  }
0xb: {  	[smem:$0x3FB0] =	sst s3  }
0xc: {  	[smem:$0x3FB1] =	sst s4  }
0xd: {  	[smem:$0x3FB2] =	sst s5  }
0xe: {  	[smem:$0x3FB3] =	sst s6  }
0xf: {  	[smem:$0x3FB4] =	sst s7  }
0x10: {  	[smem:$0x3FB5] =	sst s8  }
0x11: {  	[smem:$0x3FB6] =	sst s9;
	s0 =	simm.s32 @!p0 $0x0  }
0x12: {  	s1 =	sld [smem:$0x3F9C];
	s0 =	simm.s32 @p0 $0x1  }
0x13: {  	[smem:$0x3FB7] =	sst s0;
	s0 =	simm.s32 @!p1 $0x0  }
0x14: {  	s2 =	sld [smem:$0x3F9B];
	s0 =	simm.s32 @p1 $0x1  }
0x15: {  	[smem:$0x3FB8] =	sst s0;
	s0 =	simm.s32 @!p2 $0x0  }
0x16: {  	s3 =	sld [smem:$0x3FDB];
	s0 =	simm.s32 @p2 $0x1  }
0x17: {  	s4 =	simm.s32 $0x1BF5;
	[smem:$0x3FBA] =	sst s0  }
0x18: {  	s0 =	sld [smem:$0x3F9D];
	_ =	swait.ge [sflag:s4], $0x0  }
0x19: {  	s7 =	sld [smem:$0x3F9E]  }
0x1a: {  	s8 =	sadd.s32 $0xFFFFE003, lr  }
0x1b: {  	s9 =	sadd.s32 $0xFFFFFEF7, lr;
	s5 =	simm.s32 $0xFFFFFFFF;
	p2 =	slt.u32 s8, $0xFFFFF086  }
0x1c: {  	p1 =	slt.u32 s9, $0xF7A;
	s5 =	simm.s32 @!p2 $0x0  }
0x1d: {  	s5 =	simm.s32 @p1 $0x1;
	p0 =	seq.s32 s7, s2  }
0x1e: {  	s7 =	smul.u32 @!p0 $0xF7A, s2;
	p2 =	seq.s32 @!p0 s5, $0x0  }
0x1f: {  	s9 =	smul.u32 $0xF7A, s1;
	s8 =	simm.s32 @!p0 $0x1BF5;
	p2 =	por !p2, p0  }
0x20: {  	[sflag:s8] =	ssyncset.s32 @!p0 $0xFFFFF086;
	s6 =	sadd.s32 @!p0 s3, s7;
	s7 =	simm.s32 @!p0 $0x108  }
0x21: {  	s3 =	sadd.s32 s3, s9;
	s6 =	sadd.s32 @!p0 $0x88, s6;
	s7 =	simm.s32 @p2 $0x1082  }
0x22: {  	[simem:s7], [sflag:s8] =	dma.local @!p0 [hbm:s6], $0xF7A  }
0x23: {  	s9 =	sor.u32 $0xD0000000, s2;
	s6 =	simm.s32 $0x108;
	_ =	swait.ge @!p0 [sflag:s8], $0x0  }
0x24: {  	s3 =	sadd.s32 $0x88, s3;
	s6 =	simm.s32 @!p1 $0x1082;
	[sflag:s4] =	ssyncset.s32 $0xFFFFF086  }
0x25: {  	[simem:s6], [sflag:s4] =	dma.local [hbm:s3], $0xF7A  }
0x26: {  	[smem:$0x3F9E] =	sst s1;
	(tag) =	ssettag s2;
	_ =	strace s9  }
0x27: {  	s1 =	sld [smem:$0x3FAE]  }
0x28: {  	s2 =	sld [smem:$0x3FAF]  }
0x29: {  	s4 =	sld [smem:$0x3FB1]  }
0x2a: {  	p0 =	seq.s32 s5, $0x0;
	s5 =	sld [smem:$0x3FB2]  }
0x2b: {  	s6 =	sld [smem:$0x3FB3]  }
0x2c: {  	s7 =	sld [smem:$0x3FB4]  }
0x2d: {  	s3 =	simm.s32 $0x108;
	s8 =	sld [smem:$0x3FB5]  }
0x2e: {  	s3 =	simm.s32 @!p0 $0x1082;
	s9 =	sld [smem:$0x3FB6]  }
0x2f: {  	lr =	sadd.s32 s0, s3;
	s0 =	sld [smem:$0x3FAD]  }
0x30: {  	s3 =	sld [smem:$0x3FB0]  }
0x31: {  	[smem:$0x3FB9] =	sst s10  }
0x32: {  	s10 =	sld [smem:$0x3FB7];
	_ =	sdelay $0x3  }
0x33: {  	p0 =	seq.s32 s10, $0x1;
	s10 =	sld [smem:$0x3FB9];
	_ =	sdelay $0x3  }
0x34: {  	[smem:$0x3FB9] =	sst s10  }
0x35: {  	s10 =	sld [smem:$0x3FB8];
	_ =	sdelay $0x3  }
0x36: {  	p1 =	seq.s32 s10, $0x1;
	s10 =	sld [smem:$0x3FB9];
	_ =	sdelay $0x3  }
0x37: {  	[smem:$0x3FB9] =	sst s10  }
0x38: {  	s10 =	sld [smem:$0x3FBA]  }
0x39: {  	_ = 	snop;
	(pc) =	sbr.ind lr, $3  }
0x3a: {  	_ = 	snop  }
0x3b: {  	_ = 	snop  }
0x3c: {  	p2 =	seq.s32 s10, $0x1;
	s10 =	sld [smem:$0x3FB9]  }
0x3d: {  	_ =	shalt  }
0x3e: {  	_ =	shalt  }
0x3f: {  	_ =	shalt  }
0x40: {  	_ =	shalt  }
0x41: {  	_ =	shalt  }
0x42: {  	_ =	shalt  }
0x43: {  	_ =	shalt  }
0x44: {  	_ =	shalt  }
0x45: {  	_ =	shalt  }
0x46: {  	_ =	shalt  }
0x47: {  	_ =	shalt  }
0x48: {  	_ =	shalt  }
0x49: {  	_ =	shalt  }
0x4a: {  	_ =	shalt  }
0x4b: {  	_ =	shalt  }
0x4c: {  	_ =	shalt  }
0x4d: {  	_ =	shalt  }
0x4e: {  	_ =	shalt  }
0x4f: {  	_ =	shalt  }
0x50: {  	_ =	shalt  }
0x51: {  	_ =	shalt  }
0x52: {  	_ =	shalt  }
0x53: {  	_ =	shalt  }
0x54: {  	_ =	shalt  }
0x55: {  	_ =	shalt  }
0x56: {  	_ =	shalt  }
0x57: {  	_ =	shalt  }
0x58: {  	_ =	shalt  }
0x59: {  	_ =	shalt  }
0x5a: {  	_ =	shalt  }
0x5b: {  	_ =	shalt  }
0x5c: {  	_ =	shalt  }
0x5d: {  	_ =	shalt  }
0x5e: {  	_ =	shalt  }
0x5f: {  	_ =	shalt  }
0x60: {  	_ =	shalt  }
0x61: {  	_ =	shalt  }
0x62: {  	_ =	shalt  }
0x63: {  	_ =	shalt  }
0x64: {  	_ =	shalt  }
0x65: {  	_ =	shalt  }
0x66: {  	_ =	shalt  }
0x67: {  	_ =	shalt  }
0x68: {  	_ =	shalt  }
0x69: {  	_ =	shalt  }
0x6a: {  	_ =	shalt  }
0x6b: {  	_ =	shalt  }
0x6c: {  	_ =	shalt  }
0x6d: {  	_ =	shalt  }
0x6e: {  	_ =	shalt  }
0x6f: {  	_ =	shalt  }
0x70: {  	_ =	shalt  }
0x71: {  	_ =	shalt  }
0x72: {  	_ =	shalt  }
0x73: {  	_ =	shalt  }
0x74: {  	_ =	shalt  }
0x75: {  	_ =	shalt  }
0x76: {  	_ =	shalt  }
0x77: {  	_ =	shalt  }
0x78: {  	_ =	shalt  }
0x79: {  	_ =	shalt  }
0x7a: {  	_ =	shalt  }
0x7b: {  	_ =	shalt  }
0x7c: {  	_ =	shalt  }
0x7d: {  	_ =	shalt  }
0x7e: {  	_ =	shalt  }
0x7f: {  	_ =	shalt  }
0x80: {  	_ =	shalt  }
0x81: {  	_ =	shalt  }
0x82: {  	_ =	shalt  }
0x83: {  	_ =	shalt  }
0x84: {  	_ =	shalt  }
0x85: {  	_ =	shalt  }
0x86: {  	_ =	shalt  }
0x87: {  	_ =	shalt  }
.Lfunc_end0:
.L_simem_size_0:
called_computation_lowered:
.L_overlay_start_0:
0x88: {  	s2 =	sld [smem:$0x3FD9]  }
0x89: {  	s3 =	sld [smem:$0x3FFE];
	_ =	sdelay $0x1  }
0x8a: {  	s1 =	srdreg.scid  }
0x8b: {  	s0 =	sand.u32 $0x1, s1  }
0x8c: {  	s14 =	sshll.u32 s0, $0xA;
	s2 =	sadd.s32 s3, s2  }
0x8d: {  	s2 =	sadd.s32 s2, s14  }
0x8e: {  	[smem:$0x3FC5] =	sst s2  }
0x8f: {  	_ = 	snop  }
0x90: {  	s2 =	sld [smem:$0x3FD0];
	_ =	sdelay $0x2  }
0x91: {  	s15 =	simm.s32 $0xA;
	s4 =	simm.s32 $0x10  }
0x92: {  	[smem:s4], [sflag:s15] =	dma.local [hbm:s2], $0x1  }
0x93: {  	_ =	swait.eq [sflag:s15], $0x1  }
0x94: {  	[sflag:s15] =	ssyncset.done $0x0  }
0x95: {  	s16 =	sld [smem:$0x10];
	[sflag:s15] =	ssyncadd.s32 $0xFFFFFFFF  }
0x96: {  	s17 =	sld [smem:$0x11];
	(tm) =	ssettm $0x1  }
0x97: {  	s18 =	sld [smem:$0x3FFB];
	_ =	sdelay $0x3  }
0x98: {  	_ =	strace s18  }
0x99: {  	s4 =	sld [smem:$0x3FFC];
	_ =	sdelay $0x3  }
0x9a: {  	_ =	strace s4  }
0x9b: {  	s4 =	sld [smem:$0x3FFD];
	_ =	sdelay $0x3  }
0x9c: {  	_ =	strace s4  }
0x9d: {  	_ =	strace $0x8FFFFFFF  }
0x9e: {  	s19 =	sld [smem:$0x3FDB];
	_ =	sdelay $0x1  }
0x9f: {  	s5 =	simm.s32 $_scs_section_size  }
0xa0: {  	s6 =	simm.s32 $_size__tile_overlayer_lowered;
	s7 =	simm.s32 $_tile_overlayer_lowered  }
0xa1: {  	s22 =	simm.s32 $0x1BFF;
	s21 =	sshll.u32 s7, $0x1;
	s4 =	sadd.s32 s5, s19  }
0xa2: {  	s8 =	simm.s32 $0x0;
	s20 =	sshll.u32 s6, $0x1;
	s6 =	sadd.s32 s21, s4  }
0xa3: {  	[timem:s8], [sflag:s22] =	dma.local [hbm:s6], s20  }
0xa4: {  	_ =	swait.ge [sflag:s22], s20  }
0xa5: {  	s5 =	ssub.s32 $0x0, s20;
	[sflag:s22] =	ssyncset.done $0x0  }
0xa6: {  	[sflag:s22] =	ssyncadd.s32 s5;
	_ =	sdelay $0x1  }
0xa7: {  	s23 =	simm.s32 $0x1B8B  }
0xa8: {  	_ =	swait.ge [sflag:s23], $0x1  }
0xa9: {  	[sflag:s23] =	ssyncset.done $0x0  }
0xaa: {  	s25 =	simm.s32 $0x1B8E;
	s24 =	sld [smem:$0x3FFE];
	[sflag:s23] =	ssyncadd.s32 $0xFFFFFFFF  }
0xab: {  	s26 =	simm.s32 $execute0_lowered;
	[smem:$0x3FD2] =	sst s25  }
0xac: {  	s6 =	sshll.u32 s26, $0x1;
	_ =	strace $0x80000046;
	[dreg:$0x1] =	wrdreg $0xFFFFFFFF  }
0xad: {  	s28 =	simm.s32 $_size_execute0_lowered;
	s4 =	sadd.s32 s4, s6;
	[dreg:$0x0] =	wrdreg $0x0  }
0xae: {  	s6 =	sshll.u32 s28, $0x1;
	[dreg:$0x2] =	wrdreg s4  }
0xaf: {  	[dreg:$0x3] =	wrdreg s6  }
0xb0: {  	[dreg:$0x4] =	wrdreg $0xC0  }
0xb1: {  	_ =	task [dreg:s8], $0x5FFFF  }
0xb2: {  	[dreg:$0x1] =	wrdreg $0xFFFFFFFF  }
0xb3: {  	[dreg:$0x0] =	wrdreg $0x60  }
0xb4: {  	[dreg:$0x2] =	wrdreg s24  }
0xb5: {  	[dreg:$0x3] =	wrdreg s16  }
0xb6: {  	[dreg:$0x4] =	wrdreg s17  }
0xb7: {  	[dreg:$0x5] =	wrdreg $0x9  }
0xb8: {  	_ =	task.clear_ibuf [dreg:s8], $0x6FFFF;
	_ =	strace $0x90000046  }
0xb9: {  	s29 =	simm.s32 $0x9;
	_ =	strace $0x80000048  }
0xba: {  	_ =	swait.ge [sflag:s29], $0x1  }
0xbb: {  	[sflag:s29] =	ssyncadd.s32 $0xFFFFFFFF  }
0xbc: {  	_ =	strace $0x90000048  }
0xbd: {  	_ =	sfence  }
0xbe: {  	s30 =	sld [smem:$0x0];
	_ =	sdelay $0x2  }
0xbf: {  	s31 =	sshll.u32 s1, $0xD;
	s1 =	sshrl.u32 s1, $0x2  }
0xc0: {  	s3 =	sand.u32 $0x4000, s31;
	s1 =	sadd.s32 s1, s30  }
0xc1: {  	s0 =	sor.u32 s3, s0;
	s1 =	sshll.u32 s1, $0x11  }
0xc2: {  	s0 =	sor.u32 s1, s0  }
0xc3: {  	s0 =	sadd.s32 $0x8F2B, s0  }
0xc4: {  	[sflag:s0] =	ssyncadd.remote.s32 $0x1  }
0xc5: {  	_ =	sfence.sel $0xFFFF  }
0xc6: {  	[dreg:$0x0] =	wrdreg $0xFFFFFFFF;
	(pc) =	sbr.abs _section_cstart, $3  }
0xc7: {  	[dreg:$0x1] =	wrdreg $0xFFFFFFFF  }
0xc8: {  	_ =	task.clear_ibuf [dreg:s8], $0x2FFFF;
	_ =	strace $0x9FFFFFFF  }
0xc9: {  	(tm) =	ssettm $0x7FFFFFFF  }
tec
execute0_lowered:
.L_overlay_start_1:
0x0: {  	(tag) =	ssettag $0x1  }
0x1: {  	s0 =	srdreg.scid;
	s2 =	rddreg [dreg:$0x0]  }
0x2: {  	s3 =	sand.u32 $0x1, s0;
	s4 =	sadd.s32 $0x10600, s2  }
0x3: {  	s5 =	sadd.s32 $0x8400, s2;
	s6 =	sadd.s32 $0x8200, s2;
	s8 =	sshll.u32 s3, $0x6  }
0x4: {  	s0 =	ssub.s32 $0x2, s3;
	s7 =	sshll.u32 s3, $0x2;
	s9 =	sadd.s32 s4, s8  }
0x5: {  	s26 =	sshll.u32 s3, $0x8;
	s10 =	sadd.s32 s5, s8;
	[dreg:$0x4] =	wrdreg s9  }
0x6: {  	s15 =	sadd.s32 s2, s26;
	s12 =	sor.u32 $0x1, s7;
	[dreg:$0x5] =	wrdreg s10  }
0x7: {  	s8 =	sadd.s32 s6, s8;
	[dreg:$0x6] =	wrdreg s15;
	s10 =	sadd.s32 $0x10, s2  }
0x8: {  	s14 =	sshll.u32 s12, $0x4;
	[dreg:$0x9] =	wrdreg s8;
	s11 =	sadd.s32 s26, s10  }
0x9: {  	s1 =	sshrl.u32 s0, $0x1;
	s16 =	sadd.s32 s4, s14;
	[dreg:$0x7] =	wrdreg s11  }
0xa: {  	s7 =	sor.u32 $0x2, s7;
	s17 =	sadd.s32 s5, s14;
	[dreg:$0xa] =	wrdreg s16  }
0xb: {  	s18 =	sshll.u32 s7, $0x4;
	s14 =	sadd.s32 s6, s14;
	[dreg:$0xb] =	wrdreg s17  }
0xc: {  	s0 =	ssub.s32 s0, s1;
	s19 =	sadd.s32 s4, s18;
	[dreg:$0xc] =	wrdreg s14  }
0xd: {  	s1 =	sshll.u32 s3, $0x9;
	s15 =	sadd.s32 s5, s18;
	[dreg:$0xd] =	wrdreg s19  }
0xe: {  	s23 =	sshll.u32 s12, $0x6;
	s8 =	sadd.s32 s6, s18;
	[dreg:$0xe] =	wrdreg s15  }
0xf: {  	s3 =	sshllo.u32 s3, $0x2;
	s25 =	sadd.s32 s2, s23;
	[dreg:$0xf] =	wrdreg s8  }
0x10: {  	s20 =	sshll.u32 s3, $0x4;
	[dreg:$0x14] =	wrdreg s25  }
0x11: {  	s28 =	simm.s32 $0x800;
	s4 =	sadd.s32 s4, s20;
	s25 =	rddreg [dreg:$0x1]  }
0x12: {  	s29 =	simm.s32 $0x2380;
	s21 =	sadd.s32 s5, s20;
	[dreg:$0x10] =	wrdreg s4  }
0x13: {  	s9 =	sshll.u32 s7, $0x6;
	s22 =	sadd.s32 s6, s20;
	[dreg:$0x11] =	wrdreg s21  }
0x14: {  	s5 =	sshll.u32 s12, $0x7;
	s12 =	sadd.s32 s2, s9;
	[dreg:$0x12] =	wrdreg s22  }
0x15: {  	s11 =	sadd.s32 $0x20, s2;
	s14 =	sadd.s32 s9, s10;
	[dreg:$0x18] =	wrdreg s12  }
0x16: {  	s30 =	simm.s32 $0x2400;
	s13 =	sadd.s32 s26, s11;
	[dreg:$0x19] =	wrdreg s14  }
0x17: {  	s31 =	simm.s32 $0x2480;
	s8 =	sadd.s32 s23, s11;
	[dreg:$0x8] =	wrdreg s13  }
0x18: {  	s17 =	sshll.u32 s3, $0x6;
	s15 =	sadd.s32 s9, s11;
	[dreg:$0x16] =	wrdreg s8  }
0x19: {  	s7 =	sshll.u32 s7, $0x7;
	s18 =	sadd.s32 s17, s10;
	[dreg:$0x1a] =	wrdreg s15  }
0x1a: {  	s19 =	sadd.s32 s17, s11;
	s13 =	sadd.s32 $0x30, s2;
	[dreg:$0x1c] =	wrdreg s18  }
0x1b: {  	s3 =	sshll.u32 s3, $0x7;
	[dreg:$0x1d] =	wrdreg s19;
	s24 =	sadd.s32 s26, s13  }
0x1c: {  	s12 =	stileid.u32;
	s26 =	sadd.s32 s23, s10;
	[dreg:$0x13] =	wrdreg s24  }
0x1d: {  	s22 =	sadd.s32 $0x200, s2;
	s4 =	sadd.s32 s23, s13;
	[dreg:$0x15] =	wrdreg s26  }
0x1e: {  	s21 =	sshll.u32 s12, $0xE;
	s16 =	sadd.s32 s9, s13;
	[dreg:$0x17] =	wrdreg s4  }
0x1f: {  	s20 =	sadd.s32 s17, s13;
	s23 =	sor.u32 s1, s21;
	[dreg:$0x1b] =	wrdreg s16  }
0x20: {  	s14 =	sor.u32 s21, s7;
	[dreg:$0x1e] =	wrdreg s20;
	s4 =	sadd.s32 s2, s17  }
0x21: {  	s24 =	sor.u32 s21, s5;
	s2 =	sadd.s32 $0x8600, s2;
	s8 =	sshrl.u32 s23, $0x3  }
0x22: {  	s15 =	sshrl.u32 s14, $0x3;
	s20 =	sshll.u32 s12, $0x10;
	s14 =	smax.u32 s0, $0x1  }
0x23: {  	s0 =	simm.s32 $0x2580;
	[dreg:$0x1f] =	wrdreg s4;
	s9 =	sshrl.u32 s24, $0x3  }
0x24: {  	s26 =	sadd.s32 s22, s8;
	s13 =	sadd.s32 s2, s8;
	s8 =	sadd.s32 s25, s8  }
0x25: {  	s4 =	sor.u32 s21, s3;
	s18 =	sadd.s32 s22, s15;
	s24 =	rddreg [dreg:$0x2]  }
0x26: {  	s19 =	sadd.s32 s2, s15;
	s21 =	sadd.s32 s25, s15;
	[smem:$0x7EF] =	sst s26  }
0x27: {  	s1 =	sor.u32 s1, s20;
	s23 =	sor.u32 s20, s7;
	[smem:$0x7F0] =	sst s13  }
0x28: {  	s15 =	sshll.u32 s12, $0xB;
	s7 =	simm.s32 $0x1080;
	[smem:$0x7F1] =	sst s8  }
0x29: {  	s4 =	sshrl.u32 s4, $0x3;
	s16 =	sadd.s32 s22, s9;
	[smem:$0x7F5] =	sst s18  }
0x2a: {  	s17 =	sadd.s32 s2, s9;
	s9 =	sadd.s32 s25, s9;
	[smem:$0x7F7] =	sst s19  }
0x2b: {  	[smem:$0x7F9] =	sst s21;
	s1 =	sshrl.u32 s1, $0x3;
	s26 =	sshrl.u32 s23, $0x3  }
0x2c: {  	s19 =	simm.s32 $0x1100;
	s21 =	simm.s32 $0x1200;
	[smem:$0x7F2] =	sst s16  }
0x2d: {  	s23 =	simm.s32 $0x2500;
	s8 =	simm.s32 $0x0;
	[smem:$0x7F3] =	sst s17  }
0x2e: {  	[smem:$0x7F4] =	sst s9;
	s6 =	sadd.s32 s22, s4;
	s2 =	sadd.s32 s2, s4  }
0x2f: {  	s4 =	sadd.s32 s25, s4;
	s22 =	sor.u32 s20, s5;
	[smem:$0x7F6] =	sst s6  }
0x30: {  	s9 =	simm.s32 $0x0;
	s1 =	sadd.s32 s24, s1;
	[smem:$0x7F8] =	sst s2  }
0x31: {  	s16 =	simm.s32 $0x80;
	s17 =	simm.s32 $0x400;
	[smem:$0x7FA] =	sst s4  }
0x32: {  	s5 =	simm.s32 $0x2780;
	s2 =	sor.u32 s20, s3;
	[smem:$0x7FF] =	sst s9  }
0x33: {  	[smem:$0x7FB] =	sst s1;
	s25 =	sshrl.u32 s22, $0x3;
	s20 =	simm.s32 $0x1180  }
0x34: {  	s22 =	simm.s32 $0x1280;
	s3 =	simm.s32 $0x2700;
	s4 =	simm.s32 $0x2F80  }
0x35: {  	s6 =	simm.s32 $0x1000;
	s1 =	sadd.s32 s24, s25;
	s2 =	sshrl.u32 s2, $0x3  }
0x36: {  	s25 =	simm.s32 $0x1;
	[smem:$0x7FC] =	sst s1;
	s1 =	sadd.s32 s24, s26  }
0x37: {  	v0 =	vlaneseq.u32;
	s13 =	sadd.s32 s24, s2;
	s24 =	simm.s32 $0x1300;
	[smem:$0x7FD] =	sst s1  }
0x38: {  	vm0 =	vmxor vm0, vm0;
	vm1 =	vmmov $0x1;
	v0 =	vmul.u32 $0x4, v0;
	s2 =	simm.s32 $0x2680;
	s1 =	simm.s32 $0x2600;
	_ =	strace $0x80000047  }
.LBB2_1:
0x39: {  	s10 =	sld [smem:$0x7EF];
	_ =	sdelay $0x1  }
0x3a: {  	s12 =	sld [smem:$0x7F0]  }
0x3b: {  	[tilespmem:s9], [sflag:$0x1] =	stream.strided.gather [hbm4b:s10+s16], $0x800, s17, s16, $0x38;
	[tilespmem:$0x4F80] =	vst v63  }
0x3c: {  	_ = 	snop  }
0x3d: {  	[tilespmem:s28], [sflag:$0x1] =	stream.strided.gather [hbm4b:s12+s16], $0x800, s17, s16, $0x38;
	[tilespmem:$0x4F80] =	vst v63  }
0x3e: {  	s18 =	rddreg [dreg:$0x4]  }
0x3f: {  	[tilespmem:s6], [sflag:$0x1] =	stream.linear.gather [hbm4b:s18+s9], $0x80, $0x38;
	[tilespmem:$0x4F80] =	vst v63  }
0x40: {  	s26 =	rddreg [dreg:$0x5]  }
0x41: {  	[tilespmem:s7], [sflag:$0x1] =	stream.linear.gather [hbm4b:s26+s9], $0x80, $0x38;
	[tilespmem:$0x4F80] =	vst v63  }
0x42: {  	s11 =	rddreg [dreg:$0x6]  }
0x43: {  	[tilespmem:s19], [sflag:$0x1] =	stream.linear.gather [hbm4b:s11+s9], $0x80, $0x38;
	[tilespmem:$0x4F80] =	vst v63  }
0x44: {  	s12 =	rddreg [dreg:$0x7]  }
0x45: {  	[tilespmem:s20], [sflag:$0x1] =	stream.linear.gather [hbm4b:s12+s9], $0x80, $0x38;
	[tilespmem:$0x4F80] =	vst v63  }
0x46: {  	s18 =	rddreg [dreg:$0x8]  }
0x47: {  	[tilespmem:s21], [sflag:$0x1] =	stream.linear.gather [hbm4b:s18+s9], $0x80, $0x38;
	[tilespmem:$0x4F80] =	vst v63  }
0x48: {  	s26 =	rddreg [dreg:$0x13]  }
0x49: {  	[tilespmem:s22], [sflag:$0x1] =	stream.linear.gather [hbm4b:s26+s9], $0x80, $0x38;
	[tilespmem:$0x4F80] =	vst v63  }
0x4a: {  	s11 =	rddreg [dreg:$0x9]  }
0x4b: {  	[tilespmem:s24], [sflag:$0x1] =	stream.linear.gather [hbm4b:s11+s9], $0x80, $0x38;
	[tilespmem:$0x4F80] =	vst v63  }
0x4c: {  	_ =	swait.ge [sflag:s25], $0x800  }
0x4d: {  	[sflag:s25] =	ssyncset.done $0x0  }
0x4e: {  	[sflag:s25] =	ssyncadd.s32 $0xFFFFF800  }
0x4f: {  	_ =	swait.ge [sflag:s25], $0x800  }
0x50: {  	[sflag:s25] =	ssyncset.done $0x0  }
0x51: {  	[sflag:s25] =	ssyncadd.s32 $0xFFFFF800  }
0x52: {  	_ =	swait.ge [sflag:s25], $0x80  }
0x53: {  	[sflag:s25] =	ssyncset.done $0x0  }
0x54: {  	[sflag:s25] =	ssyncadd.s32 $0xFFFFFF80  }
0x55: {  	_ =	swait.ge [sflag:s25], $0x80  }
0x56: {  	[sflag:s25] =	ssyncset.done $0x0  }
0x57: {  	[sflag:s25] =	ssyncadd.s32 $0xFFFFFF80  }
0x58: {  	_ =	swait.ge [sflag:s25], $0x80  }
0x59: {  	[sflag:s25] =	ssyncset.done $0x0  }
0x5a: {  	[sflag:s25] =	ssyncadd.s32 $0xFFFFFF80  }
0x5b: {  	_ =	swait.ge [sflag:s25], $0x80  }
0x5c: {  	[sflag:s25] =	ssyncset.done $0x0  }
0x5d: {  	[sflag:s25] =	ssyncadd.s32 $0xFFFFFF80  }
0x5e: {  	_ =	swait.ge [sflag:s25], $0x80  }
0x5f: {  	[sflag:s25] =	ssyncset.done $0x0  }
0x60: {  	[sflag:s25] =	ssyncadd.s32 $0xFFFFFF80  }
0x61: {  	_ =	swait.ge [sflag:s25], $0x80  }
0x62: {  	[sflag:s25] =	ssyncset.done $0x0  }
0x63: {  	[sflag:s25] =	ssyncadd.s32 $0xFFFFFF80  }
0x64: {  	_ =	swait.ge [sflag:s25], $0x80  }
0x65: {  	s12 =	sld [smem:$0x7F2]  }
0x66: {  	[sflag:s25] =	ssyncset.done $0x0  }
0x67: {  	s11 =	simm.s32 $0x1380;
	s18 =	sld [smem:$0x7F3];
	[sflag:s25] =	ssyncadd.s32 $0xFFFFFF80  }
0x68: {  	[tilespmem:s11], [sflag:$0x1] =	stream.strided.gather [hbm4b:s12+s16], $0x800, s17, s16, $0x38;
	[tilespmem:$0x4F80] =	vst v63  }
0x69: {  	s26 =	simm.s32 $0x1B80  }
0x6a: {  	[tilespmem:s26], [sflag:$0x1] =	stream.strided.gather [hbm4b:s18+s16], $0x800, s17, s16, $0x38;
	[tilespmem:$0x4F80] =	vst v63  }
0x6b: {  	s12 =	rddreg [dreg:$0xa]  }
0x6c: {  	[tilespmem:s29], [sflag:$0x1] =	stream.linear.gather [hbm4b:s12+s9], $0x80, $0x38;
	[tilespmem:$0x4F80] =	vst v63  }
0x6d: {  	s18 =	rddreg [dreg:$0xb]  }
0x6e: {  	[tilespmem:s30], [sflag:$0x1] =	stream.linear.gather [hbm4b:s18+s9], $0x80, $0x38;
	[tilespmem:$0x4F80] =	vst v63  }
0x6f: {  	s26 =	rddreg [dreg:$0x14]  }
0x70: {  	[tilespmem:s31], [sflag:$0x1] =	stream.linear.gather [hbm4b:s26+s9], $0x80, $0x38;
	[tilespmem:$0x4F80] =	vst v63  }
0x71: {  	s11 =	rddreg [dreg:$0x15]  }
0x72: {  	[tilespmem:s23], [sflag:$0x1] =	stream.linear.gather [hbm4b:s11+s9], $0x80, $0x38;
	[tilespmem:$0x4F80] =	vst v63  }
0x73: {  	s12 =	rddreg [dreg:$0x16]  }
0x74: {  	[tilespmem:s0], [sflag:$0x1] =	stream.linear.gather [hbm4b:s12+s9], $0x80, $0x38;
	[tilespmem:$0x4F80] =	vst v63  }
0x75: {  	s18 =	rddreg [dreg:$0x17]  }
0x76: {  	[tilespmem:s1], [sflag:$0x1] =	stream.linear.gather [hbm4b:s18+s9], $0x80, $0x38;
	[tilespmem:$0x4F80] =	vst v63  }
0x77: {  	s26 =	rddreg [dreg:$0xc]  }
0x78: {  	[tilespmem:s2], [sflag:$0x1] =	stream.linear.gather [hbm4b:s26+s9], $0x80, $0x38;
	[tilespmem:$0x4F80] =	vst v63  }
0x79: {  	v1 =	vld [tilespmem:$0x1000]  }
0x7a: {  	v2 =	vld [tilespmem:$0x1010]  }
0x7b: {  	v3 =	vld [tilespmem:$0x1020]  }
0x7c: {  	v4 =	vld [tilespmem:$0x1030]  }
0x7d: {  	v5 =	vld [tilespmem:$0x1040]  }
0x7e: {  	v6 =	vld [tilespmem:$0x1050];
	v1 =	vmax.f32 v1, $3.000000120e-01  }
0x7f: {  	[tilespmem:$0x2700] =	vst v1;
	v1 =	vmax.f32 v2, $3.000000120e-01;
	v2 =	vld [tilespmem:$0x1060]  }
0x80: {  	[tilespmem:$0x2710] =	vst v1;
	v1 =	vmax.f32 v3, $3.000000120e-01;
	v3 =	vld [tilespmem:$0x1070]  }
0x81: {  	[tilespmem:$0x2720] =	vst v1;
	v1 =	vmax.f32 v4, $3.000000120e-01  }
0x82: {  	[tilespmem:$0x2730] =	vst v1;
	v1 =	vmax.f32 v5, $3.000000120e-01  }
0x83: {  	[tilespmem:$0x2740] =	vst v1;
	v1 =	vmax.f32 v6, $3.000000120e-01  }
0x84: {  	[tilespmem:$0x2750] =	vst v1;
	v1 =	vmax.f32 v2, $3.000000120e-01  }
0x85: {  	[tilespmem:$0x2760] =	vst v1;
	v1 =	vmax.f32 v3, $3.000000120e-01  }
0x86: {  	s10 =	simm.s32 $0x1080;
	s11 =	simm.s32 $0x1000;
	s12 =	simm.s32 $0x0;
	[tilespmem:$0x2770] =	vst v1  }
.LBB2_2:
0x87: {  	v1 =	vld [tilespmem:s10+$0x0];
	_ =	sdelay $0x4  }
0x88: {  	(v2sf) =	vpush v1, $0x0;
	_ =	sdelay $0xe  }
0x89: {  	s18 =	spop (v2sf)  }
0x8a: {  	s18 =	ssub.s32 s18, s15  }
0x8b: {  	p1 =	sgt.s32 s18, $0x0  }
0x8c: {  	p0 =	slt.u32 s18, $0x800;
	s18 =	simm.s32 @!p1 $0x0  }
0x8d: {  	vm2 =	vmmov vm0;
	s18 =	smin.u32 s18, $0x7FF  }
0x8e: {  	vm2 =	vmneg @p0 vm2;
	v1 =	vmov s18  }
0x8f: {  	vm2 =	vmand vm2, vm1;
	v1 =	vbroadcast v1, $0x0  }
0x90: {  	v2 =	vld.msk [tilespmem:s11+$0x0 ss:$0x0], $0xffff  }
0x91: {  	p0 =	sne.s32 s12, $0x63  }
.Ltmp0:
0x92: {  	_ = 	snop;
	(pc) =	sbr.rel @p0 .LBB2_2-.Ltmp0, $4  }
0x93: {  	_ = 	snop  }
0x94: {  	s26 =	simm.s32 $0x0  }
0x95: {  	s18 =	simm.s32 $0x800;
	[tilespmem:v1+s26+$0x0] =	vst.idx.msk vm2, v2;
	v2 =	vmov s12  }
0x96: {  	s11 =	sadd.s32 $0x1, s11;
	s10 =	sadd.s32 $0x1, s10;
	s12 =	sadd.s32 $0x1, s12;
	[tilespmem:v1+s18+$0x0] =	vst.idx.msk vm2, v2  }
0x97: {  	v1 =	vld [tilespmem:s18+$0x0];
	_ =	sdelay $0x7  }
0x98: {  	v2 =	vld.idx.msk [tilespmem:v1+s3+$0x0], $0xffff;
	_ =	sdelay $0x4  }
0x99: {  	(erf) = vrcp.f32 v2;
	_ =	sdelay $0x2  }
0x9a: {  	v2 =	vld [tilespmem:s26+$0x0];
	_ =	sdelay $0x2  }
0x9b: {  	v3 =	vld.idx.msk [tilespmem:v1+s24+$0x0], $0xffff;
	_ =	sdelay $0x1  }
0x9c: {  	vm2 =	vlt.f32 v2, $1.500000060e-01  }
0x9d: {  	v2 =	vsel vm2, $0x0, v2;
	v4 =	vpop (erf)  }
0x9e: {  	v2 =	vmul.f32 v4, v2  }
0x9f: {  	vm2 =	vlt.s32 v3, $0x1  }
0xa0: {  	s18 =	simm.s32 $0x2780;
	v3 =	vmov s26;
	v2 =	vsel vm2, $0x0, v2  }
0xa1: {  	[tilespmem:s18+$0x0] =	vst v2;
	v2 =	vshll.u32 v3, $0x2  }
0xa2: {  	v3 =	vld.idx.msk [tilespmem:v1+s19+$0x0], $0xffff;
	v2 =	vor.u32 v0, v2;
	_ =	sdelay $0x4  }
0xa3: {  	[tilespmem:v2+s4+$0x0] =	vst.idx.msk $0xffff, v3  }
0xa4: {  	v62 =	vor.u32 $0x1, v2;
	v3 =	vld.idx.msk [tilespmem:v1+s20+$0x0], $0xffff;
	_ =	sdelay $0x4  }
0xa5: {  	[tilespmem:v62+s4+$0x0] =	vst.idx.msk $0xffff, v3  }
0xa6: {  	v63 =	vor.u32 $0x2, v2;
	v3 =	vld.idx.msk [tilespmem:v1+s21+$0x0], $0xffff;
	_ =	sdelay $0x4  }
0xa7: {  	[tilespmem:v63+s4+$0x0] =	vst.idx.msk $0xffff, v3  }
0xa8: {  	v2 =	vor.u32 $0x3, v2;
	v1 =	vld.idx.msk [tilespmem:v1+s22+$0x0], $0xffff;
	_ =	sdelay $0x4  }
0xa9: {  	s26 =	simm.s32 $0x810;
	[tilespmem:v2+s4+$0x0] =	vst.idx.msk $0xffff, v1  }
0xaa: {  	s11 =	simm.s32 $0x10;
	s12 =	simm.s32 $0x20;
	s10 =	simm.s32 $0x10;
	v1 =	vld [tilespmem:s26+$0x0]  }
.LBB2_4:
0xab: {  	p0 =	sne.s32 s12, $0x7F0;
	v2 =	vld [tilespmem:s11+$0x0];
	_ =	sdelay $0x6  }
0xac: {  	v3 =	vld.idx.msk [tilespmem:v1+s3+$0x0], $0xffff;
	_ =	sdelay $0x5  }
0xad: {  	(erf) = vrcp.f32 v3;
	_ =	sdelay $0x4  }
0xae: {  	v3 =	vld.idx.msk [tilespmem:v1+s24+$0x0], $0xffff;
	_ =	sdelay $0x2  }
0xaf: {  	vm2 =	vlt.f32 v2, $1.500000060e-01  }
0xb0: {  	v2 =	vsel vm2, $0x0, v2;
	v4 =	vpop (erf)  }
0xb1: {  	v2 =	vmul.f32 v4, v2  }
0xb2: {  	vm2 =	vlt.s32 v3, $0x1  }
0xb3: {  	s18 =	sadd.s32 $0x10, s18;
	v2 =	vsel vm2, $0x0, v2  }
0xb4: {  	[tilespmem:s18+$0x0] =	vst v2;
	v2 =	vmov s10;
	s10 =	smov.u32 s12  }
0xb5: {  	v2 =	vshll.u32 v2, $0x2;
	v3 =	vld.idx.msk [tilespmem:v1+s19+$0x0], $0xffff  }
0xb6: {  	v2 =	vor.u32 v0, v2;
	_ =	sdelay $0x4  }
0xb7: {  	[tilespmem:v2+s4+$0x0] =	vst.idx.msk $0xffff, v3  }
0xb8: {  	v3 =	vld.idx.msk [tilespmem:v1+s20+$0x0], $0xffff  }
0xb9: {  	v4 =	vor.u32 $0x1, v2;
	_ =	sdelay $0x4  }
0xba: {  	[tilespmem:v4+s4+$0x0] =	vst.idx.msk $0xffff, v3  }
0xbb: {  	v3 =	vld.idx.msk [tilespmem:v1+s21+$0x0], $0xffff  }
0xbc: {  	v4 =	vor.u32 $0x2, v2;
	_ =	sdelay $0x4  }
0xbd: {  	[tilespmem:v4+s4+$0x0] =	vst.idx.msk $0xffff, v3  }
0xbe: {  	v1 =	vld.idx.msk [tilespmem:v1+s22+$0x0], $0xffff  }
0xbf: {  	v2 =	vor.u32 $0x3, v2;
	_ =	sdelay $0x1  }
.Ltmp1:
0xc0: {  	(pc) =	sbr.rel @p0 .LBB2_4-.Ltmp1, $3  }
0xc1: {  	_ =	sdelay $0x1  }
0xc2: {  	s26 =	sadd.s32 $0x10, s26;
	[tilespmem:v2+s4+$0x0] =	vst.idx.msk $0xffff, v1  }
0xc3: {  	s11 =	sadd.s32 $0x10, s11;
	s12 =	sadd.s32 $0x10, s12;
	v1 =	vld [tilespmem:s26+$0x0]  }
0xc4: {  	_ =	sdelay $0x7  }
0xc5: {  	v2 =	vld.idx.msk [tilespmem:v1+s3+$0x0], $0xffff;
	_ =	sdelay $0x4  }
0xc6: {  	(erf) = vrcp.f32 v2;
	_ =	sdelay $0x2  }
0xc7: {  	v2 =	vld [tilespmem:s11+$0x0];
	_ =	sdelay $0x2  }
0xc8: {  	v3 =	vld.idx.msk [tilespmem:v1+s24+$0x0], $0xffff;
	_ =	sdelay $0x1  }
0xc9: {  	vm2 =	vlt.f32 v2, $1.500000060e-01  }
0xca: {  	v2 =	vsel vm2, $0x0, v2;
	v4 =	vpop (erf)  }
0xcb: {  	v2 =	vmul.f32 v4, v2  }
0xcc: {  	vm2 =	vlt.s32 v3, $0x1  }
0xcd: {  	s26 =	sadd.s32 $0x10, s18;
	v3 =	vmov s10;
	v2 =	vsel vm2, $0x0, v2  }
0xce: {  	[tilespmem:s26+$0x0] =	vst v2;
	v2 =	vshll.u32 v3, $0x2  }
0xcf: {  	v3 =	vld.idx.msk [tilespmem:v1+s19+$0x0], $0xffff;
	v2 =	vor.u32 v0, v2;
	_ =	sdelay $0x4  }
0xd0: {  	[tilespmem:v2+s4+$0x0] =	vst.idx.msk $0xffff, v3  }
0xd1: {  	v61 =	vor.u32 $0x1, v2;
	v3 =	vld.idx.msk [tilespmem:v1+s20+$0x0], $0xffff;
	_ =	sdelay $0x4  }
0xd2: {  	[tilespmem:v61+s4+$0x0] =	vst.idx.msk $0xffff, v3  }
0xd3: {  	v62 =	vor.u32 $0x2, v2;
	v3 =	vld.idx.msk [tilespmem:v1+s21+$0x0], $0xffff;
	_ =	sdelay $0x4  }
0xd4: {  	[tilespmem:v62+s4+$0x0] =	vst.idx.msk $0xffff, v3  }
0xd5: {  	v2 =	vor.u32 $0x3, v2;
	v1 =	vld.idx.msk [tilespmem:v1+s22+$0x0], $0xffff;
	_ =	sdelay $0x2  }
0xd6: {  	s12 =	sld [smem:$0x7F1];
	_ =	sdelay $0x1  }
0xd7: {  	s18 =	sld [smem:$0x7FB];
	[tilespmem:v2+s4+$0x0] =	vst.idx.msk $0xffff, v1  }
0xd8: {  	[hbm4b:s12+s16] =	stream.strided.scatter [tilespmem:s5], [sflag:$0x1], $0x800, s17, s16, $0x38;
	[tilespmem:$0x4F80] =	vst v63  }
0xd9: {  	_ = 	snop  }
0xda: {  	[hbm4b:s18+s16] =	stream.strided.scatter [tilespmem:s4], [sflag:$0x1], $0x2000, s17, s16, $0x38;
	[tilespmem:$0x4F80] =	vst v63  }
0xdb: {  	_ =	swait.ge [sflag:s25], $0x800  }
0xdc: {  	[sflag:s25] =	ssyncset.done $0x0  }
0xdd: {  	[sflag:s25] =	ssyncadd.s32 $0xFFFFF800  }
0xde: {  	_ =	swait.ge [sflag:s25], $0x800  }
0xdf: {  	[sflag:s25] =	ssyncset.done $0x0  }
0xe0: {  	[sflag:s25] =	ssyncadd.s32 $0xFFFFF800  }
0xe1: {  	_ =	swait.ge [sflag:s25], $0x80  }
0xe2: {  	[sflag:s25] =	ssyncset.done $0x0  }
0xe3: {  	[sflag:s25] =	ssyncadd.s32 $0xFFFFFF80  }
0xe4: {  	_ =	swait.ge [sflag:s25], $0x80  }
0xe5: {  	[sflag:s25] =	ssyncset.done $0x0  }
0xe6: {  	[sflag:s25] =	ssyncadd.s32 $0xFFFFFF80  }
0xe7: {  	_ =	swait.ge [sflag:s25], $0x80  }
0xe8: {  	[sflag:s25] =	ssyncset.done $0x0  }
0xe9: {  	[sflag:s25] =	ssyncadd.s32 $0xFFFFFF80  }
0xea: {  	_ =	swait.ge [sflag:s25], $0x80  }
0xeb: {  	[sflag:s25] =	ssyncset.done $0x0  }
0xec: {  	[sflag:s25] =	ssyncadd.s32 $0xFFFFFF80  }
0xed: {  	_ =	swait.ge [sflag:s25], $0x80  }
0xee: {  	[sflag:s25] =	ssyncset.done $0x0  }
0xef: {  	[sflag:s25] =	ssyncadd.s32 $0xFFFFFF80  }
0xf0: {  	_ =	swait.ge [sflag:s25], $0x80  }
0xf1: {  	[sflag:s25] =	ssyncset.done $0x0  }
0xf2: {  	[sflag:s25] =	ssyncadd.s32 $0xFFFFFF80  }
0xf3: {  	_ =	swait.ge [sflag:s25], $0x80  }
0xf4: {  	s26 =	sld [smem:$0x7F5]  }
0xf5: {  	[sflag:s25] =	ssyncset.done $0x0  }
0xf6: {  	s10 =	simm.s32 $0x0;
	s12 =	sld [smem:$0x7F7];
	[sflag:s25] =	ssyncadd.s32 $0xFFFFFF80  }
0xf7: {  	[tilespmem:s10], [sflag:$0x1] =	stream.strided.gather [hbm4b:s26+s16], $0x800, s17, s16, $0x38;
	[tilespmem:$0x4F80] =	vst v63  }
0xf8: {  	_ = 	snop  }
0xf9: {  	[tilespmem:s28], [sflag:$0x1] =	stream.strided.gather [hbm4b:s12+s16], $0x800, s17, s16, $0x38;
	[tilespmem:$0x4F80] =	vst v63  }
0xfa: {  	s18 =	rddreg [dreg:$0xd]  }
0xfb: {  	[tilespmem:s6], [sflag:$0x1] =	stream.linear.gather [hbm4b:s18+s10], $0x80, $0x38;
	[tilespmem:$0x4F80] =	vst v63  }
0xfc: {  	s26 =	rddreg [dreg:$0xe]  }
0xfd: {  	[tilespmem:s7], [sflag:$0x1] =	stream.linear.gather [hbm4b:s26+s10], $0x80, $0x38;
	[tilespmem:$0x4F80] =	vst v63  }
0xfe: {  	s28 =	rddreg [dreg:$0x18]  }
0xff: {  	[tilespmem:s19], [sflag:$0x1] =	stream.linear.gather [hbm4b:s28+s10], $0x80, $0x38;
	[tilespmem:$0x4F80] =	vst v63  }
0x100: {  	s12 =	rddreg [dreg:$0x19]  }
0x101: {  	[tilespmem:s20], [sflag:$0x1] =	stream.linear.gather [hbm4b:s12+s10], $0x80, $0x38;
	[tilespmem:$0x4F80] =	vst v63  }
0x102: {  	s18 =	rddreg [dreg:$0x1a]  }
0x103: {  	[tilespmem:s21], [sflag:$0x1] =	stream.linear.gather [hbm4b:s18+s10], $0x80, $0x38;
	[tilespmem:$0x4F80] =	vst v63  }
0x104: {  	s26 =	rddreg [dreg:$0x1b]  }
0x105: {  	[tilespmem:s22], [sflag:$0x1] =	stream.linear.gather [hbm4b:s26+s10], $0x80, $0x38;
	[tilespmem:$0x4F80] =	vst v63  }
0x106: {  	s28 =	rddreg [dreg:$0xf]  }
0x107: {  	[tilespmem:s24], [sflag:$0x1] =	stream.linear.gather [hbm4b:s28+s10], $0x80, $0x38;
	[tilespmem:$0x4F80] =	vst v63  }
0x108: {  	_ =	swait.ge [sflag:s25], $0x800  }
0x109: {  	[sflag:s25] =	ssyncset.done $0x0  }
0x10a: {  	[sflag:s25] =	ssyncadd.s32 $0xFFFFF800  }
0x10b: {  	_ =	swait.ge [sflag:s25], $0x2000  }
0x10c: {  	[sflag:s25] =	ssyncset.done $0x0  }
0x10d: {  	[sflag:s25] =	ssyncadd.s32 $0xFFFFE000  }
0x10e: {  	v1 =	vld [tilespmem:$0x2380]  }
0x10f: {  	v2 =	vld [tilespmem:$0x2390]  }
0x110: {  	v3 =	vld [tilespmem:$0x23A0]  }
0x111: {  	v63 =	vld [tilespmem:$0x23B0]  }
0x112: {  	v5 =	vld [tilespmem:$0x23C0]  }
0x113: {  	v6 =	vld [tilespmem:$0x23D0];
	v1 =	vmax.f32 v1, $3.000000120e-01  }
0x114: {  	[tilespmem:$0x2700] =	vst v1;
	v1 =	vmax.f32 v2, $3.000000120e-01;
	v2 =	vld [tilespmem:$0x23E0]  }
0x115: {  	[tilespmem:$0x2710] =	vst v1;
	v1 =	vmax.f32 v3, $3.000000120e-01;
	v3 =	vld [tilespmem:$0x23F0]  }
0x116: {  	[tilespmem:$0x2720] =	vst v1;
	v1 =	vmax.f32 v63, $3.000000120e-01  }
0x117: {  	[tilespmem:$0x2730] =	vst v1;
	v1 =	vmax.f32 v5, $3.000000120e-01  }
0x118: {  	[tilespmem:$0x2740] =	vst v1;
	v1 =	vmax.f32 v6, $3.000000120e-01  }
0x119: {  	[tilespmem:$0x2750] =	vst v1;
	v1 =	vmax.f32 v2, $3.000000120e-01  }
0x11a: {  	[tilespmem:$0x2760] =	vst v1;
	v1 =	vmax.f32 v3, $3.000000120e-01  }
0x11b: {  	s11 =	simm.s32 $0x2380;
	s12 =	simm.s32 $0x2400;
	s18 =	simm.s32 $0x0;
	[tilespmem:$0x2770] =	vst v1  }
.LBB2_6:
0x11c: {  	v1 =	vld [tilespmem:s12+$0x0];
	_ =	sdelay $0x4  }
0x11d: {  	(v2sf) =	vpush v1, $0x0;
	_ =	sdelay $0xe  }
0x11e: {  	s26 =	spop (v2sf)  }
0x11f: {  	s26 =	ssub.s32 s26, s15  }
0x120: {  	p1 =	sgt.s32 s26, $0x0  }
0x121: {  	p0 =	slt.u32 s26, $0x800;
	s26 =	simm.s32 @!p1 $0x0  }
0x122: {  	vm2 =	vmmov vm0;
	s26 =	smin.u32 s26, $0x7FF  }
0x123: {  	vm2 =	vmneg @p0 vm2;
	v1 =	vmov s26  }
0x124: {  	vm2 =	vmand vm2, vm1;
	v1 =	vbroadcast v1, $0x0  }
0x125: {  	v2 =	vld.msk [tilespmem:s11+$0x0 ss:$0x0], $0xffff  }
0x126: {  	p0 =	sne.s32 s18, $0x63  }
.Ltmp2:
0x127: {  	_ = 	snop;
	(pc) =	sbr.rel @p0 .LBB2_6-.Ltmp2, $4  }
0x128: {  	_ = 	snop  }
0x129: {  	s26 =	simm.s32 $0x1380  }
0x12a: {  	s28 =	simm.s32 $0x1B80;
	[tilespmem:v1+s26+$0x0] =	vst.idx.msk vm2, v2;
	v2 =	vmov s18  }
0x12b: {  	s11 =	sadd.s32 $0x1, s11;
	s12 =	sadd.s32 $0x1, s12;
	s18 =	sadd.s32 $0x1, s18;
	[tilespmem:v1+s28+$0x0] =	vst.idx.msk vm2, v2  }
0x12c: {  	v1 =	vld [tilespmem:s28+$0x0];
	_ =	sdelay $0x7  }
0x12d: {  	v2 =	vld.idx.msk [tilespmem:v1+s3+$0x0], $0xffff;
	_ =	sdelay $0x4  }
0x12e: {  	(erf) = vrcp.f32 v2;
	_ =	sdelay $0x2  }
0x12f: {  	v2 =	vld [tilespmem:s26+$0x0];
	_ =	sdelay $0x2  }
0x130: {  	v3 =	vld.idx.msk [tilespmem:v1+s2+$0x0], $0xffff;
	_ =	sdelay $0x1  }
0x131: {  	vm2 =	vlt.f32 v2, $1.500000060e-01  }
0x132: {  	v2 =	vsel vm2, $0x0, v2;
	v4 =	vpop (erf)  }
0x133: {  	v2 =	vmul.f32 v4, v2  }
0x134: {  	vm2 =	vlt.s32 v3, $0x1  }
0x135: {  	s18 =	simm.s32 $0x2780;
	v3 =	vmov s10;
	v2 =	vsel vm2, $0x0, v2  }
0x136: {  	[tilespmem:s18+$0x0] =	vst v2;
	v2 =	vshll.u32 v3, $0x2  }
0x137: {  	v3 =	vld.idx.msk [tilespmem:v1+s31+$0x0], $0xffff;
	v2 =	vor.u32 v0, v2;
	_ =	sdelay $0x4  }
0x138: {  	[tilespmem:v2+s4+$0x0] =	vst.idx.msk $0xffff, v3  }
0x139: {  	v62 =	vor.u32 $0x1, v2;
	v3 =	vld.idx.msk [tilespmem:v1+s23+$0x0], $0xffff;
	_ =	sdelay $0x4  }
0x13a: {  	[tilespmem:v62+s4+$0x0] =	vst.idx.msk $0xffff, v3  }
0x13b: {  	v63 =	vor.u32 $0x2, v2;
	v3 =	vld.idx.msk [tilespmem:v1+s0+$0x0], $0xffff;
	_ =	sdelay $0x4  }
0x13c: {  	[tilespmem:v63+s4+$0x0] =	vst.idx.msk $0xffff, v3  }
0x13d: {  	v2 =	vor.u32 $0x3, v2;
	v1 =	vld.idx.msk [tilespmem:v1+s1+$0x0], $0xffff;
	_ =	sdelay $0x4  }
0x13e: {  	s11 =	simm.s32 $0x1B90;
	[tilespmem:v2+s4+$0x0] =	vst.idx.msk $0xffff, v1  }
0x13f: {  	s12 =	simm.s32 $0x20;
	s26 =	simm.s32 $0x1390;
	s10 =	simm.s32 $0x10;
	v1 =	vld [tilespmem:s11+$0x0]  }
.LBB2_8:
0x140: {  	p0 =	sne.s32 s12, $0x7F0;
	v2 =	vld [tilespmem:s26+$0x0];
	_ =	sdelay $0x6  }
0x141: {  	v3 =	vld.idx.msk [tilespmem:v1+s3+$0x0], $0xffff;
	_ =	sdelay $0x5  }
0x142: {  	(erf) = vrcp.f32 v3;
	_ =	sdelay $0x4  }
0x143: {  	v3 =	vld.idx.msk [tilespmem:v1+s2+$0x0], $0xffff;
	_ =	sdelay $0x2  }
0x144: {  	vm2 =	vlt.f32 v2, $1.500000060e-01  }
0x145: {  	v2 =	vsel vm2, $0x0, v2;
	v4 =	vpop (erf)  }
0x146: {  	v2 =	vmul.f32 v4, v2  }
0x147: {  	vm2 =	vlt.s32 v3, $0x1  }
0x148: {  	s18 =	sadd.s32 $0x10, s18;
	v2 =	vsel vm2, $0x0, v2  }
0x149: {  	[tilespmem:s18+$0x0] =	vst v2;
	v2 =	vmov s10;
	s10 =	smov.u32 s12  }
0x14a: {  	v2 =	vshll.u32 v2, $0x2;
	v3 =	vld.idx.msk [tilespmem:v1+s31+$0x0], $0xffff  }
0x14b: {  	v2 =	vor.u32 v0, v2;
	_ =	sdelay $0x4  }
0x14c: {  	[tilespmem:v2+s4+$0x0] =	vst.idx.msk $0xffff, v3  }
0x14d: {  	v3 =	vld.idx.msk [tilespmem:v1+s23+$0x0], $0xffff  }
0x14e: {  	v4 =	vor.u32 $0x1, v2;
	_ =	sdelay $0x4  }
0x14f: {  	[tilespmem:v4+s4+$0x0] =	vst.idx.msk $0xffff, v3  }
0x150: {  	v3 =	vld.idx.msk [tilespmem:v1+s0+$0x0], $0xffff  }
0x151: {  	v4 =	vor.u32 $0x2, v2;
	_ =	sdelay $0x4  }
0x152: {  	[tilespmem:v4+s4+$0x0] =	vst.idx.msk $0xffff, v3  }
0x153: {  	v1 =	vld.idx.msk [tilespmem:v1+s1+$0x0], $0xffff  }
0x154: {  	v2 =	vor.u32 $0x3, v2;
	_ =	sdelay $0x1  }
.Ltmp3:
0x155: {  	(pc) =	sbr.rel @p0 .LBB2_8-.Ltmp3, $3  }
0x156: {  	_ =	sdelay $0x1  }
0x157: {  	s11 =	sadd.s32 $0x10, s11;
	[tilespmem:v2+s4+$0x0] =	vst.idx.msk $0xffff, v1  }
0x158: {  	s26 =	sadd.s32 $0x10, s26;
	s12 =	sadd.s32 $0x10, s12;
	v1 =	vld [tilespmem:s11+$0x0]  }
0x159: {  	_ =	sdelay $0x7  }
0x15a: {  	v2 =	vld.idx.msk [tilespmem:v1+s3+$0x0], $0xffff;
	_ =	sdelay $0x4  }
0x15b: {  	(erf) = vrcp.f32 v2;
	_ =	sdelay $0x2  }
0x15c: {  	v2 =	vld [tilespmem:s26+$0x0];
	_ =	sdelay $0x2  }
0x15d: {  	v3 =	vld.idx.msk [tilespmem:v1+s2+$0x0], $0xffff;
	_ =	sdelay $0x1  }
0x15e: {  	vm2 =	vlt.f32 v2, $1.500000060e-01  }
0x15f: {  	v2 =	vsel vm2, $0x0, v2;
	v4 =	vpop (erf)  }
0x160: {  	v2 =	vmul.f32 v4, v2  }
0x161: {  	vm2 =	vlt.s32 v3, $0x1  }
0x162: {  	s11 =	sadd.s32 $0x10, s18;
	v3 =	vmov s10;
	v2 =	vsel vm2, $0x0, v2  }
0x163: {  	[tilespmem:s11+$0x0] =	vst v2;
	v2 =	vshll.u32 v3, $0x2  }
0x164: {  	v3 =	vld.idx.msk [tilespmem:v1+s31+$0x0], $0xffff;
	v2 =	vor.u32 v0, v2;
	_ =	sdelay $0x4  }
0x165: {  	[tilespmem:v2+s4+$0x0] =	vst.idx.msk $0xffff, v3  }
0x166: {  	v61 =	vor.u32 $0x1, v2;
	v3 =	vld.idx.msk [tilespmem:v1+s23+$0x0], $0xffff;
	_ =	sdelay $0x4  }
0x167: {  	[tilespmem:v61+s4+$0x0] =	vst.idx.msk $0xffff, v3  }
0x168: {  	v62 =	vor.u32 $0x2, v2;
	v3 =	vld.idx.msk [tilespmem:v1+s0+$0x0], $0xffff;
	_ =	sdelay $0x4  }
0x169: {  	[tilespmem:v62+s4+$0x0] =	vst.idx.msk $0xffff, v3  }
0x16a: {  	v2 =	vor.u32 $0x3, v2;
	v1 =	vld.idx.msk [tilespmem:v1+s1+$0x0], $0xffff;
	_ =	sdelay $0x2  }
0x16b: {  	s12 =	sld [smem:$0x7F4];
	_ =	sdelay $0x1  }
0x16c: {  	s18 =	sld [smem:$0x7FC];
	[tilespmem:v2+s4+$0x0] =	vst.idx.msk $0xffff, v1  }
0x16d: {  	[hbm4b:s12+s16] =	stream.strided.scatter [tilespmem:s5], [sflag:$0x1], $0x800, s17, s16, $0x38;
	[tilespmem:$0x4F80] =	vst v63  }
0x16e: {  	_ = 	snop  }
0x16f: {  	[hbm4b:s18+s16] =	stream.strided.scatter [tilespmem:s4], [sflag:$0x1], $0x2000, s17, s16, $0x38;
	[tilespmem:$0x4F80] =	vst v63  }
0x170: {  	_ =	swait.ge [sflag:s25], $0x800  }
0x171: {  	[sflag:s25] =	ssyncset.done $0x0  }
0x172: {  	[sflag:s25] =	ssyncadd.s32 $0xFFFFF800  }
0x173: {  	_ =	swait.ge [sflag:s25], $0x800  }
0x174: {  	[sflag:s25] =	ssyncset.done $0x0  }
0x175: {  	[sflag:s25] =	ssyncadd.s32 $0xFFFFF800  }
0x176: {  	_ =	swait.ge [sflag:s25], $0x80  }
0x177: {  	[sflag:s25] =	ssyncset.done $0x0  }
0x178: {  	[sflag:s25] =	ssyncadd.s32 $0xFFFFFF80  }
0x179: {  	_ =	swait.ge [sflag:s25], $0x80  }
0x17a: {  	[sflag:s25] =	ssyncset.done $0x0  }
0x17b: {  	[sflag:s25] =	ssyncadd.s32 $0xFFFFFF80  }
0x17c: {  	_ =	swait.ge [sflag:s25], $0x80  }
0x17d: {  	[sflag:s25] =	ssyncset.done $0x0  }
0x17e: {  	[sflag:s25] =	ssyncadd.s32 $0xFFFFFF80  }
0x17f: {  	_ =	swait.ge [sflag:s25], $0x80  }
0x180: {  	[sflag:s25] =	ssyncset.done $0x0  }
0x181: {  	[sflag:s25] =	ssyncadd.s32 $0xFFFFFF80  }
0x182: {  	_ =	swait.ge [sflag:s25], $0x80  }
0x183: {  	[sflag:s25] =	ssyncset.done $0x0  }
0x184: {  	[sflag:s25] =	ssyncadd.s32 $0xFFFFFF80  }
0x185: {  	_ =	swait.ge [sflag:s25], $0x80  }
0x186: {  	[sflag:s25] =	ssyncset.done $0x0  }
0x187: {  	[sflag:s25] =	ssyncadd.s32 $0xFFFFFF80  }
0x188: {  	_ =	swait.ge [sflag:s25], $0x80  }
0x189: {  	s26 =	sld [smem:$0x7F6]  }
0x18a: {  	[sflag:s25] =	ssyncset.done $0x0  }
0x18b: {  	s28 =	simm.s32 $0x1380;
	s11 =	sld [smem:$0x7F8];
	[sflag:s25] =	ssyncadd.s32 $0xFFFFFF80  }
0x18c: {  	[tilespmem:s28], [sflag:$0x1] =	stream.strided.gather [hbm4b:s26+s16], $0x800, s17, s16, $0x38;
	[tilespmem:$0x4F80] =	vst v63  }
0x18d: {  	s12 =	simm.s32 $0x1B80  }
0x18e: {  	[tilespmem:s12], [sflag:$0x1] =	stream.strided.gather [hbm4b:s11+s16], $0x800, s17, s16, $0x38;
	[tilespmem:$0x4F80] =	vst v63  }
0x18f: {  	s10 =	simm.s32 $0x0;
	s18 =	rddreg [dreg:$0x10]  }
0x190: {  	[tilespmem:s29], [sflag:$0x1] =	stream.linear.gather [hbm4b:s18+s10], $0x80, $0x38;
	[tilespmem:$0x4F80] =	vst v63  }
0x191: {  	s26 =	rddreg [dreg:$0x11]  }
0x192: {  	[tilespmem:s30], [sflag:$0x1] =	stream.linear.gather [hbm4b:s26+s10], $0x80, $0x38;
	[tilespmem:$0x4F80] =	vst v63  }
0x193: {  	s28 =	rddreg [dreg:$0x1f]  }
0x194: {  	[tilespmem:s31], [sflag:$0x1] =	stream.linear.gather [hbm4b:s28+s10], $0x80, $0x38;
	[tilespmem:$0x4F80] =	vst v63  }
0x195: {  	s12 =	rddreg [dreg:$0x1c]  }
0x196: {  	[tilespmem:s23], [sflag:$0x1] =	stream.linear.gather [hbm4b:s12+s10], $0x80, $0x38;
	[tilespmem:$0x4F80] =	vst v63  }
0x197: {  	s18 =	rddreg [dreg:$0x1d]  }
0x198: {  	[tilespmem:s0], [sflag:$0x1] =	stream.linear.gather [hbm4b:s18+s10], $0x80, $0x38;
	[tilespmem:$0x4F80] =	vst v63  }
0x199: {  	s26 =	rddreg [dreg:$0x1e]  }
0x19a: {  	[tilespmem:s1], [sflag:$0x1] =	stream.linear.gather [hbm4b:s26+s10], $0x80, $0x38;
	[tilespmem:$0x4F80] =	vst v63  }
0x19b: {  	s28 =	rddreg [dreg:$0x12]  }
0x19c: {  	[tilespmem:s2], [sflag:$0x1] =	stream.linear.gather [hbm4b:s28+s10], $0x80, $0x38;
	[tilespmem:$0x4F80] =	vst v63  }
0x19d: {  	_ =	swait.ge [sflag:s25], $0x800  }
0x19e: {  	[sflag:s25] =	ssyncset.done $0x0  }
0x19f: {  	[sflag:s25] =	ssyncadd.s32 $0xFFFFF800  }
0x1a0: {  	_ =	swait.ge [sflag:s25], $0x2000  }
0x1a1: {  	[sflag:s25] =	ssyncset.done $0x0  }
0x1a2: {  	[sflag:s25] =	ssyncadd.s32 $0xFFFFE000  }
0x1a3: {  	v1 =	vld [tilespmem:$0x1000]  }
0x1a4: {  	v2 =	vld [tilespmem:$0x1010]  }
0x1a5: {  	v3 =	vld [tilespmem:$0x1020]  }
0x1a6: {  	v63 =	vld [tilespmem:$0x1030]  }
0x1a7: {  	v5 =	vld [tilespmem:$0x1040]  }
0x1a8: {  	v6 =	vld [tilespmem:$0x1050];
	v1 =	vmax.f32 v1, $3.000000120e-01  }
0x1a9: {  	[tilespmem:$0x2700] =	vst v1;
	v1 =	vmax.f32 v2, $3.000000120e-01;
	v2 =	vld [tilespmem:$0x1060]  }
0x1aa: {  	[tilespmem:$0x2710] =	vst v1;
	v1 =	vmax.f32 v3, $3.000000120e-01;
	v3 =	vld [tilespmem:$0x1070]  }
0x1ab: {  	[tilespmem:$0x2720] =	vst v1;
	v1 =	vmax.f32 v63, $3.000000120e-01  }
0x1ac: {  	[tilespmem:$0x2730] =	vst v1;
	v1 =	vmax.f32 v5, $3.000000120e-01  }
0x1ad: {  	[tilespmem:$0x2740] =	vst v1;
	v1 =	vmax.f32 v6, $3.000000120e-01  }
0x1ae: {  	[tilespmem:$0x2750] =	vst v1;
	v1 =	vmax.f32 v2, $3.000000120e-01  }
0x1af: {  	[tilespmem:$0x2760] =	vst v1;
	v1 =	vmax.f32 v3, $3.000000120e-01  }
0x1b0: {  	s11 =	simm.s32 $0x1000;
	s12 =	simm.s32 $0x1080;
	s18 =	simm.s32 $0x0;
	[tilespmem:$0x2770] =	vst v1  }
.LBB2_10:
0x1b1: {  	v1 =	vld [tilespmem:s12+$0x0];
	_ =	sdelay $0x4  }
0x1b2: {  	(v2sf) =	vpush v1, $0x0;
	_ =	sdelay $0xe  }
0x1b3: {  	s26 =	spop (v2sf)  }
0x1b4: {  	s26 =	ssub.s32 s26, s15  }
0x1b5: {  	p1 =	sgt.s32 s26, $0x0  }
0x1b6: {  	p0 =	slt.u32 s26, $0x800;
	s26 =	simm.s32 @!p1 $0x0  }
0x1b7: {  	vm2 =	vmmov vm0;
	s26 =	smin.u32 s26, $0x7FF  }
0x1b8: {  	vm2 =	vmneg @p0 vm2;
	v1 =	vmov s26  }
0x1b9: {  	vm2 =	vmand vm2, vm1;
	v1 =	vbroadcast v1, $0x0  }
0x1ba: {  	v2 =	vld.msk [tilespmem:s11+$0x0 ss:$0x0], $0xffff  }
0x1bb: {  	p0 =	sne.s32 s18, $0x63  }
.Ltmp4:
0x1bc: {  	_ = 	snop;
	(pc) =	sbr.rel @p0 .LBB2_10-.Ltmp4, $3  }
0x1bd: {  	_ =	sdelay $0x1  }
0x1be: {  	s26 =	simm.s32 $0x800;
	[tilespmem:v1+s10+$0x0] =	vst.idx.msk vm2, v2;
	v2 =	vmov s18  }
0x1bf: {  	s11 =	sadd.s32 $0x1, s11;
	s12 =	sadd.s32 $0x1, s12;
	s18 =	sadd.s32 $0x1, s18;
	[tilespmem:v1+s26+$0x0] =	vst.idx.msk vm2, v2  }
0x1c0: {  	v1 =	vld [tilespmem:s26+$0x0];
	_ =	sdelay $0x7  }
0x1c1: {  	v2 =	vld.idx.msk [tilespmem:v1+s3+$0x0], $0xffff;
	_ =	sdelay $0x4  }
0x1c2: {  	(erf) = vrcp.f32 v2;
	_ =	sdelay $0x2  }
0x1c3: {  	v2 =	vld [tilespmem:s10+$0x0];
	_ =	sdelay $0x2  }
0x1c4: {  	v3 =	vld.idx.msk [tilespmem:v1+s24+$0x0], $0xffff;
	_ =	sdelay $0x1  }
0x1c5: {  	vm2 =	vlt.f32 v2, $1.500000060e-01  }
0x1c6: {  	v2 =	vsel vm2, $0x0, v2;
	v4 =	vpop (erf)  }
0x1c7: {  	v2 =	vmul.f32 v4, v2  }
0x1c8: {  	vm2 =	vlt.s32 v3, $0x1  }
0x1c9: {  	s18 =	simm.s32 $0x2780;
	v3 =	vmov s10;
	v2 =	vsel vm2, $0x0, v2  }
0x1ca: {  	[tilespmem:s18+$0x0] =	vst v2;
	v2 =	vshll.u32 v3, $0x2  }
0x1cb: {  	v3 =	vld.idx.msk [tilespmem:v1+s19+$0x0], $0xffff;
	v2 =	vor.u32 v0, v2;
	_ =	sdelay $0x4  }
0x1cc: {  	[tilespmem:v2+s4+$0x0] =	vst.idx.msk $0xffff, v3  }
0x1cd: {  	v62 =	vor.u32 $0x1, v2;
	v3 =	vld.idx.msk [tilespmem:v1+s20+$0x0], $0xffff;
	_ =	sdelay $0x4  }
0x1ce: {  	[tilespmem:v62+s4+$0x0] =	vst.idx.msk $0xffff, v3  }
0x1cf: {  	v63 =	vor.u32 $0x2, v2;
	v3 =	vld.idx.msk [tilespmem:v1+s21+$0x0], $0xffff;
	_ =	sdelay $0x4  }
0x1d0: {  	[tilespmem:v63+s4+$0x0] =	vst.idx.msk $0xffff, v3  }
0x1d1: {  	v2 =	vor.u32 $0x3, v2;
	v1 =	vld.idx.msk [tilespmem:v1+s22+$0x0], $0xffff;
	_ =	sdelay $0x4  }
0x1d2: {  	s26 =	simm.s32 $0x810;
	[tilespmem:v2+s4+$0x0] =	vst.idx.msk $0xffff, v1  }
0x1d3: {  	s11 =	simm.s32 $0x10;
	s12 =	simm.s32 $0x20;
	s10 =	simm.s32 $0x10;
	v1 =	vld [tilespmem:s26+$0x0]  }
.LBB2_12:
0x1d4: {  	p0 =	sne.s32 s12, $0x7F0;
	v2 =	vld [tilespmem:s11+$0x0];
	_ =	sdelay $0x6  }
0x1d5: {  	v3 =	vld.idx.msk [tilespmem:v1+s3+$0x0], $0xffff;
	_ =	sdelay $0x5  }
0x1d6: {  	(erf) = vrcp.f32 v3;
	_ =	sdelay $0x4  }
0x1d7: {  	v3 =	vld.idx.msk [tilespmem:v1+s24+$0x0], $0xffff;
	_ =	sdelay $0x2  }
0x1d8: {  	vm2 =	vlt.f32 v2, $1.500000060e-01  }
0x1d9: {  	v2 =	vsel vm2, $0x0, v2;
	v4 =	vpop (erf)  }
0x1da: {  	v2 =	vmul.f32 v4, v2  }
0x1db: {  	vm2 =	vlt.s32 v3, $0x1  }
0x1dc: {  	s18 =	sadd.s32 $0x10, s18;
	v2 =	vsel vm2, $0x0, v2  }
0x1dd: {  	[tilespmem:s18+$0x0] =	vst v2;
	v2 =	vmov s10;
	s10 =	smov.u32 s12  }
0x1de: {  	v2 =	vshll.u32 v2, $0x2;
	v3 =	vld.idx.msk [tilespmem:v1+s19+$0x0], $0xffff  }
0x1df: {  	v2 =	vor.u32 v0, v2;
	_ =	sdelay $0x4  }
0x1e0: {  	[tilespmem:v2+s4+$0x0] =	vst.idx.msk $0xffff, v3  }
0x1e1: {  	v3 =	vld.idx.msk [tilespmem:v1+s20+$0x0], $0xffff  }
0x1e2: {  	v4 =	vor.u32 $0x1, v2;
	_ =	sdelay $0x4  }
0x1e3: {  	[tilespmem:v4+s4+$0x0] =	vst.idx.msk $0xffff, v3  }
0x1e4: {  	v3 =	vld.idx.msk [tilespmem:v1+s21+$0x0], $0xffff  }
0x1e5: {  	v4 =	vor.u32 $0x2, v2;
	_ =	sdelay $0x4  }
0x1e6: {  	[tilespmem:v4+s4+$0x0] =	vst.idx.msk $0xffff, v3  }
0x1e7: {  	v1 =	vld.idx.msk [tilespmem:v1+s22+$0x0], $0xffff  }
0x1e8: {  	v2 =	vor.u32 $0x3, v2;
	_ =	sdelay $0x1  }
.Ltmp5:
0x1e9: {  	(pc) =	sbr.rel @p0 .LBB2_12-.Ltmp5, $3  }
0x1ea: {  	_ =	sdelay $0x1  }
0x1eb: {  	s26 =	sadd.s32 $0x10, s26;
	[tilespmem:v2+s4+$0x0] =	vst.idx.msk $0xffff, v1  }
0x1ec: {  	s11 =	sadd.s32 $0x10, s11;
	s12 =	sadd.s32 $0x10, s12;
	v1 =	vld [tilespmem:s26+$0x0]  }
0x1ed: {  	_ =	sdelay $0x7  }
0x1ee: {  	v2 =	vld.idx.msk [tilespmem:v1+s3+$0x0], $0xffff;
	_ =	sdelay $0x4  }
0x1ef: {  	(erf) = vrcp.f32 v2;
	_ =	sdelay $0x2  }
0x1f0: {  	v2 =	vld [tilespmem:s11+$0x0];
	_ =	sdelay $0x2  }
0x1f1: {  	v3 =	vld.idx.msk [tilespmem:v1+s24+$0x0], $0xffff;
	_ =	sdelay $0x1  }
0x1f2: {  	vm2 =	vlt.f32 v2, $1.500000060e-01  }
0x1f3: {  	v2 =	vsel vm2, $0x0, v2;
	v4 =	vpop (erf)  }
0x1f4: {  	v2 =	vmul.f32 v4, v2  }
0x1f5: {  	vm2 =	vlt.s32 v3, $0x1  }
0x1f6: {  	s18 =	sadd.s32 $0x10, s18;
	v3 =	vmov s10;
	v2 =	vsel vm2, $0x0, v2  }
0x1f7: {  	[tilespmem:s18+$0x0] =	vst v2;
	v2 =	vshll.u32 v3, $0x2  }
0x1f8: {  	v3 =	vld.idx.msk [tilespmem:v1+s19+$0x0], $0xffff;
	v2 =	vor.u32 v0, v2;
	_ =	sdelay $0x4  }
0x1f9: {  	[tilespmem:v2+s4+$0x0] =	vst.idx.msk $0xffff, v3  }
0x1fa: {  	v61 =	vor.u32 $0x1, v2;
	v3 =	vld.idx.msk [tilespmem:v1+s20+$0x0], $0xffff;
	_ =	sdelay $0x4  }
0x1fb: {  	[tilespmem:v61+s4+$0x0] =	vst.idx.msk $0xffff, v3  }
0x1fc: {  	v62 =	vor.u32 $0x2, v2;
	v3 =	vld.idx.msk [tilespmem:v1+s21+$0x0], $0xffff;
	_ =	sdelay $0x4  }
0x1fd: {  	[tilespmem:v62+s4+$0x0] =	vst.idx.msk $0xffff, v3  }
0x1fe: {  	v2 =	vor.u32 $0x3, v2;
	v1 =	vld.idx.msk [tilespmem:v1+s22+$0x0], $0xffff;
	_ =	sdelay $0x2  }
0x1ff: {  	s26 =	sld [smem:$0x7F9];
	_ =	sdelay $0x1  }
0x200: {  	s28 =	sld [smem:$0x7FD];
	[tilespmem:v2+s4+$0x0] =	vst.idx.msk $0xffff, v1  }
0x201: {  	[hbm4b:s26+s16] =	stream.strided.scatter [tilespmem:s5], [sflag:$0x1], $0x800, s17, s16, $0x38;
	[tilespmem:$0x4F80] =	vst v63  }
0x202: {  	_ = 	snop  }
0x203: {  	[hbm4b:s28+s16] =	stream.strided.scatter [tilespmem:s4], [sflag:$0x1], $0x2000, s17, s16, $0x38;
	[tilespmem:$0x4F80] =	vst v63  }
0x204: {  	_ =	swait.ge [sflag:s25], $0x800  }
0x205: {  	[sflag:s25] =	ssyncset.done $0x0  }
0x206: {  	[sflag:s25] =	ssyncadd.s32 $0xFFFFF800  }
0x207: {  	_ =	swait.ge [sflag:s25], $0x800  }
0x208: {  	[sflag:s25] =	ssyncset.done $0x0  }
0x209: {  	[sflag:s25] =	ssyncadd.s32 $0xFFFFF800  }
0x20a: {  	_ =	swait.ge [sflag:s25], $0x80  }
0x20b: {  	[sflag:s25] =	ssyncset.done $0x0  }
0x20c: {  	[sflag:s25] =	ssyncadd.s32 $0xFFFFFF80  }
0x20d: {  	_ =	swait.ge [sflag:s25], $0x80  }
0x20e: {  	[sflag:s25] =	ssyncset.done $0x0  }
0x20f: {  	[sflag:s25] =	ssyncadd.s32 $0xFFFFFF80  }
0x210: {  	_ =	swait.ge [sflag:s25], $0x80  }
0x211: {  	[sflag:s25] =	ssyncset.done $0x0  }
0x212: {  	[sflag:s25] =	ssyncadd.s32 $0xFFFFFF80  }
0x213: {  	_ =	swait.ge [sflag:s25], $0x80  }
0x214: {  	[sflag:s25] =	ssyncset.done $0x0  }
0x215: {  	[sflag:s25] =	ssyncadd.s32 $0xFFFFFF80  }
0x216: {  	_ =	swait.ge [sflag:s25], $0x80  }
0x217: {  	[sflag:s25] =	ssyncset.done $0x0  }
0x218: {  	[sflag:s25] =	ssyncadd.s32 $0xFFFFFF80  }
0x219: {  	_ =	swait.ge [sflag:s25], $0x80  }
0x21a: {  	[sflag:s25] =	ssyncset.done $0x0  }
0x21b: {  	[sflag:s25] =	ssyncadd.s32 $0xFFFFFF80  }
0x21c: {  	_ =	swait.ge [sflag:s25], $0x80  }
0x21d: {  	[sflag:s25] =	ssyncset.done $0x0  }
0x21e: {  	[sflag:s25] =	ssyncadd.s32 $0xFFFFFF80  }
0x21f: {  	_ =	swait.ge [sflag:s25], $0x800  }
0x220: {  	[sflag:s25] =	ssyncset.done $0x0  }
0x221: {  	[sflag:s25] =	ssyncadd.s32 $0xFFFFF800  }
0x222: {  	_ =	swait.ge [sflag:s25], $0x2000  }
0x223: {  	[sflag:s25] =	ssyncset.done $0x0  }
0x224: {  	[sflag:s25] =	ssyncadd.s32 $0xFFFFE000  }
0x225: {  	v1 =	vld [tilespmem:$0x2380]  }
0x226: {  	v2 =	vld [tilespmem:$0x2390]  }
0x227: {  	v3 =	vld [tilespmem:$0x23A0]  }
0x228: {  	v63 =	vld [tilespmem:$0x23B0]  }
0x229: {  	v5 =	vld [tilespmem:$0x23C0]  }
0x22a: {  	v6 =	vld [tilespmem:$0x23D0];
	v1 =	vmax.f32 v1, $3.000000120e-01  }
0x22b: {  	[tilespmem:$0x2700] =	vst v1;
	v1 =	vmax.f32 v2, $3.000000120e-01;
	v2 =	vld [tilespmem:$0x23E0]  }
0x22c: {  	[tilespmem:$0x2710] =	vst v1;
	v1 =	vmax.f32 v3, $3.000000120e-01;
	v3 =	vld [tilespmem:$0x23F0]  }
0x22d: {  	[tilespmem:$0x2720] =	vst v1;
	v1 =	vmax.f32 v63, $3.000000120e-01  }
0x22e: {  	[tilespmem:$0x2730] =	vst v1;
	v1 =	vmax.f32 v5, $3.000000120e-01  }
0x22f: {  	[tilespmem:$0x2740] =	vst v1;
	v1 =	vmax.f32 v6, $3.000000120e-01  }
0x230: {  	[tilespmem:$0x2750] =	vst v1;
	v1 =	vmax.f32 v2, $3.000000120e-01  }
0x231: {  	s12 =	simm.s32 $0x2400;
	[tilespmem:$0x2760] =	vst v1;
	v1 =	vmax.f32 v3, $3.000000120e-01  }
0x232: {  	s11 =	simm.s32 $0x2380;
	s10 =	simm.s32 $0x0;
	s18 =	simm.s32 $0x0;
	[tilespmem:$0x2770] =	vst v1  }
.LBB2_14:
0x233: {  	v1 =	vld [tilespmem:s12+$0x0];
	_ =	sdelay $0x4  }
0x234: {  	(v2sf) =	vpush v1, $0x0;
	_ =	sdelay $0xe  }
0x235: {  	s26 =	spop (v2sf)  }
0x236: {  	s26 =	ssub.s32 s26, s15  }
0x237: {  	p1 =	sgt.s32 s26, $0x0  }
0x238: {  	p0 =	slt.u32 s26, $0x800;
	s26 =	simm.s32 @!p1 $0x0  }
0x239: {  	vm2 =	vmmov vm0;
	s26 =	smin.u32 s26, $0x7FF  }
0x23a: {  	vm2 =	vmneg @p0 vm2;
	v1 =	vmov s26  }
0x23b: {  	vm2 =	vmand vm2, vm1;
	v1 =	vbroadcast v1, $0x0  }
0x23c: {  	v2 =	vld.msk [tilespmem:s11+$0x0 ss:$0x0], $0xffff  }
0x23d: {  	p0 =	sne.s32 s18, $0x63  }
.Ltmp6:
0x23e: {  	_ = 	snop;
	(pc) =	sbr.rel @p0 .LBB2_14-.Ltmp6, $4  }
0x23f: {  	_ = 	snop  }
0x240: {  	s26 =	simm.s32 $0x1380  }
0x241: {  	s28 =	simm.s32 $0x1B80;
	[tilespmem:v1+s26+$0x0] =	vst.idx.msk vm2, v2;
	v2 =	vmov s18  }
0x242: {  	s11 =	sadd.s32 $0x1, s11;
	s12 =	sadd.s32 $0x1, s12;
	s18 =	sadd.s32 $0x1, s18;
	[tilespmem:v1+s28+$0x0] =	vst.idx.msk vm2, v2  }
0x243: {  	v1 =	vld [tilespmem:s28+$0x0];
	_ =	sdelay $0x7  }
0x244: {  	v2 =	vld.idx.msk [tilespmem:v1+s3+$0x0], $0xffff;
	_ =	sdelay $0x4  }
0x245: {  	(erf) = vrcp.f32 v2;
	_ =	sdelay $0x2  }
0x246: {  	v2 =	vld [tilespmem:s26+$0x0];
	_ =	sdelay $0x2  }
0x247: {  	v3 =	vld.idx.msk [tilespmem:v1+s2+$0x0], $0xffff;
	_ =	sdelay $0x1  }
0x248: {  	vm2 =	vlt.f32 v2, $1.500000060e-01  }
0x249: {  	v2 =	vsel vm2, $0x0, v2;
	v4 =	vpop (erf)  }
0x24a: {  	v2 =	vmul.f32 v4, v2  }
0x24b: {  	vm2 =	vlt.s32 v3, $0x1  }
0x24c: {  	s18 =	simm.s32 $0x2780;
	v3 =	vmov s10;
	v2 =	vsel vm2, $0x0, v2  }
0x24d: {  	[tilespmem:s18+$0x0] =	vst v2;
	v2 =	vshll.u32 v3, $0x2  }
0x24e: {  	v3 =	vld.idx.msk [tilespmem:v1+s31+$0x0], $0xffff;
	v2 =	vor.u32 v0, v2;
	_ =	sdelay $0x4  }
0x24f: {  	[tilespmem:v2+s4+$0x0] =	vst.idx.msk $0xffff, v3  }
0x250: {  	v62 =	vor.u32 $0x1, v2;
	v3 =	vld.idx.msk [tilespmem:v1+s23+$0x0], $0xffff;
	_ =	sdelay $0x4  }
0x251: {  	[tilespmem:v62+s4+$0x0] =	vst.idx.msk $0xffff, v3  }
0x252: {  	v63 =	vor.u32 $0x2, v2;
	v3 =	vld.idx.msk [tilespmem:v1+s0+$0x0], $0xffff;
	_ =	sdelay $0x4  }
0x253: {  	[tilespmem:v63+s4+$0x0] =	vst.idx.msk $0xffff, v3  }
0x254: {  	v2 =	vor.u32 $0x3, v2;
	v1 =	vld.idx.msk [tilespmem:v1+s1+$0x0], $0xffff;
	_ =	sdelay $0x4  }
0x255: {  	s11 =	simm.s32 $0x1B90;
	[tilespmem:v2+s4+$0x0] =	vst.idx.msk $0xffff, v1  }
0x256: {  	s12 =	simm.s32 $0x20;
	s26 =	simm.s32 $0x1390;
	s10 =	simm.s32 $0x10;
	v1 =	vld [tilespmem:s11+$0x0]  }
.LBB2_16:
0x257: {  	p0 =	sne.s32 s12, $0x7F0;
	v2 =	vld [tilespmem:s26+$0x0];
	_ =	sdelay $0x6  }
0x258: {  	v3 =	vld.idx.msk [tilespmem:v1+s3+$0x0], $0xffff;
	_ =	sdelay $0x5  }
0x259: {  	(erf) = vrcp.f32 v3;
	_ =	sdelay $0x4  }
0x25a: {  	v3 =	vld.idx.msk [tilespmem:v1+s2+$0x0], $0xffff;
	_ =	sdelay $0x2  }
0x25b: {  	vm2 =	vlt.f32 v2, $1.500000060e-01  }
0x25c: {  	v2 =	vsel vm2, $0x0, v2;
	v4 =	vpop (erf)  }
0x25d: {  	v2 =	vmul.f32 v4, v2  }
0x25e: {  	vm2 =	vlt.s32 v3, $0x1  }
0x25f: {  	s18 =	sadd.s32 $0x10, s18;
	v2 =	vsel vm2, $0x0, v2  }
0x260: {  	[tilespmem:s18+$0x0] =	vst v2;
	v2 =	vmov s10;
	s10 =	smov.u32 s12  }
0x261: {  	v2 =	vshll.u32 v2, $0x2;
	v3 =	vld.idx.msk [tilespmem:v1+s31+$0x0], $0xffff  }
0x262: {  	v2 =	vor.u32 v0, v2;
	_ =	sdelay $0x4  }
0x263: {  	[tilespmem:v2+s4+$0x0] =	vst.idx.msk $0xffff, v3  }
0x264: {  	v3 =	vld.idx.msk [tilespmem:v1+s23+$0x0], $0xffff  }
0x265: {  	v4 =	vor.u32 $0x1, v2;
	_ =	sdelay $0x4  }
0x266: {  	[tilespmem:v4+s4+$0x0] =	vst.idx.msk $0xffff, v3  }
0x267: {  	v3 =	vld.idx.msk [tilespmem:v1+s0+$0x0], $0xffff  }
0x268: {  	v4 =	vor.u32 $0x2, v2;
	_ =	sdelay $0x4  }
0x269: {  	[tilespmem:v4+s4+$0x0] =	vst.idx.msk $0xffff, v3  }
0x26a: {  	v1 =	vld.idx.msk [tilespmem:v1+s1+$0x0], $0xffff  }
0x26b: {  	v2 =	vor.u32 $0x3, v2;
	_ =	sdelay $0x1  }
.Ltmp7:
0x26c: {  	(pc) =	sbr.rel @p0 .LBB2_16-.Ltmp7, $3  }
0x26d: {  	_ =	sdelay $0x1  }
0x26e: {  	s11 =	sadd.s32 $0x10, s11;
	[tilespmem:v2+s4+$0x0] =	vst.idx.msk $0xffff, v1  }
0x26f: {  	s26 =	sadd.s32 $0x10, s26;
	s12 =	sadd.s32 $0x10, s12;
	v1 =	vld [tilespmem:s11+$0x0]  }
0x270: {  	_ =	sdelay $0x7  }
0x271: {  	v2 =	vld.idx.msk [tilespmem:v1+s3+$0x0], $0xffff;
	_ =	sdelay $0x4  }
0x272: {  	(erf) = vrcp.f32 v2;
	_ =	sdelay $0x2  }
0x273: {  	v2 =	vld [tilespmem:s26+$0x0];
	_ =	sdelay $0x2  }
0x274: {  	v3 =	vld.idx.msk [tilespmem:v1+s2+$0x0], $0xffff;
	_ =	sdelay $0x1  }
0x275: {  	vm2 =	vlt.f32 v2, $1.500000060e-01  }
0x276: {  	v2 =	vsel vm2, $0x0, v2;
	v4 =	vpop (erf)  }
0x277: {  	v2 =	vmul.f32 v4, v2  }
0x278: {  	vm2 =	vlt.s32 v3, $0x1  }
0x279: {  	s11 =	sadd.s32 $0x10, s18;
	v3 =	vmov s10;
	v2 =	vsel vm2, $0x0, v2  }
0x27a: {  	[tilespmem:s11+$0x0] =	vst v2;
	v2 =	vshll.u32 v3, $0x2  }
0x27b: {  	v3 =	vld.idx.msk [tilespmem:v1+s31+$0x0], $0xffff;
	v2 =	vor.u32 v0, v2;
	_ =	sdelay $0x4  }
0x27c: {  	[tilespmem:v2+s4+$0x0] =	vst.idx.msk $0xffff, v3  }
0x27d: {  	v62 =	vor.u32 $0x1, v2;
	v3 =	vld.idx.msk [tilespmem:v1+s23+$0x0], $0xffff;
	_ =	sdelay $0x4  }
0x27e: {  	[tilespmem:v62+s4+$0x0] =	vst.idx.msk $0xffff, v3  }
0x27f: {  	v63 =	vor.u32 $0x2, v2;
	v3 =	vld.idx.msk [tilespmem:v1+s0+$0x0], $0xffff;
	_ =	sdelay $0x4  }
0x280: {  	[tilespmem:v63+s4+$0x0] =	vst.idx.msk $0xffff, v3  }
0x281: {  	v2 =	vor.u32 $0x3, v2;
	v1 =	vld.idx.msk [tilespmem:v1+s1+$0x0], $0xffff;
	_ =	sdelay $0x2  }
0x282: {  	s26 =	sld [smem:$0x7FA];
	_ =	sdelay $0x1  }
0x283: {  	[tilespmem:v2+s4+$0x0] =	vst.idx.msk $0xffff, v1  }
0x284: {  	[hbm4b:s26+s16] =	stream.strided.scatter [tilespmem:s5], [sflag:$0x1], $0x800, s17, s16, $0x38;
	[tilespmem:$0x4F80] =	vst v63  }
0x285: {  	s8 =	sadd.s32 $0x1, s8  }
0x286: {  	[hbm4b:s13+s16] =	stream.strided.scatter [tilespmem:s4], [sflag:$0x1], $0x2000, s17, s16, $0x38;
	[tilespmem:$0x4F80] =	vst v63  }
0x287: {  	p0 =	sne.s32 s8, s14;
	_ =	swait.ge [sflag:s25], $0x800  }
.Ltmp8:
0x288: {  	[sflag:s25] =	ssyncset.done $0x0;
	(pc) =	sbr.rel @p0 .LBB2_1-.Ltmp8, $4  }
0x289: {  	[sflag:s25] =	ssyncadd.s32 $0xFFFFF800  }
0x28a: {  	_ =	swait.ge [sflag:s25], $0x2000  }
0x28b: {  	[sflag:s25] =	ssyncset.done $0x0  }
0x28c: {  	s28 =	simm.s32 $0x800;
	[sflag:s25] =	ssyncadd.s32 $0xFFFFE000  }
0x28d: {  	_ =	sfence.sel $0x180000  }
0x28e: {  	[bflag:$0x0] =	sbarrier.arrive $0xFFFF  }
0x28f: {  	_ =	strace $0x90000047  }
0x290: {  	s0 =	stileid.u32;
	[bflag:$0x2] =	sbarrier.arrive $0xFFFF  }
0x291: {  	p0 =	sne.s32 s0, $0x0;
	s0 =	rddreg [dreg:$0x3]  }
0x292: {  	s0 =	sadd.s32 @!p0 $0x100000, s0  }
0x293: {  	[sflag:s0] =	ssyncadd.tile.s32 @!p0 $0x1;
	_ =	shalt  }
.Lfunc_end2:
_tile_overlayer_lowered:
.L_overlay_start_2:
0x294: {  	(tag) =	ssettag $0x2  }
0x295: {  	s0 =	rddreg [dreg:$0x0];
	s2 =	stileid.u32  }
0x296: {  	s1 =	rddreg [dreg:$0x1];
	p0 =	sne.s32 s2, $0x0  }
0x297: {  	s3 =	rddreg [dreg:$0x2];
	[bflag:$0x3] =	sbarrier.arrive $0xFFFF;
	s2 =	simm.s32 @!p0 $0x1C02  }
0x298: {  	[timem:s3], [sflag:s2] =	dma.local @!p0 [hbm:s0], s1  }
0x299: {  	s0 =	simm.s32 @!p0 $0x2  }
0x29a: {  	_ =	swait.ge @!p0 [sflag:s0], s1  }
0x29b: {  	s1 =	ssub.s32 @!p0 $0x0, s1;
	[sflag:s0] =	ssyncset.done @!p0 $0x0  }
0x29c: {  	[sflag:s0] =	ssyncadd.s32 @!p0 s1  }
0x29d: {  	[bflag:$0x3] =	sbarrier.arrive $0xFFFF  }
0x29e: {  	_ =	shalt  }

</sc_bundles>
